<compile_context>
chip_gen: v7x
topology: tpu7x:2x2x1
jax: 0.10.2.dev20260603
libtpu: 0.0.44.dev20260713+nightly
codegen_flags: <defaults>
</compile_context>

<pallas_src>
import jax
import jax.numpy as jnp
from jax import lax
from jax.experimental import pallas as pl
from jax.experimental.pallas import tpu as pltpu
from jax.experimental.pallas import tpu_sc as plsc

N = 10000
E = 320000
D = 128
NUM_GRAPHS = 64

CHUNK = 128
NUM_CHUNKS = E // CHUNK
NC = 2
NS = 16
NW = NC * NS
ROWS_A = 624
ROWS_LAST = N - ROWS_A * (NS - 1)

CPW = 80
HALF = CPW // 2
PAD_CHUNKS = NW * CPW


def _sc_aggregate_body(h_hbm, srcp_hbm, dstp_hbm, zero_hbm, out_hbm,
                       src_all, dst_all, rows0, rows1, agg_sh,
                       sem0, sem1, semi):
    c = lax.axis_index("c")
    s = lax.axis_index("s")
    wid = c * NS + s

    row0 = s * ROWS_A

    def _init(src_full):
        @pl.when(s < NS - 1)
        def _():
            pltpu.async_copy(src_full.at[pl.ds(row0, ROWS_A)],
                             agg_sh.at[pl.ds(row0, ROWS_A)], semi)

        @pl.when(s == NS - 1)
        def _():
            pltpu.async_copy(src_full.at[pl.ds(ROWS_A * (NS - 1), ROWS_LAST)],
                             agg_sh.at[pl.ds(ROWS_A * (NS - 1), ROWS_LAST)], semi)

    def _init_wait(src_full):
        @pl.when(s < NS - 1)
        def _():
            pltpu.make_async_copy(src_full.at[pl.ds(row0, ROWS_A)],
                                  agg_sh.at[pl.ds(row0, ROWS_A)], semi).wait()

        @pl.when(s == NS - 1)
        def _():
            pltpu.make_async_copy(
                src_full.at[pl.ds(ROWS_A * (NS - 1), ROWS_LAST)],
                agg_sh.at[pl.ds(ROWS_A * (NS - 1), ROWS_LAST)], semi).wait()

    @pl.when(c == 0)
    def _():
        _init(h_hbm)

    @pl.when(c != 0)
    def _():
        _init(zero_hbm)

    pltpu.sync_copy(
        srcp_hbm.at[pl.ds(pl.multiple_of(wid * CPW * CHUNK, CPW * CHUNK),
                          CPW * CHUNK)], src_all)
    pltpu.sync_copy(dstp_hbm.at[wid * 2], dst_all)

    count = jnp.minimum(CPW, NUM_CHUNKS - wid * CPW)

    def _desc(cid, rows, sem, make):
        off = pl.multiple_of(cid * CHUNK, CHUNK)
        f = pltpu.make_async_copy if make else pltpu.async_copy
        return f(h_hbm.at[src_all.at[pl.ds(off, CHUNK)]], rows, sem)

    def fire(cid, rows, sem):
        _desc(cid, rows, sem, make=False)

    def wait(cid, rows, sem):
        _desc(cid, rows, sem, make=True).wait()

    def prime(cbase, hcount):
        @pl.when(hcount > 0)
        def _():
            fire(cbase, rows0, sem0)
            fire(cbase + 1, rows1, sem1)

    prime(0, jnp.minimum(count, HALF))

    @pl.when(c == 0)
    def _():
        _init_wait(h_hbm)

    @pl.when(c != 0)
    def _():
        _init_wait(zero_hbm)

    plsc.subcore_barrier()

    for hh in (0, 1):
        hcount = jnp.clip(count - hh * HALF, 0, HALF)
        npairs = hcount // 2
        cbase = hh * HALF

        if hh > 0:
            prime(cbase, hcount)
            pltpu.sync_copy(dstp_hbm.at[wid * 2 + hh], dst_all)

        def body(g, carry, cbase=cbase, hcount=hcount):
            c0 = 2 * g
            c1 = c0 + 1
            wait(cbase + c0, rows0, sem0)
            pltpu.sync_copy(rows0, agg_sh.at[dst_all.at[c0]], add=True)

            @pl.when(c0 + 2 < hcount)
            def _():
                fire(cbase + c0 + 2, rows0, sem0)

            wait(cbase + c1, rows1, sem1)
            pltpu.sync_copy(rows1, agg_sh.at[dst_all.at[c1]], add=True)

            @pl.when(c1 + 2 < hcount)
            def _():
                fire(cbase + c1 + 2, rows1, sem1)

            return carry

        lax.fori_loop(0, npairs, body, 0)

    plsc.subcore_barrier()

    @pl.when(s < NS - 1)
    def _():
        pltpu.sync_copy(agg_sh.at[pl.ds(row0, ROWS_A)],
                        out_hbm.at[c, pl.ds(row0, ROWS_A)])

    @pl.when(s == NS - 1)
    def _():
        pltpu.sync_copy(agg_sh.at[pl.ds(ROWS_A * (NS - 1), ROWS_LAST)],
                        out_hbm.at[c, pl.ds(ROWS_A * (NS - 1), ROWS_LAST)])


_sc_aggregate = pl.kernel(
    _sc_aggregate_body,
    out_type=jax.ShapeDtypeStruct((NC, N, D), jnp.float32),
    mesh=plsc.VectorSubcoreMesh(core_axis_name="c", subcore_axis_name="s"),
    scratch_types=[
        pltpu.VMEM((CPW * CHUNK,), jnp.int32),
        pltpu.VMEM((HALF, CHUNK), jnp.int32),
        pltpu.VMEM((CHUNK, D), jnp.float32),
        pltpu.VMEM((CHUNK, D), jnp.float32),
        pltpu.VMEM_SHARED((N, D), jnp.float32),
        pltpu.SemaphoreType.DMA,
        pltpu.SemaphoreType.DMA,
        pltpu.SemaphoreType.DMA,
    ],
)


BLK = 2000
GRID = N // BLK


def _mlp_body(agg_ref, w1_ref, b1_ref, w2_ref, b2_ref, out_ref):
    m = agg_ref[0] + agg_ref[1]
    a = jnp.maximum(jnp.dot(m, w1_ref[...],
                            preferred_element_type=jnp.float32) + b1_ref[...], 0.0)
    o = jnp.dot(a, w2_ref[...], preferred_element_type=jnp.float32) + b2_ref[...]
    out_ref[...] = jnp.maximum(o, 0.0)


def _tc_mlp(agg, w1, b1, w2, b2):
    return pl.pallas_call(
        _mlp_body,
        grid=(GRID,),
        in_specs=[
            pl.BlockSpec((NC, BLK, D), lambda i: (0, i, 0)),
            pl.BlockSpec((D, D), lambda i: (0, 0)),
            pl.BlockSpec((1, D), lambda i: (0, 0)),
            pl.BlockSpec((D, D), lambda i: (0, 0)),
            pl.BlockSpec((1, D), lambda i: (0, 0)),
        ],
        out_specs=pl.BlockSpec((BLK, D), lambda i: (i, 0)),
        out_shape=jax.ShapeDtypeStruct((N, D), jnp.float32),
    )(agg, w1, b1, w2, b2)


def _final_body(agg_ref, batch_ref, w1_ref, b1_ref, w2_ref, b2_ref,
                lw1_ref, lb1_ref, lw2_ref, lb2_ref, out_ref, acc_ref):
    i = pl.program_id(0)

    @pl.when(i == 0)
    def _():
        acc_ref[...] = jnp.zeros_like(acc_ref)

    m = agg_ref[0] + agg_ref[1]
    a = jnp.maximum(jnp.dot(m, w1_ref[...],
                            preferred_element_type=jnp.float32) + b1_ref[...], 0.0)
    h = jnp.maximum(jnp.dot(a, w2_ref[...],
                            preferred_element_type=jnp.float32) + b2_ref[...], 0.0)

    bt = batch_ref[0, 0, :]
    gids = lax.broadcasted_iota(jnp.int32, (NUM_GRAPHS, BLK), 0)
    mask = (bt[None, :] == gids).astype(jnp.float32)
    acc_ref[...] += jnp.dot(mask, h, preferred_element_type=jnp.float32)

    @pl.when(i == GRID - 1)
    def _():
        p = acc_ref[...]
        z = jnp.maximum(jnp.dot(p, lw1_ref[...],
                                preferred_element_type=jnp.float32) + lb1_ref[...], 0.0)
        out_ref[...] = jnp.dot(z, lw2_ref[...],
                               preferred_element_type=jnp.float32) + lb2_ref[...]


def _tc_final(agg, batch3, w1, b1, w2, b2, lw1, lb1, lw2, lb2):
    return pl.pallas_call(
        _final_body,
        grid=(GRID,),
        in_specs=[
            pl.BlockSpec((NC, BLK, D), lambda i: (0, i, 0)),
            pl.BlockSpec((1, 1, BLK), lambda i: (i, 0, 0)),
            pl.BlockSpec((D, D), lambda i: (0, 0)),
            pl.BlockSpec((1, D), lambda i: (0, 0)),
            pl.BlockSpec((D, D), lambda i: (0, 0)),
            pl.BlockSpec((1, D), lambda i: (0, 0)),
            pl.BlockSpec((D, D), lambda i: (0, 0)),
            pl.BlockSpec((1, D), lambda i: (0, 0)),
            pl.BlockSpec((D, D), lambda i: (0, 0)),
            pl.BlockSpec((1, D), lambda i: (0, 0)),
        ],
        out_specs=pl.BlockSpec((NUM_GRAPHS, D), lambda i: (0, 0)),
        out_shape=jax.ShapeDtypeStruct((NUM_GRAPHS, D), jnp.float32),
        scratch_shapes=[pltpu.VMEM((NUM_GRAPHS, D), jnp.float32)],
    )(agg, batch3, w1, b1, w2, b2, lw1, lb1, lw2, lb2)


def kernel(x, edge_index, batch,
           conv0_w1, conv0_b1, conv0_w2, conv0_b2,
           conv1_w1, conv1_b1, conv1_w2, conv1_b2,
           conv2_w1, conv2_b1, conv2_w2, conv2_b2,
           lin_w1, lin_b1, lin_w2, lin_b2):
    zero = jnp.zeros((N, D), jnp.float32)
    batch3 = batch.reshape(GRID, 1, BLK)
    src_pad = jnp.pad(edge_index[0], (0, PAD_CHUNKS * CHUNK - E))
    dst_pad = jnp.pad(edge_index[1].reshape(NUM_CHUNKS, CHUNK),
                      ((0, PAD_CHUNKS - NUM_CHUNKS), (0, 0))
                      ).reshape(NW * 2, HALF, CHUNK)

    h = x
    convs = [(conv0_w1, conv0_b1, conv0_w2, conv0_b2),
             (conv1_w1, conv1_b1, conv1_w2, conv1_b2),
             (conv2_w1, conv2_b1, conv2_w2, conv2_b2)]

    for li, (w1, b1, w2, b2) in enumerate(convs):
        agg = _sc_aggregate(h, src_pad, dst_pad, zero)
        b1r = b1.reshape(1, D)
        b2r = b2.reshape(1, D)
        if li < 2:
            h = _tc_mlp(agg, w1, b1r, w2, b2r)
        else:
            out = _tc_final(agg, batch3, w1, b1r, w2, b2r,
                            lin_w1, lin_b1.reshape(1, D),
                            lin_w2, lin_b2.reshape(1, D))
    return (out, jnp.zeros((), dtype=out.dtype))

# --- scband reference (transcript-rebuilt; emitter-appended) ---
"""Pipeline reference for scband-gingraph-classifier-77704548319504 (READ-ONLY COPY).

The authoritative reference and input builder live on the scoring server;
editing this copy changes nothing except your own understanding.
"""

import jax, jax.numpy as jnp
import numpy as np

N = 10000
E = 320000
D_IN = 128
D_HID = 128
D_OUT = 128
NUM_LAYERS = 3
NUM_GRAPHS = 64


def setup_inputs(seed: int = 0) -> dict:
    key = jax.random.key(seed)
    ks = jax.random.split(key, 16)
    inp = {}
    inp["x"] = jax.random.normal(ks[0], (N, D_IN), dtype=jnp.float32)
    inp["edge_index"] = jax.random.randint(ks[1], (2, E), 0, N, dtype=jnp.int32)
    inp["batch"] = jnp.sort(jax.random.randint(ks[2], (N,), 0, NUM_GRAPHS, dtype=jnp.int32))
    ki = 3
    for i in range(NUM_LAYERS):
        din = D_IN if i == 0 else D_HID
        inp[f"conv{i}_w1"] = jax.random.normal(ks[ki], (din, D_HID), dtype=jnp.float32) * (1.0 / np.sqrt(din)); ki += 1
        inp[f"conv{i}_b1"] = jnp.zeros((D_HID,), dtype=jnp.float32)
        inp[f"conv{i}_w2"] = jax.random.normal(ks[ki], (D_HID, D_HID), dtype=jnp.float32) * (1.0 / np.sqrt(D_HID)); ki += 1
        inp[f"conv{i}_b2"] = jnp.zeros((D_HID,), dtype=jnp.float32)
    inp["lin_w1"] = jax.random.normal(ks[ki], (D_HID, D_HID), dtype=jnp.float32) * (1.0 / np.sqrt(D_HID)); ki += 1
    inp["lin_b1"] = jnp.zeros((D_HID,), dtype=jnp.float32)
    inp["lin_w2"] = jax.random.normal(ks[ki], (D_HID, D_OUT), dtype=jnp.float32) * (1.0 / np.sqrt(D_HID)); ki += 1
    inp["lin_b2"] = jnp.zeros((D_OUT,), dtype=jnp.float32)
    return inp


def reference(x, edge_index, batch,
              conv0_w1, conv0_b1, conv0_w2, conv0_b2,
              conv1_w1, conv1_b1, conv1_w2, conv1_b2,
              conv2_w1, conv2_b1, conv2_w2, conv2_b2,
              lin_w1, lin_b1, lin_w2, lin_b2):
    src = edge_index[0]
    dst = edge_index[1]
    convs = [(conv0_w1, conv0_b1, conv0_w2, conv0_b2),
             (conv1_w1, conv1_b1, conv1_w2, conv1_b2),
             (conv2_w1, conv2_b1, conv2_w2, conv2_b2)]
    h = x
    for (w1, b1, w2, b2) in convs:
        # GINConv (eps=0): mlp((1+eps)*x + sum_{j in N(i)} x_j)
        agg = jnp.zeros_like(h).at[dst].add(h[src])
        m = h + agg
        m = jnp.maximum(m @ w1 + b1, 0.0) @ w2 + b2
        # F.relu after conv; dropout is identity in eval
        h = jnp.maximum(m, 0.0)
    pooled = jax.ops.segment_sum(h, batch, num_segments=NUM_GRAPHS)
    out = jnp.maximum(pooled @ lin_w1 + lin_b1, 0.0) @ lin_w2 + lin_b2
    return (out, jnp.zeros((), dtype=out.dtype))

if __name__ == "__main__":
    import jax
    _d = setup_inputs()
    print(jax.jit(kernel)(*tuple(_d.values())))

</pallas_src>

<mosaic_0001>
#map = affine_map<(d0, d1) -> (0, 0)>
#map1 = affine_map<(d0, d1) -> (0)>
#map2 = affine_map<(d0, d1) -> (0, 0, 0)>
module attributes {stable_mosaic.version = 14 : i64} {
  func.func @_sc_aggregate_body(%arg0: i32, %arg1: i32, %arg2: memref<10000x128xf32, #tpu.memory_space<hbm>>, %arg3: memref<327680xi32, #tpu.memory_space<hbm>>, %arg4: memref<64x40x128xi32, #tpu.memory_space<hbm>>, %arg5: memref<10000x128xf32, #tpu.memory_space<hbm>>, %arg6: memref<2x10000x128xf32, #tpu.memory_space<hbm>>, %arg7: memref<10240xi32, #tpu.memory_space<vmem>>, %arg8: memref<40x128xi32, #tpu.memory_space<vmem>>, %arg9: memref<128x128xf32, #tpu.memory_space<vmem>>, %arg10: memref<128x128xf32, #tpu.memory_space<vmem>>, %arg11: memref<10000x128xf32, #tpu.memory_space<vmem_shared>>, %arg12: memref<!tpu.dma_semaphore, #tpu.memory_space<semaphore_mem>>, %arg13: memref<!tpu.dma_semaphore, #tpu.memory_space<semaphore_mem>>, %arg14: memref<!tpu.dma_semaphore, #tpu.memory_space<semaphore_mem>>) attributes {dimension_semantics = [#tpu.dimension_semantics<core_parallel>, #tpu.dimension_semantics<subcore_parallel>], iteration_bounds = array<i64: 2, 16>, scalar_prefetch = 0 : i64, scratch_operands = 8 : i64, tpu.core_type = #tpu.core_type<sc_vector_subcore>, window_params = [{transform_indices = #map}, {transform_indices = #map1}, {transform_indices = #map2}, {transform_indices = #map}, {transform_indices = #map2}]} {
    %mul3A = arith.constant 16 : i32
    %mul3A_0 = arith.muli %arg0, %mul3A : i32
    %add3A = arith.addi %mul3A_0, %arg1 : i32
    %mul3A_1 = arith.constant 624 : i32
    %mul3A_2 = arith.muli %arg1, %mul3A_1 : i32
    %eq3A = arith.constant 0 : i32
    %eq3A_3 = arith.cmpi eq, %arg0, %eq3A : i32
    %convert_element_type3A = arith.extui %eq3A_3 : i1 to i32
    %cond3A = arith.constant 0 : i32
    %cond3A_4 = arith.cmpi ne, %convert_element_type3A, %cond3A : i32
    scf.if %cond3A_4 {
      %lt3A_126 = arith.constant 15 : i32
      %lt3A_127 = arith.cmpi slt, %arg1, %lt3A_126 : i32
      %convert_element_type3A_128 = arith.extui %lt3A_127 : i1 to i32
      %cond3A_129 = arith.constant 0 : i32
      %cond3A_130 = arith.cmpi ne, %convert_element_type3A_128, %cond3A_129 : i32
      scf.if %cond3A_130 {
        %dma_start3A = arith.constant 0 : i32
        %dma_start3A_136 = tpu.memref_slice %arg11[%mul3A_2, %dma_start3A] : memref<10000x128xf32, #tpu.memory_space<vmem_shared>> -> memref<624x128xf32, #tpu.memory_space<vmem_shared>>
        %dma_start3A_137 = arith.constant 0 : i32
        %dma_start3A_138 = tpu.memref_slice %arg2[%mul3A_2, %dma_start3A_137] : memref<10000x128xf32, #tpu.memory_space<hbm>> -> memref<624x128xf32, #tpu.memory_space<hbm>>
        tpu.enqueue_dma source(%dma_start3A_138 : memref<624x128xf32, #tpu.memory_space<hbm>>) target(%dma_start3A_136 : memref<624x128xf32, #tpu.memory_space<vmem_shared>>) target_semaphore(%arg14 : memref<!tpu.dma_semaphore, #tpu.memory_space<semaphore_mem>>)
      } else {
      }
      %eq3A_131 = arith.constant 15 : i32
      %eq3A_132 = arith.cmpi eq, %arg1, %eq3A_131 : i32
      %convert_element_type3A_133 = arith.extui %eq3A_132 : i1 to i32
      %cond3A_134 = arith.constant 0 : i32
      %cond3A_135 = arith.cmpi ne, %convert_element_type3A_133, %cond3A_134 : i32
      scf.if %cond3A_135 {
        %dma_start3A = arith.constant 9360 : i32
        %dma_start3A_136 = arith.constant 0 : i32
        %dma_start3A_137 = tpu.memref_slice %arg11[%dma_start3A, %dma_start3A_136] : memref<10000x128xf32, #tpu.memory_space<vmem_shared>> -> memref<640x128xf32, #tpu.memory_space<vmem_shared>>
        %dma_start3A_138 = arith.constant 9360 : i32
        %dma_start3A_139 = arith.constant 0 : i32
        %dma_start3A_140 = tpu.memref_slice %arg2[%dma_start3A_138, %dma_start3A_139] : memref<10000x128xf32, #tpu.memory_space<hbm>> -> memref<640x128xf32, #tpu.memory_space<hbm>>
        tpu.enqueue_dma source(%dma_start3A_140 : memref<640x128xf32, #tpu.memory_space<hbm>>) target(%dma_start3A_137 : memref<640x128xf32, #tpu.memory_space<vmem_shared>>) target_semaphore(%arg14 : memref<!tpu.dma_semaphore, #tpu.memory_space<semaphore_mem>>)
      } else {
      }
    } else {
    }
    %ne3A = arith.constant 0 : i32
    %ne3A_5 = arith.cmpi ne, %arg0, %ne3A : i32
    %convert_element_type3A_6 = arith.extui %ne3A_5 : i1 to i32
    %cond3A_7 = arith.constant 0 : i32
    %cond3A_8 = arith.cmpi ne, %convert_element_type3A_6, %cond3A_7 : i32
    scf.if %cond3A_8 {
      %lt3A_126 = arith.constant 15 : i32
      %lt3A_127 = arith.cmpi slt, %arg1, %lt3A_126 : i32
      %convert_element_type3A_128 = arith.extui %lt3A_127 : i1 to i32
      %cond3A_129 = arith.constant 0 : i32
      %cond3A_130 = arith.cmpi ne, %convert_element_type3A_128, %cond3A_129 : i32
      scf.if %cond3A_130 {
        %dma_start3A = arith.constant 0 : i32
        %dma_start3A_136 = tpu.memref_slice %arg11[%mul3A_2, %dma_start3A] : memref<10000x128xf32, #tpu.memory_space<vmem_shared>> -> memref<624x128xf32, #tpu.memory_space<vmem_shared>>
        %dma_start3A_137 = arith.constant 0 : i32
        %dma_start3A_138 = tpu.memref_slice %arg5[%mul3A_2, %dma_start3A_137] : memref<10000x128xf32, #tpu.memory_space<hbm>> -> memref<624x128xf32, #tpu.memory_space<hbm>>
        tpu.enqueue_dma source(%dma_start3A_138 : memref<624x128xf32, #tpu.memory_space<hbm>>) target(%dma_start3A_136 : memref<624x128xf32, #tpu.memory_space<vmem_shared>>) target_semaphore(%arg14 : memref<!tpu.dma_semaphore, #tpu.memory_space<semaphore_mem>>)
      } else {
      }
      %eq3A_131 = arith.constant 15 : i32
      %eq3A_132 = arith.cmpi eq, %arg1, %eq3A_131 : i32
      %convert_element_type3A_133 = arith.extui %eq3A_132 : i1 to i32
      %cond3A_134 = arith.constant 0 : i32
      %cond3A_135 = arith.cmpi ne, %convert_element_type3A_133, %cond3A_134 : i32
      scf.if %cond3A_135 {
        %dma_start3A = arith.constant 9360 : i32
        %dma_start3A_136 = arith.constant 0 : i32
        %dma_start3A_137 = tpu.memref_slice %arg11[%dma_start3A, %dma_start3A_136] : memref<10000x128xf32, #tpu.memory_space<vmem_shared>> -> memref<640x128xf32, #tpu.memory_space<vmem_shared>>
        %dma_start3A_138 = arith.constant 9360 : i32
        %dma_start3A_139 = arith.constant 0 : i32
        %dma_start3A_140 = tpu.memref_slice %arg5[%dma_start3A_138, %dma_start3A_139] : memref<10000x128xf32, #tpu.memory_space<hbm>> -> memref<640x128xf32, #tpu.memory_space<hbm>>
        tpu.enqueue_dma source(%dma_start3A_140 : memref<640x128xf32, #tpu.memory_space<hbm>>) target(%dma_start3A_137 : memref<640x128xf32, #tpu.memory_space<vmem_shared>>) target_semaphore(%arg14 : memref<!tpu.dma_semaphore, #tpu.memory_space<semaphore_mem>>)
      } else {
      }
    } else {
    }
    %mul3A_9 = arith.constant 80 : i32
    %mul3A_10 = arith.muli %add3A, %mul3A_9 : i32
    %mul3A_11 = arith.constant 128 : i32
    %mul3A_12 = arith.muli %mul3A_10, %mul3A_11 : i32
    %multiple_of3A = tpu.assume_multiple %mul3A_12, 10240 : i32
    "tpu.region"() ({
      %run_scoped3A = tpu.sem_alloc : memref<!tpu.dma_semaphore, #tpu.memory_space<semaphore_mem>>
      %dma_start3A = tpu.memref_slice %arg3[%multiple_of3A] : memref<327680xi32, #tpu.memory_space<hbm>> -> memref<10240xi32, #tpu.memory_space<hbm>>
      %dma_start3A_126 = tpu.memref_slice %arg3[%multiple_of3A] : memref<327680xi32, #tpu.memory_space<hbm>> -> memref<10240xi32, #tpu.memory_space<hbm>>
      tpu.enqueue_dma source(%dma_start3A_126 : memref<10240xi32, #tpu.memory_space<hbm>>) target(%arg7 : memref<10240xi32, #tpu.memory_space<vmem>>) target_semaphore(%run_scoped3A : memref<!tpu.dma_semaphore, #tpu.memory_space<semaphore_mem>>)
      %dma_wait3A = tpu.memref_slice %arg3[%multiple_of3A] : memref<327680xi32, #tpu.memory_space<hbm>> -> memref<10240xi32, #tpu.memory_space<hbm>>
      %dma_wait3A_127 = tpu.memref_slice %arg3[%multiple_of3A] : memref<327680xi32, #tpu.memory_space<hbm>> -> memref<10240xi32, #tpu.memory_space<hbm>>
      tpu.wait_dma2 semaphore(%run_scoped3A : memref<!tpu.dma_semaphore, #tpu.memory_space<semaphore_mem>>) src(%dma_wait3A_127 : memref<10240xi32, #tpu.memory_space<hbm>>) dst(%arg7 : memref<10240xi32, #tpu.memory_space<vmem>>)
      tpu.yield
    }) : () -> ()
    %mul3A_13 = arith.constant 2 : i32
    %mul3A_14 = arith.muli %add3A, %mul3A_13 : i32
    "tpu.region"() ({
      %run_scoped3A = tpu.sem_alloc : memref<!tpu.dma_semaphore, #tpu.memory_space<semaphore_mem>>
      %dma_start3A = arith.constant 0 : i32
      %dma_start3A_126 = arith.constant 0 : i32
      %dma_start3A_127 = tpu.memref_slice %arg4[%mul3A_14, %dma_start3A, %dma_start3A_126] : memref<64x40x128xi32, #tpu.memory_space<hbm>> -> memref<1x40x128xi32, #tpu.memory_space<hbm>>
      %dma_start3A_128 = tpu.memref_squeeze %dma_start3A_127 : memref<1x40x128xi32, #tpu.memory_space<hbm>> -> memref<40x128xi32, #tpu.memory_space<hbm>>
      %dma_start3A_129 = arith.constant 0 : i32
      %dma_start3A_130 = arith.constant 0 : i32
      %dma_start3A_131 = tpu.memref_slice %arg4[%mul3A_14, %dma_start3A_129, %dma_start3A_130] : memref<64x40x128xi32, #tpu.memory_space<hbm>> -> memref<1x40x128xi32, #tpu.memory_space<hbm>>
      %dma_start3A_132 = tpu.memref_squeeze %dma_start3A_131 : memref<1x40x128xi32, #tpu.memory_space<hbm>> -> memref<40x128xi32, #tpu.memory_space<hbm>>
      tpu.enqueue_dma source(%dma_start3A_132 : memref<40x128xi32, #tpu.memory_space<hbm>>) target(%arg8 : memref<40x128xi32, #tpu.memory_space<vmem>>) target_semaphore(%run_scoped3A : memref<!tpu.dma_semaphore, #tpu.memory_space<semaphore_mem>>)
      %dma_wait3A = arith.constant 0 : i32
      %dma_wait3A_133 = arith.constant 0 : i32
      %dma_wait3A_134 = tpu.memref_slice %arg4[%mul3A_14, %dma_wait3A, %dma_wait3A_133] : memref<64x40x128xi32, #tpu.memory_space<hbm>> -> memref<1x40x128xi32, #tpu.memory_space<hbm>>
      %dma_wait3A_135 = tpu.memref_squeeze %dma_wait3A_134 : memref<1x40x128xi32, #tpu.memory_space<hbm>> -> memref<40x128xi32, #tpu.memory_space<hbm>>
      %dma_wait3A_136 = arith.constant 0 : i32
      %dma_wait3A_137 = arith.constant 0 : i32
      %dma_wait3A_138 = tpu.memref_slice %arg4[%mul3A_14, %dma_wait3A_136, %dma_wait3A_137] : memref<64x40x128xi32, #tpu.memory_space<hbm>> -> memref<1x40x128xi32, #tpu.memory_space<hbm>>
      %dma_wait3A_139 = tpu.memref_squeeze %dma_wait3A_138 : memref<1x40x128xi32, #tpu.memory_space<hbm>> -> memref<40x128xi32, #tpu.memory_space<hbm>>
      tpu.wait_dma2 semaphore(%run_scoped3A : memref<!tpu.dma_semaphore, #tpu.memory_space<semaphore_mem>>) src(%dma_wait3A_139 : memref<40x128xi32, #tpu.memory_space<hbm>>) dst(%arg8 : memref<40x128xi32, #tpu.memory_space<vmem>>)
      tpu.yield
    }) : () -> ()
    %mul3A_15 = arith.constant 80 : i32
    %mul3A_16 = arith.muli %add3A, %mul3A_15 : i32
    %sub3A = arith.constant 2500 : i32
    %sub3A_17 = arith.subi %sub3A, %mul3A_16 : i32
    %min3A = arith.constant 80 : i32
    %min3A_18 = arith.minsi %min3A, %sub3A_17 : i32
    %min3A_19 = arith.constant 40 : i32
    %min3A_20 = arith.minsi %min3A_18, %min3A_19 : i32
    %gt3A = arith.constant 0 : i32
    %gt3A_21 = arith.cmpi sgt, %min3A_20, %gt3A : i32
    %convert_element_type3A_22 = arith.extui %gt3A_21 : i1 to i32
    %cond3A_23 = arith.constant 0 : i32
    %cond3A_24 = arith.cmpi ne, %convert_element_type3A_22, %cond3A_23 : i32
    scf.if %cond3A_24 {
      %multiple_of3A_126 = arith.constant 0 : i32
      %multiple_of3A_127 = tpu.assume_multiple %multiple_of3A_126, 128 : i32
      %dma_start3A = tpu.memref_slice %arg7[%multiple_of3A_127] : memref<10240xi32, #tpu.memory_space<vmem>> -> memref<128xi32, #tpu.memory_space<vmem>>
      %dma_start3A_128 = arith.constant 0 : i32
      %dma_start3A_129 = arith.constant 0 : i32
      %dma_start3A_130 = tpu.memref_slice %arg2[%dma_start3A_128, %dma_start3A_129] : memref<10000x128xf32, #tpu.memory_space<hbm>> -> memref<10000x128xf32, #tpu.memory_space<hbm>>
      tpu.enqueue_indirect_dma source(%dma_start3A_130 : memref<10000x128xf32, #tpu.memory_space<hbm>>) target(%arg9 : memref<128x128xf32, #tpu.memory_space<vmem>>) offsets(%dma_start3A : memref<128xi32, #tpu.memory_space<vmem>>) semaphore(%arg12 : memref<!tpu.dma_semaphore, #tpu.memory_space<semaphore_mem>>)
      %multiple_of3A_131 = arith.constant 128 : i32
      %multiple_of3A_132 = tpu.assume_multiple %multiple_of3A_131, 128 : i32
      %dma_start3A_133 = tpu.memref_slice %arg7[%multiple_of3A_132] : memref<10240xi32, #tpu.memory_space<vmem>> -> memref<128xi32, #tpu.memory_space<vmem>>
      %dma_start3A_134 = arith.constant 0 : i32
      %dma_start3A_135 = arith.constant 0 : i32
      %dma_start3A_136 = tpu.memref_slice %arg2[%dma_start3A_134, %dma_start3A_135] : memref<10000x128xf32, #tpu.memory_space<hbm>> -> memref<10000x128xf32, #tpu.memory_space<hbm>>
      tpu.enqueue_indirect_dma source(%dma_start3A_136 : memref<10000x128xf32, #tpu.memory_space<hbm>>) target(%arg10 : memref<128x128xf32, #tpu.memory_space<vmem>>) offsets(%dma_start3A_133 : memref<128xi32, #tpu.memory_space<vmem>>) semaphore(%arg13 : memref<!tpu.dma_semaphore, #tpu.memory_space<semaphore_mem>>)
    } else {
    }
    %eq3A_25 = arith.constant 0 : i32
    %eq3A_26 = arith.cmpi eq, %arg0, %eq3A_25 : i32
    %convert_element_type3A_27 = arith.extui %eq3A_26 : i1 to i32
    %cond3A_28 = arith.constant 0 : i32
    %cond3A_29 = arith.cmpi ne, %convert_element_type3A_27, %cond3A_28 : i32
    scf.if %cond3A_29 {
      %lt3A_126 = arith.constant 15 : i32
      %lt3A_127 = arith.cmpi slt, %arg1, %lt3A_126 : i32
      %convert_element_type3A_128 = arith.extui %lt3A_127 : i1 to i32
      %cond3A_129 = arith.constant 0 : i32
      %cond3A_130 = arith.cmpi ne, %convert_element_type3A_128, %cond3A_129 : i32
      scf.if %cond3A_130 {
        %dma_wait3A = arith.constant 0 : i32
        %dma_wait3A_136 = tpu.memref_slice %arg11[%mul3A_2, %dma_wait3A] : memref<10000x128xf32, #tpu.memory_space<vmem_shared>> -> memref<624x128xf32, #tpu.memory_space<vmem_shared>>
        %dma_wait3A_137 = arith.constant 0 : i32
        %dma_wait3A_138 = tpu.memref_slice %arg2[%mul3A_2, %dma_wait3A_137] : memref<10000x128xf32, #tpu.memory_space<hbm>> -> memref<624x128xf32, #tpu.memory_space<hbm>>
        tpu.wait_dma2 semaphore(%arg14 : memref<!tpu.dma_semaphore, #tpu.memory_space<semaphore_mem>>) src(%dma_wait3A_138 : memref<624x128xf32, #tpu.memory_space<hbm>>) dst(%dma_wait3A_136 : memref<624x128xf32, #tpu.memory_space<vmem_shared>>)
      } else {
      }
      %eq3A_131 = arith.constant 15 : i32
      %eq3A_132 = arith.cmpi eq, %arg1, %eq3A_131 : i32
      %convert_element_type3A_133 = arith.extui %eq3A_132 : i1 to i32
      %cond3A_134 = arith.constant 0 : i32
      %cond3A_135 = arith.cmpi ne, %convert_element_type3A_133, %cond3A_134 : i32
      scf.if %cond3A_135 {
        %dma_wait3A = arith.constant 9360 : i32
        %dma_wait3A_136 = arith.constant 0 : i32
        %dma_wait3A_137 = tpu.memref_slice %arg11[%dma_wait3A, %dma_wait3A_136] : memref<10000x128xf32, #tpu.memory_space<vmem_shared>> -> memref<640x128xf32, #tpu.memory_space<vmem_shared>>
        %dma_wait3A_138 = arith.constant 9360 : i32
        %dma_wait3A_139 = arith.constant 0 : i32
        %dma_wait3A_140 = tpu.memref_slice %arg2[%dma_wait3A_138, %dma_wait3A_139] : memref<10000x128xf32, #tpu.memory_space<hbm>> -> memref<640x128xf32, #tpu.memory_space<hbm>>
        tpu.wait_dma2 semaphore(%arg14 : memref<!tpu.dma_semaphore, #tpu.memory_space<semaphore_mem>>) src(%dma_wait3A_140 : memref<640x128xf32, #tpu.memory_space<hbm>>) dst(%dma_wait3A_137 : memref<640x128xf32, #tpu.memory_space<vmem_shared>>)
      } else {
      }
    } else {
    }
    %ne3A_30 = arith.constant 0 : i32
    %ne3A_31 = arith.cmpi ne, %arg0, %ne3A_30 : i32
    %convert_element_type3A_32 = arith.extui %ne3A_31 : i1 to i32
    %cond3A_33 = arith.constant 0 : i32
    %cond3A_34 = arith.cmpi ne, %convert_element_type3A_32, %cond3A_33 : i32
    scf.if %cond3A_34 {
      %lt3A_126 = arith.constant 15 : i32
      %lt3A_127 = arith.cmpi slt, %arg1, %lt3A_126 : i32
      %convert_element_type3A_128 = arith.extui %lt3A_127 : i1 to i32
      %cond3A_129 = arith.constant 0 : i32
      %cond3A_130 = arith.cmpi ne, %convert_element_type3A_128, %cond3A_129 : i32
      scf.if %cond3A_130 {
        %dma_wait3A = arith.constant 0 : i32
        %dma_wait3A_136 = tpu.memref_slice %arg11[%mul3A_2, %dma_wait3A] : memref<10000x128xf32, #tpu.memory_space<vmem_shared>> -> memref<624x128xf32, #tpu.memory_space<vmem_shared>>
        %dma_wait3A_137 = arith.constant 0 : i32
        %dma_wait3A_138 = tpu.memref_slice %arg5[%mul3A_2, %dma_wait3A_137] : memref<10000x128xf32, #tpu.memory_space<hbm>> -> memref<624x128xf32, #tpu.memory_space<hbm>>
        tpu.wait_dma2 semaphore(%arg14 : memref<!tpu.dma_semaphore, #tpu.memory_space<semaphore_mem>>) src(%dma_wait3A_138 : memref<624x128xf32, #tpu.memory_space<hbm>>) dst(%dma_wait3A_136 : memref<624x128xf32, #tpu.memory_space<vmem_shared>>)
      } else {
      }
      %eq3A_131 = arith.constant 15 : i32
      %eq3A_132 = arith.cmpi eq, %arg1, %eq3A_131 : i32
      %convert_element_type3A_133 = arith.extui %eq3A_132 : i1 to i32
      %cond3A_134 = arith.constant 0 : i32
      %cond3A_135 = arith.cmpi ne, %convert_element_type3A_133, %cond3A_134 : i32
      scf.if %cond3A_135 {
        %dma_wait3A = arith.constant 9360 : i32
        %dma_wait3A_136 = arith.constant 0 : i32
        %dma_wait3A_137 = tpu.memref_slice %arg11[%dma_wait3A, %dma_wait3A_136] : memref<10000x128xf32, #tpu.memory_space<vmem_shared>> -> memref<640x128xf32, #tpu.memory_space<vmem_shared>>
        %dma_wait3A_138 = arith.constant 9360 : i32
        %dma_wait3A_139 = arith.constant 0 : i32
        %dma_wait3A_140 = tpu.memref_slice %arg5[%dma_wait3A_138, %dma_wait3A_139] : memref<10000x128xf32, #tpu.memory_space<hbm>> -> memref<640x128xf32, #tpu.memory_space<hbm>>
        tpu.wait_dma2 semaphore(%arg14 : memref<!tpu.dma_semaphore, #tpu.memory_space<semaphore_mem>>) src(%dma_wait3A_140 : memref<640x128xf32, #tpu.memory_space<hbm>>) dst(%dma_wait3A_137 : memref<640x128xf32, #tpu.memory_space<vmem_shared>>)
      } else {
      }
    } else {
    }
    %barrier3A = arith.constant 0 : index
    tpu.barrier barrier_id(%barrier3A)
    %sub3A_35 = arith.constant 0 : i32
    %sub3A_36 = arith.subi %min3A_18, %sub3A_35 : i32
    %jit3A = arith.constant 0 : i32
    %jit3A_37 = arith.constant 40 : i32
    %max3A = arith.maxsi %jit3A, %sub3A_36 : i32
    %min3A_38 = arith.minsi %jit3A_37, %max3A : i32
    %jit3A_39 = arith.constant 2 : i32
    %div3A = arith.divsi %min3A_38, %jit3A_39 : i32
    %sign3A = arith.constant 0 : i32
    %sign3A_40 = arith.cmpi sgt, %min3A_38, %sign3A : i32
    %sign3A_41 = arith.extui %sign3A_40 : i1 to i32
    %sign3A_42 = arith.constant 0 : i32
    %sign3A_43 = arith.cmpi slt, %min3A_38, %sign3A_42 : i32
    %sign3A_44 = arith.extui %sign3A_43 : i1 to i32
    %sign3A_45 = arith.subi %sign3A_41, %sign3A_44 : i32
    %sign3A_46 = arith.constant 0 : i32
    %sign3A_47 = arith.cmpi sgt, %jit3A_39, %sign3A_46 : i32
    %sign3A_48 = arith.extui %sign3A_47 : i1 to i32
    %sign3A_49 = arith.constant 0 : i32
    %sign3A_50 = arith.cmpi slt, %jit3A_39, %sign3A_49 : i32
    %sign3A_51 = arith.extui %sign3A_50 : i1 to i32
    %sign3A_52 = arith.subi %sign3A_48, %sign3A_51 : i32
    %ne3A_53 = arith.cmpi ne, %sign3A_45, %sign3A_52 : i32
    %rem3A = arith.remsi %min3A_38, %jit3A_39 : i32
    %ne3A_54 = arith.constant 0 : i32
    %ne3A_55 = arith.cmpi ne, %rem3A, %ne3A_54 : i32
    %and3A = arith.andi %ne3A_53, %ne3A_55 : i1
    %sub3A_56 = arith.constant 1 : i32
    %sub3A_57 = arith.subi %div3A, %sub3A_56 : i32
    %select_n3A = arith.select %and3A, %sub3A_57, %div3A : i32
    %while3A = arith.constant 0 : i32
    %while3A_58 = arith.constant 0 : i32
    %while3A_59 = arith.subi %select_n3A, %while3A_58 : i32
    %while3A_60 = arith.addi %while3A_58, %while3A_59 : i32
    %while3A_61 = arith.constant 1 : i32
    %while3A_62 = arith.divsi %while3A_59, %while3A_61 : i32
    %while3A_63 = arith.muli %while3A_62, %while3A_61 : i32
    %while3A_64 = arith.addi %while3A_58, %while3A_63 : i32
    %while3A_65 = arith.constant 1 : i32
    scf.for %while3A_126 = %while3A_58 to %while3A_64 step %while3A_65  : i32 {
      %mul3A_127 = arith.constant 2 : i32
      %mul3A_128 = arith.muli %mul3A_127, %while3A_126 : i32
      %add3A_129 = arith.constant 1 : i32
      %add3A_130 = arith.addi %mul3A_128, %add3A_129 : i32
      %add3A_131 = arith.constant 0 : i32
      %add3A_132 = arith.addi %add3A_131, %mul3A_128 : i32
      %mul3A_133 = arith.constant 128 : i32
      %mul3A_134 = arith.muli %add3A_132, %mul3A_133 : i32
      %multiple_of3A_135 = tpu.assume_multiple %mul3A_134, 128 : i32
      %dma_wait3A = tpu.memref_slice %arg7[%multiple_of3A_135] : memref<10240xi32, #tpu.memory_space<vmem>> -> memref<128xi32, #tpu.memory_space<vmem>>
      %dma_wait3A_136 = arith.constant 0 : i32
      %dma_wait3A_137 = arith.constant 0 : i32
      %dma_wait3A_138 = tpu.memref_slice %arg2[%dma_wait3A_136, %dma_wait3A_137] : memref<10000x128xf32, #tpu.memory_space<hbm>> -> memref<10000x128xf32, #tpu.memory_space<hbm>>
      tpu.wait_indirect_dma semaphore(%arg12 : memref<!tpu.dma_semaphore, #tpu.memory_space<semaphore_mem>>) src(%dma_wait3A_138 : memref<10000x128xf32, #tpu.memory_space<hbm>>) dst(%arg9 : memref<128x128xf32, #tpu.memory_space<vmem>>)
      "tpu.region"() ({
        %run_scoped3A = tpu.sem_alloc : memref<!tpu.dma_semaphore, #tpu.memory_space<semaphore_mem>>
        %dma_start3A = arith.constant 0 : i32
        %dma_start3A_160 = tpu.memref_slice %arg8[%mul3A_128, %dma_start3A] : memref<40x128xi32, #tpu.memory_space<vmem>> -> memref<1x128xi32, #tpu.memory_space<vmem>>
        %dma_start3A_161 = tpu.memref_squeeze %dma_start3A_160 : memref<1x128xi32, #tpu.memory_space<vmem>> -> memref<128xi32, #tpu.memory_space<vmem>>
        %dma_start3A_162 = arith.constant 0 : i32
        %dma_start3A_163 = arith.constant 0 : i32
        %dma_start3A_164 = tpu.memref_slice %arg11[%dma_start3A_162, %dma_start3A_163] : memref<10000x128xf32, #tpu.memory_space<vmem_shared>> -> memref<10000x128xf32, #tpu.memory_space<vmem_shared>>
        tpu.enqueue_indirect_dma source(%arg9 : memref<128x128xf32, #tpu.memory_space<vmem>>) target(%dma_start3A_164 : memref<10000x128xf32, #tpu.memory_space<vmem_shared>>) offsets(%dma_start3A_161 : memref<128xi32, #tpu.memory_space<vmem>>) semaphore(%run_scoped3A : memref<!tpu.dma_semaphore, #tpu.memory_space<semaphore_mem>>) {add = true}
        %dma_wait3A_165 = arith.constant 0 : i32
        %dma_wait3A_166 = tpu.memref_slice %arg8[%mul3A_128, %dma_wait3A_165] : memref<40x128xi32, #tpu.memory_space<vmem>> -> memref<1x128xi32, #tpu.memory_space<vmem>>
        %dma_wait3A_167 = tpu.memref_squeeze %dma_wait3A_166 : memref<1x128xi32, #tpu.memory_space<vmem>> -> memref<128xi32, #tpu.memory_space<vmem>>
        %dma_wait3A_168 = arith.constant 0 : i32
        %dma_wait3A_169 = arith.constant 0 : i32
        %dma_wait3A_170 = tpu.memref_slice %arg11[%dma_wait3A_168, %dma_wait3A_169] : memref<10000x128xf32, #tpu.memory_space<vmem_shared>> -> memref<10000x128xf32, #tpu.memory_space<vmem_shared>>
        tpu.wait_indirect_dma semaphore(%run_scoped3A : memref<!tpu.dma_semaphore, #tpu.memory_space<semaphore_mem>>) src(%arg9 : memref<128x128xf32, #tpu.memory_space<vmem>>) dst(%dma_wait3A_170 : memref<10000x128xf32, #tpu.memory_space<vmem_shared>>)
        tpu.yield
      }) : () -> ()
      %add3A_139 = arith.constant 2 : i32
      %add3A_140 = arith.addi %mul3A_128, %add3A_139 : i32
      %lt3A_141 = arith.cmpi slt, %add3A_140, %min3A_38 : i32
      %convert_element_type3A_142 = arith.extui %lt3A_141 : i1 to i32
      %cond3A_143 = arith.constant 0 : i32
      %cond3A_144 = arith.cmpi ne, %convert_element_type3A_142, %cond3A_143 : i32
      scf.if %cond3A_144 {
        %add3A_160 = arith.constant 0 : i32
        %add3A_161 = arith.addi %add3A_160, %mul3A_128 : i32
        %add3A_162 = arith.constant 2 : i32
        %add3A_163 = arith.addi %add3A_161, %add3A_162 : i32
        %mul3A_164 = arith.constant 128 : i32
        %mul3A_165 = arith.muli %add3A_163, %mul3A_164 : i32
        %multiple_of3A_166 = tpu.assume_multiple %mul3A_165, 128 : i32
        %dma_start3A = tpu.memref_slice %arg7[%multiple_of3A_166] : memref<10240xi32, #tpu.memory_space<vmem>> -> memref<128xi32, #tpu.memory_space<vmem>>
        %dma_start3A_167 = arith.constant 0 : i32
        %dma_start3A_168 = arith.constant 0 : i32
        %dma_start3A_169 = tpu.memref_slice %arg2[%dma_start3A_167, %dma_start3A_168] : memref<10000x128xf32, #tpu.memory_space<hbm>> -> memref<10000x128xf32, #tpu.memory_space<hbm>>
        tpu.enqueue_indirect_dma source(%dma_start3A_169 : memref<10000x128xf32, #tpu.memory_space<hbm>>) target(%arg9 : memref<128x128xf32, #tpu.memory_space<vmem>>) offsets(%dma_start3A : memref<128xi32, #tpu.memory_space<vmem>>) semaphore(%arg12 : memref<!tpu.dma_semaphore, #tpu.memory_space<semaphore_mem>>)
      } else {
      }
      %add3A_145 = arith.constant 0 : i32
      %add3A_146 = arith.addi %add3A_145, %add3A_130 : i32
      %mul3A_147 = arith.constant 128 : i32
      %mul3A_148 = arith.muli %add3A_146, %mul3A_147 : i32
      %multiple_of3A_149 = tpu.assume_multiple %mul3A_148, 128 : i32
      %dma_wait3A_150 = tpu.memref_slice %arg7[%multiple_of3A_149] : memref<10240xi32, #tpu.memory_space<vmem>> -> memref<128xi32, #tpu.memory_space<vmem>>
      %dma_wait3A_151 = arith.constant 0 : i32
      %dma_wait3A_152 = arith.constant 0 : i32
      %dma_wait3A_153 = tpu.memref_slice %arg2[%dma_wait3A_151, %dma_wait3A_152] : memref<10000x128xf32, #tpu.memory_space<hbm>> -> memref<10000x128xf32, #tpu.memory_space<hbm>>
      tpu.wait_indirect_dma semaphore(%arg13 : memref<!tpu.dma_semaphore, #tpu.memory_space<semaphore_mem>>) src(%dma_wait3A_153 : memref<10000x128xf32, #tpu.memory_space<hbm>>) dst(%arg10 : memref<128x128xf32, #tpu.memory_space<vmem>>)
      "tpu.region"() ({
        %run_scoped3A = tpu.sem_alloc : memref<!tpu.dma_semaphore, #tpu.memory_space<semaphore_mem>>
        %dma_start3A = arith.constant 0 : i32
        %dma_start3A_160 = tpu.memref_slice %arg8[%add3A_130, %dma_start3A] : memref<40x128xi32, #tpu.memory_space<vmem>> -> memref<1x128xi32, #tpu.memory_space<vmem>>
        %dma_start3A_161 = tpu.memref_squeeze %dma_start3A_160 : memref<1x128xi32, #tpu.memory_space<vmem>> -> memref<128xi32, #tpu.memory_space<vmem>>
        %dma_start3A_162 = arith.constant 0 : i32
        %dma_start3A_163 = arith.constant 0 : i32
        %dma_start3A_164 = tpu.memref_slice %arg11[%dma_start3A_162, %dma_start3A_163] : memref<10000x128xf32, #tpu.memory_space<vmem_shared>> -> memref<10000x128xf32, #tpu.memory_space<vmem_shared>>
        tpu.enqueue_indirect_dma source(%arg10 : memref<128x128xf32, #tpu.memory_space<vmem>>) target(%dma_start3A_164 : memref<10000x128xf32, #tpu.memory_space<vmem_shared>>) offsets(%dma_start3A_161 : memref<128xi32, #tpu.memory_space<vmem>>) semaphore(%run_scoped3A : memref<!tpu.dma_semaphore, #tpu.memory_space<semaphore_mem>>) {add = true}
        %dma_wait3A_165 = arith.constant 0 : i32
        %dma_wait3A_166 = tpu.memref_slice %arg8[%add3A_130, %dma_wait3A_165] : memref<40x128xi32, #tpu.memory_space<vmem>> -> memref<1x128xi32, #tpu.memory_space<vmem>>
        %dma_wait3A_167 = tpu.memref_squeeze %dma_wait3A_166 : memref<1x128xi32, #tpu.memory_space<vmem>> -> memref<128xi32, #tpu.memory_space<vmem>>
        %dma_wait3A_168 = arith.constant 0 : i32
        %dma_wait3A_169 = arith.constant 0 : i32
        %dma_wait3A_170 = tpu.memref_slice %arg11[%dma_wait3A_168, %dma_wait3A_169] : memref<10000x128xf32, #tpu.memory_space<vmem_shared>> -> memref<10000x128xf32, #tpu.memory_space<vmem_shared>>
        tpu.wait_indirect_dma semaphore(%run_scoped3A : memref<!tpu.dma_semaphore, #tpu.memory_space<semaphore_mem>>) src(%arg10 : memref<128x128xf32, #tpu.memory_space<vmem>>) dst(%dma_wait3A_170 : memref<10000x128xf32, #tpu.memory_space<vmem_shared>>)
        tpu.yield
      }) : () -> ()
      %add3A_154 = arith.constant 2 : i32
      %add3A_155 = arith.addi %add3A_130, %add3A_154 : i32
      %lt3A_156 = arith.cmpi slt, %add3A_155, %min3A_38 : i32
      %convert_element_type3A_157 = arith.extui %lt3A_156 : i1 to i32
      %cond3A_158 = arith.constant 0 : i32
      %cond3A_159 = arith.cmpi ne, %convert_element_type3A_157, %cond3A_158 : i32
      scf.if %cond3A_159 {
        %add3A_160 = arith.constant 0 : i32
        %add3A_161 = arith.addi %add3A_160, %add3A_130 : i32
        %add3A_162 = arith.constant 2 : i32
        %add3A_163 = arith.addi %add3A_161, %add3A_162 : i32
        %mul3A_164 = arith.constant 128 : i32
        %mul3A_165 = arith.muli %add3A_163, %mul3A_164 : i32
        %multiple_of3A_166 = tpu.assume_multiple %mul3A_165, 128 : i32
        %dma_start3A = tpu.memref_slice %arg7[%multiple_of3A_166] : memref<10240xi32, #tpu.memory_space<vmem>> -> memref<128xi32, #tpu.memory_space<vmem>>
        %dma_start3A_167 = arith.constant 0 : i32
        %dma_start3A_168 = arith.constant 0 : i32
        %dma_start3A_169 = tpu.memref_slice %arg2[%dma_start3A_167, %dma_start3A_168] : memref<10000x128xf32, #tpu.memory_space<hbm>> -> memref<10000x128xf32, #tpu.memory_space<hbm>>
        tpu.enqueue_indirect_dma source(%dma_start3A_169 : memref<10000x128xf32, #tpu.memory_space<hbm>>) target(%arg10 : memref<128x128xf32, #tpu.memory_space<vmem>>) offsets(%dma_start3A : memref<128xi32, #tpu.memory_space<vmem>>) semaphore(%arg13 : memref<!tpu.dma_semaphore, #tpu.memory_space<semaphore_mem>>)
      } else {
      }
    }
    %while3A_66 = arith.constant 1 : i32
    scf.for %while3A_126 = %while3A_64 to %while3A_60 step %while3A_66  : i32 {
      %mul3A_127 = arith.constant 2 : i32
      %mul3A_128 = arith.muli %mul3A_127, %while3A_126 : i32
      %add3A_129 = arith.constant 1 : i32
      %add3A_130 = arith.addi %mul3A_128, %add3A_129 : i32
      %add3A_131 = arith.constant 0 : i32
      %add3A_132 = arith.addi %add3A_131, %mul3A_128 : i32
      %mul3A_133 = arith.constant 128 : i32
      %mul3A_134 = arith.muli %add3A_132, %mul3A_133 : i32
      %multiple_of3A_135 = tpu.assume_multiple %mul3A_134, 128 : i32
      %dma_wait3A = tpu.memref_slice %arg7[%multiple_of3A_135] : memref<10240xi32, #tpu.memory_space<vmem>> -> memref<128xi32, #tpu.memory_space<vmem>>
      %dma_wait3A_136 = arith.constant 0 : i32
      %dma_wait3A_137 = arith.constant 0 : i32
      %dma_wait3A_138 = tpu.memref_slice %arg2[%dma_wait3A_136, %dma_wait3A_137] : memref<10000x128xf32, #tpu.memory_space<hbm>> -> memref<10000x128xf32, #tpu.memory_space<hbm>>
      tpu.wait_indirect_dma semaphore(%arg12 : memref<!tpu.dma_semaphore, #tpu.memory_space<semaphore_mem>>) src(%dma_wait3A_138 : memref<10000x128xf32, #tpu.memory_space<hbm>>) dst(%arg9 : memref<128x128xf32, #tpu.memory_space<vmem>>)
      "tpu.region"() ({
        %run_scoped3A = tpu.sem_alloc : memref<!tpu.dma_semaphore, #tpu.memory_space<semaphore_mem>>
        %dma_start3A = arith.constant 0 : i32
        %dma_start3A_160 = tpu.memref_slice %arg8[%mul3A_128, %dma_start3A] : memref<40x128xi32, #tpu.memory_space<vmem>> -> memref<1x128xi32, #tpu.memory_space<vmem>>
        %dma_start3A_161 = tpu.memref_squeeze %dma_start3A_160 : memref<1x128xi32, #tpu.memory_space<vmem>> -> memref<128xi32, #tpu.memory_space<vmem>>
        %dma_start3A_162 = arith.constant 0 : i32
        %dma_start3A_163 = arith.constant 0 : i32
        %dma_start3A_164 = tpu.memref_slice %arg11[%dma_start3A_162, %dma_start3A_163] : memref<10000x128xf32, #tpu.memory_space<vmem_shared>> -> memref<10000x128xf32, #tpu.memory_space<vmem_shared>>
        tpu.enqueue_indirect_dma source(%arg9 : memref<128x128xf32, #tpu.memory_space<vmem>>) target(%dma_start3A_164 : memref<10000x128xf32, #tpu.memory_space<vmem_shared>>) offsets(%dma_start3A_161 : memref<128xi32, #tpu.memory_space<vmem>>) semaphore(%run_scoped3A : memref<!tpu.dma_semaphore, #tpu.memory_space<semaphore_mem>>) {add = true}
        %dma_wait3A_165 = arith.constant 0 : i32
        %dma_wait3A_166 = tpu.memref_slice %arg8[%mul3A_128, %dma_wait3A_165] : memref<40x128xi32, #tpu.memory_space<vmem>> -> memref<1x128xi32, #tpu.memory_space<vmem>>
        %dma_wait3A_167 = tpu.memref_squeeze %dma_wait3A_166 : memref<1x128xi32, #tpu.memory_space<vmem>> -> memref<128xi32, #tpu.memory_space<vmem>>
        %dma_wait3A_168 = arith.constant 0 : i32
        %dma_wait3A_169 = arith.constant 0 : i32
        %dma_wait3A_170 = tpu.memref_slice %arg11[%dma_wait3A_168, %dma_wait3A_169] : memref<10000x128xf32, #tpu.memory_space<vmem_shared>> -> memref<10000x128xf32, #tpu.memory_space<vmem_shared>>
        tpu.wait_indirect_dma semaphore(%run_scoped3A : memref<!tpu.dma_semaphore, #tpu.memory_space<semaphore_mem>>) src(%arg9 : memref<128x128xf32, #tpu.memory_space<vmem>>) dst(%dma_wait3A_170 : memref<10000x128xf32, #tpu.memory_space<vmem_shared>>)
        tpu.yield
      }) : () -> ()
      %add3A_139 = arith.constant 2 : i32
      %add3A_140 = arith.addi %mul3A_128, %add3A_139 : i32
      %lt3A_141 = arith.cmpi slt, %add3A_140, %min3A_38 : i32
      %convert_element_type3A_142 = arith.extui %lt3A_141 : i1 to i32
      %cond3A_143 = arith.constant 0 : i32
      %cond3A_144 = arith.cmpi ne, %convert_element_type3A_142, %cond3A_143 : i32
      scf.if %cond3A_144 {
        %add3A_160 = arith.constant 0 : i32
        %add3A_161 = arith.addi %add3A_160, %mul3A_128 : i32
        %add3A_162 = arith.constant 2 : i32
        %add3A_163 = arith.addi %add3A_161, %add3A_162 : i32
        %mul3A_164 = arith.constant 128 : i32
        %mul3A_165 = arith.muli %add3A_163, %mul3A_164 : i32
        %multiple_of3A_166 = tpu.assume_multiple %mul3A_165, 128 : i32
        %dma_start3A = tpu.memref_slice %arg7[%multiple_of3A_166] : memref<10240xi32, #tpu.memory_space<vmem>> -> memref<128xi32, #tpu.memory_space<vmem>>
        %dma_start3A_167 = arith.constant 0 : i32
        %dma_start3A_168 = arith.constant 0 : i32
        %dma_start3A_169 = tpu.memref_slice %arg2[%dma_start3A_167, %dma_start3A_168] : memref<10000x128xf32, #tpu.memory_space<hbm>> -> memref<10000x128xf32, #tpu.memory_space<hbm>>
        tpu.enqueue_indirect_dma source(%dma_start3A_169 : memref<10000x128xf32, #tpu.memory_space<hbm>>) target(%arg9 : memref<128x128xf32, #tpu.memory_space<vmem>>) offsets(%dma_start3A : memref<128xi32, #tpu.memory_space<vmem>>) semaphore(%arg12 : memref<!tpu.dma_semaphore, #tpu.memory_space<semaphore_mem>>)
      } else {
      }
      %add3A_145 = arith.constant 0 : i32
      %add3A_146 = arith.addi %add3A_145, %add3A_130 : i32
      %mul3A_147 = arith.constant 128 : i32
      %mul3A_148 = arith.muli %add3A_146, %mul3A_147 : i32
      %multiple_of3A_149 = tpu.assume_multiple %mul3A_148, 128 : i32
      %dma_wait3A_150 = tpu.memref_slice %arg7[%multiple_of3A_149] : memref<10240xi32, #tpu.memory_space<vmem>> -> memref<128xi32, #tpu.memory_space<vmem>>
      %dma_wait3A_151 = arith.constant 0 : i32
      %dma_wait3A_152 = arith.constant 0 : i32
      %dma_wait3A_153 = tpu.memref_slice %arg2[%dma_wait3A_151, %dma_wait3A_152] : memref<10000x128xf32, #tpu.memory_space<hbm>> -> memref<10000x128xf32, #tpu.memory_space<hbm>>
      tpu.wait_indirect_dma semaphore(%arg13 : memref<!tpu.dma_semaphore, #tpu.memory_space<semaphore_mem>>) src(%dma_wait3A_153 : memref<10000x128xf32, #tpu.memory_space<hbm>>) dst(%arg10 : memref<128x128xf32, #tpu.memory_space<vmem>>)
      "tpu.region"() ({
        %run_scoped3A = tpu.sem_alloc : memref<!tpu.dma_semaphore, #tpu.memory_space<semaphore_mem>>
        %dma_start3A = arith.constant 0 : i32
        %dma_start3A_160 = tpu.memref_slice %arg8[%add3A_130, %dma_start3A] : memref<40x128xi32, #tpu.memory_space<vmem>> -> memref<1x128xi32, #tpu.memory_space<vmem>>
        %dma_start3A_161 = tpu.memref_squeeze %dma_start3A_160 : memref<1x128xi32, #tpu.memory_space<vmem>> -> memref<128xi32, #tpu.memory_space<vmem>>
        %dma_start3A_162 = arith.constant 0 : i32
        %dma_start3A_163 = arith.constant 0 : i32
        %dma_start3A_164 = tpu.memref_slice %arg11[%dma_start3A_162, %dma_start3A_163] : memref<10000x128xf32, #tpu.memory_space<vmem_shared>> -> memref<10000x128xf32, #tpu.memory_space<vmem_shared>>
        tpu.enqueue_indirect_dma source(%arg10 : memref<128x128xf32, #tpu.memory_space<vmem>>) target(%dma_start3A_164 : memref<10000x128xf32, #tpu.memory_space<vmem_shared>>) offsets(%dma_start3A_161 : memref<128xi32, #tpu.memory_space<vmem>>) semaphore(%run_scoped3A : memref<!tpu.dma_semaphore, #tpu.memory_space<semaphore_mem>>) {add = true}
        %dma_wait3A_165 = arith.constant 0 : i32
        %dma_wait3A_166 = tpu.memref_slice %arg8[%add3A_130, %dma_wait3A_165] : memref<40x128xi32, #tpu.memory_space<vmem>> -> memref<1x128xi32, #tpu.memory_space<vmem>>
        %dma_wait3A_167 = tpu.memref_squeeze %dma_wait3A_166 : memref<1x128xi32, #tpu.memory_space<vmem>> -> memref<128xi32, #tpu.memory_space<vmem>>
        %dma_wait3A_168 = arith.constant 0 : i32
        %dma_wait3A_169 = arith.constant 0 : i32
        %dma_wait3A_170 = tpu.memref_slice %arg11[%dma_wait3A_168, %dma_wait3A_169] : memref<10000x128xf32, #tpu.memory_space<vmem_shared>> -> memref<10000x128xf32, #tpu.memory_space<vmem_shared>>
        tpu.wait_indirect_dma semaphore(%run_scoped3A : memref<!tpu.dma_semaphore, #tpu.memory_space<semaphore_mem>>) src(%arg10 : memref<128x128xf32, #tpu.memory_space<vmem>>) dst(%dma_wait3A_170 : memref<10000x128xf32, #tpu.memory_space<vmem_shared>>)
        tpu.yield
      }) : () -> ()
      %add3A_154 = arith.constant 2 : i32
      %add3A_155 = arith.addi %add3A_130, %add3A_154 : i32
      %lt3A_156 = arith.cmpi slt, %add3A_155, %min3A_38 : i32
      %convert_element_type3A_157 = arith.extui %lt3A_156 : i1 to i32
      %cond3A_158 = arith.constant 0 : i32
      %cond3A_159 = arith.cmpi ne, %convert_element_type3A_157, %cond3A_158 : i32
      scf.if %cond3A_159 {
        %add3A_160 = arith.constant 0 : i32
        %add3A_161 = arith.addi %add3A_160, %add3A_130 : i32
        %add3A_162 = arith.constant 2 : i32
        %add3A_163 = arith.addi %add3A_161, %add3A_162 : i32
        %mul3A_164 = arith.constant 128 : i32
        %mul3A_165 = arith.muli %add3A_163, %mul3A_164 : i32
        %multiple_of3A_166 = tpu.assume_multiple %mul3A_165, 128 : i32
        %dma_start3A = tpu.memref_slice %arg7[%multiple_of3A_166] : memref<10240xi32, #tpu.memory_space<vmem>> -> memref<128xi32, #tpu.memory_space<vmem>>
        %dma_start3A_167 = arith.constant 0 : i32
        %dma_start3A_168 = arith.constant 0 : i32
        %dma_start3A_169 = tpu.memref_slice %arg2[%dma_start3A_167, %dma_start3A_168] : memref<10000x128xf32, #tpu.memory_space<hbm>> -> memref<10000x128xf32, #tpu.memory_space<hbm>>
        tpu.enqueue_indirect_dma source(%dma_start3A_169 : memref<10000x128xf32, #tpu.memory_space<hbm>>) target(%arg10 : memref<128x128xf32, #tpu.memory_space<vmem>>) offsets(%dma_start3A : memref<128xi32, #tpu.memory_space<vmem>>) semaphore(%arg13 : memref<!tpu.dma_semaphore, #tpu.memory_space<semaphore_mem>>)
      } else {
      }
    }
    %sub3A_67 = arith.constant 40 : i32
    %sub3A_68 = arith.subi %min3A_18, %sub3A_67 : i32
    %jit3A_69 = arith.constant 0 : i32
    %jit3A_70 = arith.constant 40 : i32
    %max3A_71 = arith.maxsi %jit3A_69, %sub3A_68 : i32
    %min3A_72 = arith.minsi %jit3A_70, %max3A_71 : i32
    %jit3A_73 = arith.constant 2 : i32
    %div3A_74 = arith.divsi %min3A_72, %jit3A_73 : i32
    %sign3A_75 = arith.constant 0 : i32
    %sign3A_76 = arith.cmpi sgt, %min3A_72, %sign3A_75 : i32
    %sign3A_77 = arith.extui %sign3A_76 : i1 to i32
    %sign3A_78 = arith.constant 0 : i32
    %sign3A_79 = arith.cmpi slt, %min3A_72, %sign3A_78 : i32
    %sign3A_80 = arith.extui %sign3A_79 : i1 to i32
    %sign3A_81 = arith.subi %sign3A_77, %sign3A_80 : i32
    %sign3A_82 = arith.constant 0 : i32
    %sign3A_83 = arith.cmpi sgt, %jit3A_73, %sign3A_82 : i32
    %sign3A_84 = arith.extui %sign3A_83 : i1 to i32
    %sign3A_85 = arith.constant 0 : i32
    %sign3A_86 = arith.cmpi slt, %jit3A_73, %sign3A_85 : i32
    %sign3A_87 = arith.extui %sign3A_86 : i1 to i32
    %sign3A_88 = arith.subi %sign3A_84, %sign3A_87 : i32
    %ne3A_89 = arith.cmpi ne, %sign3A_81, %sign3A_88 : i32
    %rem3A_90 = arith.remsi %min3A_72, %jit3A_73 : i32
    %ne3A_91 = arith.constant 0 : i32
    %ne3A_92 = arith.cmpi ne, %rem3A_90, %ne3A_91 : i32
    %and3A_93 = arith.andi %ne3A_89, %ne3A_92 : i1
    %sub3A_94 = arith.constant 1 : i32
    %sub3A_95 = arith.subi %div3A_74, %sub3A_94 : i32
    %select_n3A_96 = arith.select %and3A_93, %sub3A_95, %div3A_74 : i32
    %gt3A_97 = arith.constant 0 : i32
    %gt3A_98 = arith.cmpi sgt, %min3A_72, %gt3A_97 : i32
    %convert_element_type3A_99 = arith.extui %gt3A_98 : i1 to i32
    %cond3A_100 = arith.constant 0 : i32
    %cond3A_101 = arith.cmpi ne, %convert_element_type3A_99, %cond3A_100 : i32
    scf.if %cond3A_101 {
      %multiple_of3A_126 = arith.constant 5120 : i32
      %multiple_of3A_127 = tpu.assume_multiple %multiple_of3A_126, 128 : i32
      %dma_start3A = tpu.memref_slice %arg7[%multiple_of3A_127] : memref<10240xi32, #tpu.memory_space<vmem>> -> memref<128xi32, #tpu.memory_space<vmem>>
      %dma_start3A_128 = arith.constant 0 : i32
      %dma_start3A_129 = arith.constant 0 : i32
      %dma_start3A_130 = tpu.memref_slice %arg2[%dma_start3A_128, %dma_start3A_129] : memref<10000x128xf32, #tpu.memory_space<hbm>> -> memref<10000x128xf32, #tpu.memory_space<hbm>>
      tpu.enqueue_indirect_dma source(%dma_start3A_130 : memref<10000x128xf32, #tpu.memory_space<hbm>>) target(%arg9 : memref<128x128xf32, #tpu.memory_space<vmem>>) offsets(%dma_start3A : memref<128xi32, #tpu.memory_space<vmem>>) semaphore(%arg12 : memref<!tpu.dma_semaphore, #tpu.memory_space<semaphore_mem>>)
      %multiple_of3A_131 = arith.constant 5248 : i32
      %multiple_of3A_132 = tpu.assume_multiple %multiple_of3A_131, 128 : i32
      %dma_start3A_133 = tpu.memref_slice %arg7[%multiple_of3A_132] : memref<10240xi32, #tpu.memory_space<vmem>> -> memref<128xi32, #tpu.memory_space<vmem>>
      %dma_start3A_134 = arith.constant 0 : i32
      %dma_start3A_135 = arith.constant 0 : i32
      %dma_start3A_136 = tpu.memref_slice %arg2[%dma_start3A_134, %dma_start3A_135] : memref<10000x128xf32, #tpu.memory_space<hbm>> -> memref<10000x128xf32, #tpu.memory_space<hbm>>
      tpu.enqueue_indirect_dma source(%dma_start3A_136 : memref<10000x128xf32, #tpu.memory_space<hbm>>) target(%arg10 : memref<128x128xf32, #tpu.memory_space<vmem>>) offsets(%dma_start3A_133 : memref<128xi32, #tpu.memory_space<vmem>>) semaphore(%arg13 : memref<!tpu.dma_semaphore, #tpu.memory_space<semaphore_mem>>)
    } else {
    }
    %mul3A_102 = arith.constant 2 : i32
    %mul3A_103 = arith.muli %add3A, %mul3A_102 : i32
    %add3A_104 = arith.constant 1 : i32
    %add3A_105 = arith.addi %mul3A_103, %add3A_104 : i32
    "tpu.region"() ({
      %run_scoped3A = tpu.sem_alloc : memref<!tpu.dma_semaphore, #tpu.memory_space<semaphore_mem>>
      %dma_start3A = arith.constant 0 : i32
      %dma_start3A_126 = arith.constant 0 : i32
      %dma_start3A_127 = tpu.memref_slice %arg4[%add3A_105, %dma_start3A, %dma_start3A_126] : memref<64x40x128xi32, #tpu.memory_space<hbm>> -> memref<1x40x128xi32, #tpu.memory_space<hbm>>
      %dma_start3A_128 = tpu.memref_squeeze %dma_start3A_127 : memref<1x40x128xi32, #tpu.memory_space<hbm>> -> memref<40x128xi32, #tpu.memory_space<hbm>>
      %dma_start3A_129 = arith.constant 0 : i32
      %dma_start3A_130 = arith.constant 0 : i32
      %dma_start3A_131 = tpu.memref_slice %arg4[%add3A_105, %dma_start3A_129, %dma_start3A_130] : memref<64x40x128xi32, #tpu.memory_space<hbm>> -> memref<1x40x128xi32, #tpu.memory_space<hbm>>
      %dma_start3A_132 = tpu.memref_squeeze %dma_start3A_131 : memref<1x40x128xi32, #tpu.memory_space<hbm>> -> memref<40x128xi32, #tpu.memory_space<hbm>>
      tpu.enqueue_dma source(%dma_start3A_132 : memref<40x128xi32, #tpu.memory_space<hbm>>) target(%arg8 : memref<40x128xi32, #tpu.memory_space<vmem>>) target_semaphore(%run_scoped3A : memref<!tpu.dma_semaphore, #tpu.memory_space<semaphore_mem>>)
      %dma_wait3A = arith.constant 0 : i32
      %dma_wait3A_133 = arith.constant 0 : i32
      %dma_wait3A_134 = tpu.memref_slice %arg4[%add3A_105, %dma_wait3A, %dma_wait3A_133] : memref<64x40x128xi32, #tpu.memory_space<hbm>> -> memref<1x40x128xi32, #tpu.memory_space<hbm>>
      %dma_wait3A_135 = tpu.memref_squeeze %dma_wait3A_134 : memref<1x40x128xi32, #tpu.memory_space<hbm>> -> memref<40x128xi32, #tpu.memory_space<hbm>>
      %dma_wait3A_136 = arith.constant 0 : i32
      %dma_wait3A_137 = arith.constant 0 : i32
      %dma_wait3A_138 = tpu.memref_slice %arg4[%add3A_105, %dma_wait3A_136, %dma_wait3A_137] : memref<64x40x128xi32, #tpu.memory_space<hbm>> -> memref<1x40x128xi32, #tpu.memory_space<hbm>>
      %dma_wait3A_139 = tpu.memref_squeeze %dma_wait3A_138 : memref<1x40x128xi32, #tpu.memory_space<hbm>> -> memref<40x128xi32, #tpu.memory_space<hbm>>
      tpu.wait_dma2 semaphore(%run_scoped3A : memref<!tpu.dma_semaphore, #tpu.memory_space<semaphore_mem>>) src(%dma_wait3A_139 : memref<40x128xi32, #tpu.memory_space<hbm>>) dst(%arg8 : memref<40x128xi32, #tpu.memory_space<vmem>>)
      tpu.yield
    }) : () -> ()
    %while3A_106 = arith.constant 0 : i32
    %while3A_107 = arith.constant 0 : i32
    %while3A_108 = arith.subi %select_n3A_96, %while3A_107 : i32
    %while3A_109 = arith.addi %while3A_107, %while3A_108 : i32
    %while3A_110 = arith.constant 1 : i32
    %while3A_111 = arith.divsi %while3A_108, %while3A_110 : i32
    %while3A_112 = arith.muli %while3A_111, %while3A_110 : i32
    %while3A_113 = arith.addi %while3A_107, %while3A_112 : i32
    %while3A_114 = arith.constant 1 : i32
    scf.for %while3A_126 = %while3A_107 to %while3A_113 step %while3A_114  : i32 {
      %mul3A_127 = arith.constant 2 : i32
      %mul3A_128 = arith.muli %mul3A_127, %while3A_126 : i32
      %add3A_129 = arith.constant 1 : i32
      %add3A_130 = arith.addi %mul3A_128, %add3A_129 : i32
      %add3A_131 = arith.constant 40 : i32
      %add3A_132 = arith.addi %add3A_131, %mul3A_128 : i32
      %mul3A_133 = arith.constant 128 : i32
      %mul3A_134 = arith.muli %add3A_132, %mul3A_133 : i32
      %multiple_of3A_135 = tpu.assume_multiple %mul3A_134, 128 : i32
      %dma_wait3A = tpu.memref_slice %arg7[%multiple_of3A_135] : memref<10240xi32, #tpu.memory_space<vmem>> -> memref<128xi32, #tpu.memory_space<vmem>>
      %dma_wait3A_136 = arith.constant 0 : i32
      %dma_wait3A_137 = arith.constant 0 : i32
      %dma_wait3A_138 = tpu.memref_slice %arg2[%dma_wait3A_136, %dma_wait3A_137] : memref<10000x128xf32, #tpu.memory_space<hbm>> -> memref<10000x128xf32, #tpu.memory_space<hbm>>
      tpu.wait_indirect_dma semaphore(%arg12 : memref<!tpu.dma_semaphore, #tpu.memory_space<semaphore_mem>>) src(%dma_wait3A_138 : memref<10000x128xf32, #tpu.memory_space<hbm>>) dst(%arg9 : memref<128x128xf32, #tpu.memory_space<vmem>>)
      "tpu.region"() ({
        %run_scoped3A = tpu.sem_alloc : memref<!tpu.dma_semaphore, #tpu.memory_space<semaphore_mem>>
        %dma_start3A = arith.constant 0 : i32
        %dma_start3A_160 = tpu.memref_slice %arg8[%mul3A_128, %dma_start3A] : memref<40x128xi32, #tpu.memory_space<vmem>> -> memref<1x128xi32, #tpu.memory_space<vmem>>
        %dma_start3A_161 = tpu.memref_squeeze %dma_start3A_160 : memref<1x128xi32, #tpu.memory_space<vmem>> -> memref<128xi32, #tpu.memory_space<vmem>>
        %dma_start3A_162 = arith.constant 0 : i32
        %dma_start3A_163 = arith.constant 0 : i32
        %dma_start3A_164 = tpu.memref_slice %arg11[%dma_start3A_162, %dma_start3A_163] : memref<10000x128xf32, #tpu.memory_space<vmem_shared>> -> memref<10000x128xf32, #tpu.memory_space<vmem_shared>>
        tpu.enqueue_indirect_dma source(%arg9 : memref<128x128xf32, #tpu.memory_space<vmem>>) target(%dma_start3A_164 : memref<10000x128xf32, #tpu.memory_space<vmem_shared>>) offsets(%dma_start3A_161 : memref<128xi32, #tpu.memory_space<vmem>>) semaphore(%run_scoped3A : memref<!tpu.dma_semaphore, #tpu.memory_space<semaphore_mem>>) {add = true}
        %dma_wait3A_165 = arith.constant 0 : i32
        %dma_wait3A_166 = tpu.memref_slice %arg8[%mul3A_128, %dma_wait3A_165] : memref<40x128xi32, #tpu.memory_space<vmem>> -> memref<1x128xi32, #tpu.memory_space<vmem>>
        %dma_wait3A_167 = tpu.memref_squeeze %dma_wait3A_166 : memref<1x128xi32, #tpu.memory_space<vmem>> -> memref<128xi32, #tpu.memory_space<vmem>>
        %dma_wait3A_168 = arith.constant 0 : i32
        %dma_wait3A_169 = arith.constant 0 : i32
        %dma_wait3A_170 = tpu.memref_slice %arg11[%dma_wait3A_168, %dma_wait3A_169] : memref<10000x128xf32, #tpu.memory_space<vmem_shared>> -> memref<10000x128xf32, #tpu.memory_space<vmem_shared>>
        tpu.wait_indirect_dma semaphore(%run_scoped3A : memref<!tpu.dma_semaphore, #tpu.memory_space<semaphore_mem>>) src(%arg9 : memref<128x128xf32, #tpu.memory_space<vmem>>) dst(%dma_wait3A_170 : memref<10000x128xf32, #tpu.memory_space<vmem_shared>>)
        tpu.yield
      }) : () -> ()
      %add3A_139 = arith.constant 2 : i32
      %add3A_140 = arith.addi %mul3A_128, %add3A_139 : i32
      %lt3A_141 = arith.cmpi slt, %add3A_140, %min3A_72 : i32
      %convert_element_type3A_142 = arith.extui %lt3A_141 : i1 to i32
      %cond3A_143 = arith.constant 0 : i32
      %cond3A_144 = arith.cmpi ne, %convert_element_type3A_142, %cond3A_143 : i32
      scf.if %cond3A_144 {
        %add3A_160 = arith.constant 40 : i32
        %add3A_161 = arith.addi %add3A_160, %mul3A_128 : i32
        %add3A_162 = arith.constant 2 : i32
        %add3A_163 = arith.addi %add3A_161, %add3A_162 : i32
        %mul3A_164 = arith.constant 128 : i32
        %mul3A_165 = arith.muli %add3A_163, %mul3A_164 : i32
        %multiple_of3A_166 = tpu.assume_multiple %mul3A_165, 128 : i32
        %dma_start3A = tpu.memref_slice %arg7[%multiple_of3A_166] : memref<10240xi32, #tpu.memory_space<vmem>> -> memref<128xi32, #tpu.memory_space<vmem>>
        %dma_start3A_167 = arith.constant 0 : i32
        %dma_start3A_168 = arith.constant 0 : i32
        %dma_start3A_169 = tpu.memref_slice %arg2[%dma_start3A_167, %dma_start3A_168] : memref<10000x128xf32, #tpu.memory_space<hbm>> -> memref<10000x128xf32, #tpu.memory_space<hbm>>
        tpu.enqueue_indirect_dma source(%dma_start3A_169 : memref<10000x128xf32, #tpu.memory_space<hbm>>) target(%arg9 : memref<128x128xf32, #tpu.memory_space<vmem>>) offsets(%dma_start3A : memref<128xi32, #tpu.memory_space<vmem>>) semaphore(%arg12 : memref<!tpu.dma_semaphore, #tpu.memory_space<semaphore_mem>>)
      } else {
      }
      %add3A_145 = arith.constant 40 : i32
      %add3A_146 = arith.addi %add3A_145, %add3A_130 : i32
      %mul3A_147 = arith.constant 128 : i32
      %mul3A_148 = arith.muli %add3A_146, %mul3A_147 : i32
      %multiple_of3A_149 = tpu.assume_multiple %mul3A_148, 128 : i32
      %dma_wait3A_150 = tpu.memref_slice %arg7[%multiple_of3A_149] : memref<10240xi32, #tpu.memory_space<vmem>> -> memref<128xi32, #tpu.memory_space<vmem>>
      %dma_wait3A_151 = arith.constant 0 : i32
      %dma_wait3A_152 = arith.constant 0 : i32
      %dma_wait3A_153 = tpu.memref_slice %arg2[%dma_wait3A_151, %dma_wait3A_152] : memref<10000x128xf32, #tpu.memory_space<hbm>> -> memref<10000x128xf32, #tpu.memory_space<hbm>>
      tpu.wait_indirect_dma semaphore(%arg13 : memref<!tpu.dma_semaphore, #tpu.memory_space<semaphore_mem>>) src(%dma_wait3A_153 : memref<10000x128xf32, #tpu.memory_space<hbm>>) dst(%arg10 : memref<128x128xf32, #tpu.memory_space<vmem>>)
      "tpu.region"() ({
        %run_scoped3A = tpu.sem_alloc : memref<!tpu.dma_semaphore, #tpu.memory_space<semaphore_mem>>
        %dma_start3A = arith.constant 0 : i32
        %dma_start3A_160 = tpu.memref_slice %arg8[%add3A_130, %dma_start3A] : memref<40x128xi32, #tpu.memory_space<vmem>> -> memref<1x128xi32, #tpu.memory_space<vmem>>
        %dma_start3A_161 = tpu.memref_squeeze %dma_start3A_160 : memref<1x128xi32, #tpu.memory_space<vmem>> -> memref<128xi32, #tpu.memory_space<vmem>>
        %dma_start3A_162 = arith.constant 0 : i32
        %dma_start3A_163 = arith.constant 0 : i32
        %dma_start3A_164 = tpu.memref_slice %arg11[%dma_start3A_162, %dma_start3A_163] : memref<10000x128xf32, #tpu.memory_space<vmem_shared>> -> memref<10000x128xf32, #tpu.memory_space<vmem_shared>>
        tpu.enqueue_indirect_dma source(%arg10 : memref<128x128xf32, #tpu.memory_space<vmem>>) target(%dma_start3A_164 : memref<10000x128xf32, #tpu.memory_space<vmem_shared>>) offsets(%dma_start3A_161 : memref<128xi32, #tpu.memory_space<vmem>>) semaphore(%run_scoped3A : memref<!tpu.dma_semaphore, #tpu.memory_space<semaphore_mem>>) {add = true}
        %dma_wait3A_165 = arith.constant 0 : i32
        %dma_wait3A_166 = tpu.memref_slice %arg8[%add3A_130, %dma_wait3A_165] : memref<40x128xi32, #tpu.memory_space<vmem>> -> memref<1x128xi32, #tpu.memory_space<vmem>>
        %dma_wait3A_167 = tpu.memref_squeeze %dma_wait3A_166 : memref<1x128xi32, #tpu.memory_space<vmem>> -> memref<128xi32, #tpu.memory_space<vmem>>
        %dma_wait3A_168 = arith.constant 0 : i32
        %dma_wait3A_169 = arith.constant 0 : i32
        %dma_wait3A_170 = tpu.memref_slice %arg11[%dma_wait3A_168, %dma_wait3A_169] : memref<10000x128xf32, #tpu.memory_space<vmem_shared>> -> memref<10000x128xf32, #tpu.memory_space<vmem_shared>>
        tpu.wait_indirect_dma semaphore(%run_scoped3A : memref<!tpu.dma_semaphore, #tpu.memory_space<semaphore_mem>>) src(%arg10 : memref<128x128xf32, #tpu.memory_space<vmem>>) dst(%dma_wait3A_170 : memref<10000x128xf32, #tpu.memory_space<vmem_shared>>)
        tpu.yield
      }) : () -> ()
      %add3A_154 = arith.constant 2 : i32
      %add3A_155 = arith.addi %add3A_130, %add3A_154 : i32
      %lt3A_156 = arith.cmpi slt, %add3A_155, %min3A_72 : i32
      %convert_element_type3A_157 = arith.extui %lt3A_156 : i1 to i32
      %cond3A_158 = arith.constant 0 : i32
      %cond3A_159 = arith.cmpi ne, %convert_element_type3A_157, %cond3A_158 : i32
      scf.if %cond3A_159 {
        %add3A_160 = arith.constant 40 : i32
        %add3A_161 = arith.addi %add3A_160, %add3A_130 : i32
        %add3A_162 = arith.constant 2 : i32
        %add3A_163 = arith.addi %add3A_161, %add3A_162 : i32
        %mul3A_164 = arith.constant 128 : i32
        %mul3A_165 = arith.muli %add3A_163, %mul3A_164 : i32
        %multiple_of3A_166 = tpu.assume_multiple %mul3A_165, 128 : i32
        %dma_start3A = tpu.memref_slice %arg7[%multiple_of3A_166] : memref<10240xi32, #tpu.memory_space<vmem>> -> memref<128xi32, #tpu.memory_space<vmem>>
        %dma_start3A_167 = arith.constant 0 : i32
        %dma_start3A_168 = arith.constant 0 : i32
        %dma_start3A_169 = tpu.memref_slice %arg2[%dma_start3A_167, %dma_start3A_168] : memref<10000x128xf32, #tpu.memory_space<hbm>> -> memref<10000x128xf32, #tpu.memory_space<hbm>>
        tpu.enqueue_indirect_dma source(%dma_start3A_169 : memref<10000x128xf32, #tpu.memory_space<hbm>>) target(%arg10 : memref<128x128xf32, #tpu.memory_space<vmem>>) offsets(%dma_start3A : memref<128xi32, #tpu.memory_space<vmem>>) semaphore(%arg13 : memref<!tpu.dma_semaphore, #tpu.memory_space<semaphore_mem>>)
      } else {
      }
    }
    %while3A_115 = arith.constant 1 : i32
    scf.for %while3A_126 = %while3A_113 to %while3A_109 step %while3A_115  : i32 {
      %mul3A_127 = arith.constant 2 : i32
      %mul3A_128 = arith.muli %mul3A_127, %while3A_126 : i32
      %add3A_129 = arith.constant 1 : i32
      %add3A_130 = arith.addi %mul3A_128, %add3A_129 : i32
      %add3A_131 = arith.constant 40 : i32
      %add3A_132 = arith.addi %add3A_131, %mul3A_128 : i32
      %mul3A_133 = arith.constant 128 : i32
      %mul3A_134 = arith.muli %add3A_132, %mul3A_133 : i32
      %multiple_of3A_135 = tpu.assume_multiple %mul3A_134, 128 : i32
      %dma_wait3A = tpu.memref_slice %arg7[%multiple_of3A_135] : memref<10240xi32, #tpu.memory_space<vmem>> -> memref<128xi32, #tpu.memory_space<vmem>>
      %dma_wait3A_136 = arith.constant 0 : i32
      %dma_wait3A_137 = arith.constant 0 : i32
      %dma_wait3A_138 = tpu.memref_slice %arg2[%dma_wait3A_136, %dma_wait3A_137] : memref<10000x128xf32, #tpu.memory_space<hbm>> -> memref<10000x128xf32, #tpu.memory_space<hbm>>
      tpu.wait_indirect_dma semaphore(%arg12 : memref<!tpu.dma_semaphore, #tpu.memory_space<semaphore_mem>>) src(%dma_wait3A_138 : memref<10000x128xf32, #tpu.memory_space<hbm>>) dst(%arg9 : memref<128x128xf32, #tpu.memory_space<vmem>>)
      "tpu.region"() ({
        %run_scoped3A = tpu.sem_alloc : memref<!tpu.dma_semaphore, #tpu.memory_space<semaphore_mem>>
        %dma_start3A = arith.constant 0 : i32
        %dma_start3A_160 = tpu.memref_slice %arg8[%mul3A_128, %dma_start3A] : memref<40x128xi32, #tpu.memory_space<vmem>> -> memref<1x128xi32, #tpu.memory_space<vmem>>
        %dma_start3A_161 = tpu.memref_squeeze %dma_start3A_160 : memref<1x128xi32, #tpu.memory_space<vmem>> -> memref<128xi32, #tpu.memory_space<vmem>>
        %dma_start3A_162 = arith.constant 0 : i32
        %dma_start3A_163 = arith.constant 0 : i32
        %dma_start3A_164 = tpu.memref_slice %arg11[%dma_start3A_162, %dma_start3A_163] : memref<10000x128xf32, #tpu.memory_space<vmem_shared>> -> memref<10000x128xf32, #tpu.memory_space<vmem_shared>>
        tpu.enqueue_indirect_dma source(%arg9 : memref<128x128xf32, #tpu.memory_space<vmem>>) target(%dma_start3A_164 : memref<10000x128xf32, #tpu.memory_space<vmem_shared>>) offsets(%dma_start3A_161 : memref<128xi32, #tpu.memory_space<vmem>>) semaphore(%run_scoped3A : memref<!tpu.dma_semaphore, #tpu.memory_space<semaphore_mem>>) {add = true}
        %dma_wait3A_165 = arith.constant 0 : i32
        %dma_wait3A_166 = tpu.memref_slice %arg8[%mul3A_128, %dma_wait3A_165] : memref<40x128xi32, #tpu.memory_space<vmem>> -> memref<1x128xi32, #tpu.memory_space<vmem>>
        %dma_wait3A_167 = tpu.memref_squeeze %dma_wait3A_166 : memref<1x128xi32, #tpu.memory_space<vmem>> -> memref<128xi32, #tpu.memory_space<vmem>>
        %dma_wait3A_168 = arith.constant 0 : i32
        %dma_wait3A_169 = arith.constant 0 : i32
        %dma_wait3A_170 = tpu.memref_slice %arg11[%dma_wait3A_168, %dma_wait3A_169] : memref<10000x128xf32, #tpu.memory_space<vmem_shared>> -> memref<10000x128xf32, #tpu.memory_space<vmem_shared>>
        tpu.wait_indirect_dma semaphore(%run_scoped3A : memref<!tpu.dma_semaphore, #tpu.memory_space<semaphore_mem>>) src(%arg9 : memref<128x128xf32, #tpu.memory_space<vmem>>) dst(%dma_wait3A_170 : memref<10000x128xf32, #tpu.memory_space<vmem_shared>>)
        tpu.yield
      }) : () -> ()
      %add3A_139 = arith.constant 2 : i32
      %add3A_140 = arith.addi %mul3A_128, %add3A_139 : i32
      %lt3A_141 = arith.cmpi slt, %add3A_140, %min3A_72 : i32
      %convert_element_type3A_142 = arith.extui %lt3A_141 : i1 to i32
      %cond3A_143 = arith.constant 0 : i32
      %cond3A_144 = arith.cmpi ne, %convert_element_type3A_142, %cond3A_143 : i32
      scf.if %cond3A_144 {
        %add3A_160 = arith.constant 40 : i32
        %add3A_161 = arith.addi %add3A_160, %mul3A_128 : i32
        %add3A_162 = arith.constant 2 : i32
        %add3A_163 = arith.addi %add3A_161, %add3A_162 : i32
        %mul3A_164 = arith.constant 128 : i32
        %mul3A_165 = arith.muli %add3A_163, %mul3A_164 : i32
        %multiple_of3A_166 = tpu.assume_multiple %mul3A_165, 128 : i32
        %dma_start3A = tpu.memref_slice %arg7[%multiple_of3A_166] : memref<10240xi32, #tpu.memory_space<vmem>> -> memref<128xi32, #tpu.memory_space<vmem>>
        %dma_start3A_167 = arith.constant 0 : i32
        %dma_start3A_168 = arith.constant 0 : i32
        %dma_start3A_169 = tpu.memref_slice %arg2[%dma_start3A_167, %dma_start3A_168] : memref<10000x128xf32, #tpu.memory_space<hbm>> -> memref<10000x128xf32, #tpu.memory_space<hbm>>
        tpu.enqueue_indirect_dma source(%dma_start3A_169 : memref<10000x128xf32, #tpu.memory_space<hbm>>) target(%arg9 : memref<128x128xf32, #tpu.memory_space<vmem>>) offsets(%dma_start3A : memref<128xi32, #tpu.memory_space<vmem>>) semaphore(%arg12 : memref<!tpu.dma_semaphore, #tpu.memory_space<semaphore_mem>>)
      } else {
      }
      %add3A_145 = arith.constant 40 : i32
      %add3A_146 = arith.addi %add3A_145, %add3A_130 : i32
      %mul3A_147 = arith.constant 128 : i32
      %mul3A_148 = arith.muli %add3A_146, %mul3A_147 : i32
      %multiple_of3A_149 = tpu.assume_multiple %mul3A_148, 128 : i32
      %dma_wait3A_150 = tpu.memref_slice %arg7[%multiple_of3A_149] : memref<10240xi32, #tpu.memory_space<vmem>> -> memref<128xi32, #tpu.memory_space<vmem>>
      %dma_wait3A_151 = arith.constant 0 : i32
      %dma_wait3A_152 = arith.constant 0 : i32
      %dma_wait3A_153 = tpu.memref_slice %arg2[%dma_wait3A_151, %dma_wait3A_152] : memref<10000x128xf32, #tpu.memory_space<hbm>> -> memref<10000x128xf32, #tpu.memory_space<hbm>>
      tpu.wait_indirect_dma semaphore(%arg13 : memref<!tpu.dma_semaphore, #tpu.memory_space<semaphore_mem>>) src(%dma_wait3A_153 : memref<10000x128xf32, #tpu.memory_space<hbm>>) dst(%arg10 : memref<128x128xf32, #tpu.memory_space<vmem>>)
      "tpu.region"() ({
        %run_scoped3A = tpu.sem_alloc : memref<!tpu.dma_semaphore, #tpu.memory_space<semaphore_mem>>
        %dma_start3A = arith.constant 0 : i32
        %dma_start3A_160 = tpu.memref_slice %arg8[%add3A_130, %dma_start3A] : memref<40x128xi32, #tpu.memory_space<vmem>> -> memref<1x128xi32, #tpu.memory_space<vmem>>
        %dma_start3A_161 = tpu.memref_squeeze %dma_start3A_160 : memref<1x128xi32, #tpu.memory_space<vmem>> -> memref<128xi32, #tpu.memory_space<vmem>>
        %dma_start3A_162 = arith.constant 0 : i32
        %dma_start3A_163 = arith.constant 0 : i32
        %dma_start3A_164 = tpu.memref_slice %arg11[%dma_start3A_162, %dma_start3A_163] : memref<10000x128xf32, #tpu.memory_space<vmem_shared>> -> memref<10000x128xf32, #tpu.memory_space<vmem_shared>>
        tpu.enqueue_indirect_dma source(%arg10 : memref<128x128xf32, #tpu.memory_space<vmem>>) target(%dma_start3A_164 : memref<10000x128xf32, #tpu.memory_space<vmem_shared>>) offsets(%dma_start3A_161 : memref<128xi32, #tpu.memory_space<vmem>>) semaphore(%run_scoped3A : memref<!tpu.dma_semaphore, #tpu.memory_space<semaphore_mem>>) {add = true}
        %dma_wait3A_165 = arith.constant 0 : i32
        %dma_wait3A_166 = tpu.memref_slice %arg8[%add3A_130, %dma_wait3A_165] : memref<40x128xi32, #tpu.memory_space<vmem>> -> memref<1x128xi32, #tpu.memory_space<vmem>>
        %dma_wait3A_167 = tpu.memref_squeeze %dma_wait3A_166 : memref<1x128xi32, #tpu.memory_space<vmem>> -> memref<128xi32, #tpu.memory_space<vmem>>
        %dma_wait3A_168 = arith.constant 0 : i32
        %dma_wait3A_169 = arith.constant 0 : i32
        %dma_wait3A_170 = tpu.memref_slice %arg11[%dma_wait3A_168, %dma_wait3A_169] : memref<10000x128xf32, #tpu.memory_space<vmem_shared>> -> memref<10000x128xf32, #tpu.memory_space<vmem_shared>>
        tpu.wait_indirect_dma semaphore(%run_scoped3A : memref<!tpu.dma_semaphore, #tpu.memory_space<semaphore_mem>>) src(%arg10 : memref<128x128xf32, #tpu.memory_space<vmem>>) dst(%dma_wait3A_170 : memref<10000x128xf32, #tpu.memory_space<vmem_shared>>)
        tpu.yield
      }) : () -> ()
      %add3A_154 = arith.constant 2 : i32
      %add3A_155 = arith.addi %add3A_130, %add3A_154 : i32
      %lt3A_156 = arith.cmpi slt, %add3A_155, %min3A_72 : i32
      %convert_element_type3A_157 = arith.extui %lt3A_156 : i1 to i32
      %cond3A_158 = arith.constant 0 : i32
      %cond3A_159 = arith.cmpi ne, %convert_element_type3A_157, %cond3A_158 : i32
      scf.if %cond3A_159 {
        %add3A_160 = arith.constant 40 : i32
        %add3A_161 = arith.addi %add3A_160, %add3A_130 : i32
        %add3A_162 = arith.constant 2 : i32
        %add3A_163 = arith.addi %add3A_161, %add3A_162 : i32
        %mul3A_164 = arith.constant 128 : i32
        %mul3A_165 = arith.muli %add3A_163, %mul3A_164 : i32
        %multiple_of3A_166 = tpu.assume_multiple %mul3A_165, 128 : i32
        %dma_start3A = tpu.memref_slice %arg7[%multiple_of3A_166] : memref<10240xi32, #tpu.memory_space<vmem>> -> memref<128xi32, #tpu.memory_space<vmem>>
        %dma_start3A_167 = arith.constant 0 : i32
        %dma_start3A_168 = arith.constant 0 : i32
        %dma_start3A_169 = tpu.memref_slice %arg2[%dma_start3A_167, %dma_start3A_168] : memref<10000x128xf32, #tpu.memory_space<hbm>> -> memref<10000x128xf32, #tpu.memory_space<hbm>>
        tpu.enqueue_indirect_dma source(%dma_start3A_169 : memref<10000x128xf32, #tpu.memory_space<hbm>>) target(%arg10 : memref<128x128xf32, #tpu.memory_space<vmem>>) offsets(%dma_start3A : memref<128xi32, #tpu.memory_space<vmem>>) semaphore(%arg13 : memref<!tpu.dma_semaphore, #tpu.memory_space<semaphore_mem>>)
      } else {
      }
    }
    %barrier3A_116 = arith.constant 0 : index
    tpu.barrier barrier_id(%barrier3A_116)
    %lt3A = arith.constant 15 : i32
    %lt3A_117 = arith.cmpi slt, %arg1, %lt3A : i32
    %convert_element_type3A_118 = arith.extui %lt3A_117 : i1 to i32
    %cond3A_119 = arith.constant 0 : i32
    %cond3A_120 = arith.cmpi ne, %convert_element_type3A_118, %cond3A_119 : i32
    scf.if %cond3A_120 {
      "tpu.region"() ({
        %run_scoped3A = tpu.sem_alloc : memref<!tpu.dma_semaphore, #tpu.memory_space<semaphore_mem>>
        %dma_start3A = arith.constant 0 : i32
        %dma_start3A_126 = tpu.memref_slice %arg6[%arg0, %mul3A_2, %dma_start3A] : memref<2x10000x128xf32, #tpu.memory_space<hbm>> -> memref<1x624x128xf32, #tpu.memory_space<hbm>>
        %dma_start3A_127 = tpu.memref_squeeze %dma_start3A_126 : memref<1x624x128xf32, #tpu.memory_space<hbm>> -> memref<624x128xf32, #tpu.memory_space<hbm>>
        %dma_start3A_128 = arith.constant 0 : i32
        %dma_start3A_129 = tpu.memref_slice %arg11[%mul3A_2, %dma_start3A_128] : memref<10000x128xf32, #tpu.memory_space<vmem_shared>> -> memref<624x128xf32, #tpu.memory_space<vmem_shared>>
        tpu.enqueue_dma source(%dma_start3A_129 : memref<624x128xf32, #tpu.memory_space<vmem_shared>>) target(%dma_start3A_127 : memref<624x128xf32, #tpu.memory_space<hbm>>) target_semaphore(%run_scoped3A : memref<!tpu.dma_semaphore, #tpu.memory_space<semaphore_mem>>)
        %dma_wait3A = arith.constant 0 : i32
        %dma_wait3A_130 = tpu.memref_slice %arg6[%arg0, %mul3A_2, %dma_wait3A] : memref<2x10000x128xf32, #tpu.memory_space<hbm>> -> memref<1x624x128xf32, #tpu.memory_space<hbm>>
        %dma_wait3A_131 = tpu.memref_squeeze %dma_wait3A_130 : memref<1x624x128xf32, #tpu.memory_space<hbm>> -> memref<624x128xf32, #tpu.memory_space<hbm>>
        %dma_wait3A_132 = arith.constant 0 : i32
        %dma_wait3A_133 = tpu.memref_slice %arg11[%mul3A_2, %dma_wait3A_132] : memref<10000x128xf32, #tpu.memory_space<vmem_shared>> -> memref<624x128xf32, #tpu.memory_space<vmem_shared>>
        tpu.wait_dma2 semaphore(%run_scoped3A : memref<!tpu.dma_semaphore, #tpu.memory_space<semaphore_mem>>) src(%dma_wait3A_133 : memref<624x128xf32, #tpu.memory_space<vmem_shared>>) dst(%dma_wait3A_131 : memref<624x128xf32, #tpu.memory_space<hbm>>)
        tpu.yield
      }) : () -> ()
    } else {
    }
    %eq3A_121 = arith.constant 15 : i32
    %eq3A_122 = arith.cmpi eq, %arg1, %eq3A_121 : i32
    %convert_element_type3A_123 = arith.extui %eq3A_122 : i1 to i32
    %cond3A_124 = arith.constant 0 : i32
    %cond3A_125 = arith.cmpi ne, %convert_element_type3A_123, %cond3A_124 : i32
    scf.if %cond3A_125 {
      "tpu.region"() ({
        %run_scoped3A = tpu.sem_alloc : memref<!tpu.dma_semaphore, #tpu.memory_space<semaphore_mem>>
        %dma_start3A = arith.constant 9360 : i32
        %dma_start3A_126 = arith.constant 0 : i32
        %dma_start3A_127 = tpu.memref_slice %arg6[%arg0, %dma_start3A, %dma_start3A_126] : memref<2x10000x128xf32, #tpu.memory_space<hbm>> -> memref<1x640x128xf32, #tpu.memory_space<hbm>>
        %dma_start3A_128 = tpu.memref_squeeze %dma_start3A_127 : memref<1x640x128xf32, #tpu.memory_space<hbm>> -> memref<640x128xf32, #tpu.memory_space<hbm>>
        %dma_start3A_129 = arith.constant 9360 : i32
        %dma_start3A_130 = arith.constant 0 : i32
        %dma_start3A_131 = tpu.memref_slice %arg11[%dma_start3A_129, %dma_start3A_130] : memref<10000x128xf32, #tpu.memory_space<vmem_shared>> -> memref<640x128xf32, #tpu.memory_space<vmem_shared>>
        tpu.enqueue_dma source(%dma_start3A_131 : memref<640x128xf32, #tpu.memory_space<vmem_shared>>) target(%dma_start3A_128 : memref<640x128xf32, #tpu.memory_space<hbm>>) target_semaphore(%run_scoped3A : memref<!tpu.dma_semaphore, #tpu.memory_space<semaphore_mem>>)
        %dma_wait3A = arith.constant 9360 : i32
        %dma_wait3A_132 = arith.constant 0 : i32
        %dma_wait3A_133 = tpu.memref_slice %arg6[%arg0, %dma_wait3A, %dma_wait3A_132] : memref<2x10000x128xf32, #tpu.memory_space<hbm>> -> memref<1x640x128xf32, #tpu.memory_space<hbm>>
        %dma_wait3A_134 = tpu.memref_squeeze %dma_wait3A_133 : memref<1x640x128xf32, #tpu.memory_space<hbm>> -> memref<640x128xf32, #tpu.memory_space<hbm>>
        %dma_wait3A_135 = arith.constant 9360 : i32
        %dma_wait3A_136 = arith.constant 0 : i32
        %dma_wait3A_137 = tpu.memref_slice %arg11[%dma_wait3A_135, %dma_wait3A_136] : memref<10000x128xf32, #tpu.memory_space<vmem_shared>> -> memref<640x128xf32, #tpu.memory_space<vmem_shared>>
        tpu.wait_dma2 semaphore(%run_scoped3A : memref<!tpu.dma_semaphore, #tpu.memory_space<semaphore_mem>>) src(%dma_wait3A_137 : memref<640x128xf32, #tpu.memory_space<vmem_shared>>) dst(%dma_wait3A_134 : memref<640x128xf32, #tpu.memory_space<hbm>>)
        tpu.yield
      }) : () -> ()
    } else {
    }
    return
  }
}

#map = affine_map<(d0, d1) -> (0, 0)>
#map1 = affine_map<(d0, d1) -> (0)>
#map2 = affine_map<(d0, d1) -> (0, 0, 0)>
module attributes {stable_mosaic.version = 14 : i64} {
  func.func @_sc_aggregate_body(%arg0: i32, %arg1: i32, %arg2: memref<10000x128xf32, #tpu.memory_space<hbm>>, %arg3: memref<327680xi32, #tpu.memory_space<hbm>>, %arg4: memref<64x40x128xi32, #tpu.memory_space<hbm>>, %arg5: memref<10000x128xf32, #tpu.memory_space<hbm>>, %arg6: memref<2x10000x128xf32, #tpu.memory_space<hbm>>, %arg7: memref<10240xi32, #tpu.memory_space<vmem>>, %arg8: memref<40x128xi32, #tpu.memory_space<vmem>>, %arg9: memref<128x128xf32, #tpu.memory_space<vmem>>, %arg10: memref<128x128xf32, #tpu.memory_space<vmem>>, %arg11: memref<10000x128xf32, #tpu.memory_space<vmem_shared>>, %arg12: memref<!tpu.dma_semaphore, #tpu.memory_space<semaphore_mem>>, %arg13: memref<!tpu.dma_semaphore, #tpu.memory_space<semaphore_mem>>, %arg14: memref<!tpu.dma_semaphore, #tpu.memory_space<semaphore_mem>>) attributes {dimension_semantics = [#tpu.dimension_semantics<core_parallel>, #tpu.dimension_semantics<subcore_parallel>], iteration_bounds = array<i64: 2, 16>, scalar_prefetch = 0 : i64, scratch_operands = 8 : i64, tpu.core_type = #tpu.core_type<sc_vector_subcore>, window_params = [{transform_indices = #map}, {transform_indices = #map1}, {transform_indices = #map2}, {transform_indices = #map}, {transform_indices = #map2}]} {
    %mul3A = arith.constant 16 : i32
    %mul3A_0 = arith.muli %arg0, %mul3A : i32
    %add3A = arith.addi %mul3A_0, %arg1 : i32
    %mul3A_1 = arith.constant 624 : i32
    %mul3A_2 = arith.muli %arg1, %mul3A_1 : i32
    %eq3A = arith.constant 0 : i32
    %eq3A_3 = arith.cmpi eq, %arg0, %eq3A : i32
    %convert_element_type3A = arith.extui %eq3A_3 : i1 to i32
    %cond3A = arith.constant 0 : i32
    %cond3A_4 = arith.cmpi ne, %convert_element_type3A, %cond3A : i32
    scf.if %cond3A_4 {
      %lt3A_126 = arith.constant 15 : i32
      %lt3A_127 = arith.cmpi slt, %arg1, %lt3A_126 : i32
      %convert_element_type3A_128 = arith.extui %lt3A_127 : i1 to i32
      %cond3A_129 = arith.constant 0 : i32
      %cond3A_130 = arith.cmpi ne, %convert_element_type3A_128, %cond3A_129 : i32
      scf.if %cond3A_130 {
        %dma_start3A = arith.constant 0 : i32
        %dma_start3A_136 = tpu.memref_slice %arg11[%mul3A_2, %dma_start3A] : memref<10000x128xf32, #tpu.memory_space<vmem_shared>> -> memref<624x128xf32, #tpu.memory_space<vmem_shared>>
        %dma_start3A_137 = arith.constant 0 : i32
        %dma_start3A_138 = tpu.memref_slice %arg2[%mul3A_2, %dma_start3A_137] : memref<10000x128xf32, #tpu.memory_space<hbm>> -> memref<624x128xf32, #tpu.memory_space<hbm>>
        tpu.enqueue_dma source(%dma_start3A_138 : memref<624x128xf32, #tpu.memory_space<hbm>>) target(%dma_start3A_136 : memref<624x128xf32, #tpu.memory_space<vmem_shared>>) target_semaphore(%arg14 : memref<!tpu.dma_semaphore, #tpu.memory_space<semaphore_mem>>)
      } else {
      }
      %eq3A_131 = arith.constant 15 : i32
      %eq3A_132 = arith.cmpi eq, %arg1, %eq3A_131 : i32
      %convert_element_type3A_133 = arith.extui %eq3A_132 : i1 to i32
      %cond3A_134 = arith.constant 0 : i32
      %cond3A_135 = arith.cmpi ne, %convert_element_type3A_133, %cond3A_134 : i32
      scf.if %cond3A_135 {
        %dma_start3A = arith.constant 9360 : i32
        %dma_start3A_136 = arith.constant 0 : i32
        %dma_start3A_137 = tpu.memref_slice %arg11[%dma_start3A, %dma_start3A_136] : memref<10000x128xf32, #tpu.memory_space<vmem_shared>> -> memref<640x128xf32, #tpu.memory_space<vmem_shared>>
        %dma_start3A_138 = arith.constant 9360 : i32
        %dma_start3A_139 = arith.constant 0 : i32
        %dma_start3A_140 = tpu.memref_slice %arg2[%dma_start3A_138, %dma_start3A_139] : memref<10000x128xf32, #tpu.memory_space<hbm>> -> memref<640x128xf32, #tpu.memory_space<hbm>>
        tpu.enqueue_dma source(%dma_start3A_140 : memref<640x128xf32, #tpu.memory_space<hbm>>) target(%dma_start3A_137 : memref<640x128xf32, #tpu.memory_space<vmem_shared>>) target_semaphore(%arg14 : memref<!tpu.dma_semaphore, #tpu.memory_space<semaphore_mem>>)
      } else {
      }
    } else {
    }
    %ne3A = arith.constant 0 : i32
    %ne3A_5 = arith.cmpi ne, %arg0, %ne3A : i32
    %convert_element_type3A_6 = arith.extui %ne3A_5 : i1 to i32
    %cond3A_7 = arith.constant 0 : i32
    %cond3A_8 = arith.cmpi ne, %convert_element_type3A_6, %cond3A_7 : i32
    scf.if %cond3A_8 {
      %lt3A_126 = arith.constant 15 : i32
      %lt3A_127 = arith.cmpi slt, %arg1, %lt3A_126 : i32
      %convert_element_type3A_128 = arith.extui %lt3A_127 : i1 to i32
      %cond3A_129 = arith.constant 0 : i32
      %cond3A_130 = arith.cmpi ne, %convert_element_type3A_128, %cond3A_129 : i32
      scf.if %cond3A_130 {
        %dma_start3A = arith.constant 0 : i32
        %dma_start3A_136 = tpu.memref_slice %arg11[%mul3A_2, %dma_start3A] : memref<10000x128xf32, #tpu.memory_space<vmem_shared>> -> memref<624x128xf32, #tpu.memory_space<vmem_shared>>
        %dma_start3A_137 = arith.constant 0 : i32
        %dma_start3A_138 = tpu.memref_slice %arg5[%mul3A_2, %dma_start3A_137] : memref<10000x128xf32, #tpu.memory_space<hbm>> -> memref<624x128xf32, #tpu.memory_space<hbm>>
        tpu.enqueue_dma source(%dma_start3A_138 : memref<624x128xf32, #tpu.memory_space<hbm>>) target(%dma_start3A_136 : memref<624x128xf32, #tpu.memory_space<vmem_shared>>) target_semaphore(%arg14 : memref<!tpu.dma_semaphore, #tpu.memory_space<semaphore_mem>>)
      } else {
      }
      %eq3A_131 = arith.constant 15 : i32
      %eq3A_132 = arith.cmpi eq, %arg1, %eq3A_131 : i32
      %convert_element_type3A_133 = arith.extui %eq3A_132 : i1 to i32
      %cond3A_134 = arith.constant 0 : i32
      %cond3A_135 = arith.cmpi ne, %convert_element_type3A_133, %cond3A_134 : i32
      scf.if %cond3A_135 {
        %dma_start3A = arith.constant 9360 : i32
        %dma_start3A_136 = arith.constant 0 : i32
        %dma_start3A_137 = tpu.memref_slice %arg11[%dma_start3A, %dma_start3A_136] : memref<10000x128xf32, #tpu.memory_space<vmem_shared>> -> memref<640x128xf32, #tpu.memory_space<vmem_shared>>
        %dma_start3A_138 = arith.constant 9360 : i32
        %dma_start3A_139 = arith.constant 0 : i32
        %dma_start3A_140 = tpu.memref_slice %arg5[%dma_start3A_138, %dma_start3A_139] : memref<10000x128xf32, #tpu.memory_space<hbm>> -> memref<640x128xf32, #tpu.memory_space<hbm>>
        tpu.enqueue_dma source(%dma_start3A_140 : memref<640x128xf32, #tpu.memory_space<hbm>>) target(%dma_start3A_137 : memref<640x128xf32, #tpu.memory_space<vmem_shared>>) target_semaphore(%arg14 : memref<!tpu.dma_semaphore, #tpu.memory_space<semaphore_mem>>)
      } else {
      }
    } else {
    }
    %mul3A_9 = arith.constant 80 : i32
    %mul3A_10 = arith.muli %add3A, %mul3A_9 : i32
    %mul3A_11 = arith.constant 128 : i32
    %mul3A_12 = arith.muli %mul3A_10, %mul3A_11 : i32
    %multiple_of3A = tpu.assume_multiple %mul3A_12, 10240 : i32
    "tpu.region"() ({
      %run_scoped3A = tpu.sem_alloc : memref<!tpu.dma_semaphore, #tpu.memory_space<semaphore_mem>>
      %dma_start3A = tpu.memref_slice %arg3[%multiple_of3A] : memref<327680xi32, #tpu.memory_space<hbm>> -> memref<10240xi32, #tpu.memory_space<hbm>>
      %dma_start3A_126 = tpu.memref_slice %arg3[%multiple_of3A] : memref<327680xi32, #tpu.memory_space<hbm>> -> memref<10240xi32, #tpu.memory_space<hbm>>
      tpu.enqueue_dma source(%dma_start3A_126 : memref<10240xi32, #tpu.memory_space<hbm>>) target(%arg7 : memref<10240xi32, #tpu.memory_space<vmem>>) target_semaphore(%run_scoped3A : memref<!tpu.dma_semaphore, #tpu.memory_space<semaphore_mem>>)
      %dma_wait3A = tpu.memref_slice %arg3[%multiple_of3A] : memref<327680xi32, #tpu.memory_space<hbm>> -> memref<10240xi32, #tpu.memory_space<hbm>>
      %dma_wait3A_127 = tpu.memref_slice %arg3[%multiple_of3A] : memref<327680xi32, #tpu.memory_space<hbm>> -> memref<10240xi32, #tpu.memory_space<hbm>>
      tpu.wait_dma2 semaphore(%run_scoped3A : memref<!tpu.dma_semaphore, #tpu.memory_space<semaphore_mem>>) src(%dma_wait3A_127 : memref<10240xi32, #tpu.memory_space<hbm>>) dst(%arg7 : memref<10240xi32, #tpu.memory_space<vmem>>)
      tpu.yield
    }) : () -> ()
    %mul3A_13 = arith.constant 2 : i32
    %mul3A_14 = arith.muli %add3A, %mul3A_13 : i32
    "tpu.region"() ({
      %run_scoped3A = tpu.sem_alloc : memref<!tpu.dma_semaphore, #tpu.memory_space<semaphore_mem>>
      %dma_start3A = arith.constant 0 : i32
      %dma_start3A_126 = arith.constant 0 : i32
      %dma_start3A_127 = tpu.memref_slice %arg4[%mul3A_14, %dma_start3A, %dma_start3A_126] : memref<64x40x128xi32, #tpu.memory_space<hbm>> -> memref<1x40x128xi32, #tpu.memory_space<hbm>>
      %dma_start3A_128 = tpu.memref_squeeze %dma_start3A_127 : memref<1x40x128xi32, #tpu.memory_space<hbm>> -> memref<40x128xi32, #tpu.memory_space<hbm>>
      %dma_start3A_129 = arith.constant 0 : i32
      %dma_start3A_130 = arith.constant 0 : i32
      %dma_start3A_131 = tpu.memref_slice %arg4[%mul3A_14, %dma_start3A_129, %dma_start3A_130] : memref<64x40x128xi32, #tpu.memory_space<hbm>> -> memref<1x40x128xi32, #tpu.memory_space<hbm>>
      %dma_start3A_132 = tpu.memref_squeeze %dma_start3A_131 : memref<1x40x128xi32, #tpu.memory_space<hbm>> -> memref<40x128xi32, #tpu.memory_space<hbm>>
      tpu.enqueue_dma source(%dma_start3A_132 : memref<40x128xi32, #tpu.memory_space<hbm>>) target(%arg8 : memref<40x128xi32, #tpu.memory_space<vmem>>) target_semaphore(%run_scoped3A : memref<!tpu.dma_semaphore, #tpu.memory_space<semaphore_mem>>)
      %dma_wait3A = arith.constant 0 : i32
      %dma_wait3A_133 = arith.constant 0 : i32
      %dma_wait3A_134 = tpu.memref_slice %arg4[%mul3A_14, %dma_wait3A, %dma_wait3A_133] : memref<64x40x128xi32, #tpu.memory_space<hbm>> -> memref<1x40x128xi32, #tpu.memory_space<hbm>>
      %dma_wait3A_135 = tpu.memref_squeeze %dma_wait3A_134 : memref<1x40x128xi32, #tpu.memory_space<hbm>> -> memref<40x128xi32, #tpu.memory_space<hbm>>
      %dma_wait3A_136 = arith.constant 0 : i32
      %dma_wait3A_137 = arith.constant 0 : i32
      %dma_wait3A_138 = tpu.memref_slice %arg4[%mul3A_14, %dma_wait3A_136, %dma_wait3A_137] : memref<64x40x128xi32, #tpu.memory_space<hbm>> -> memref<1x40x128xi32, #tpu.memory_space<hbm>>
      %dma_wait3A_139 = tpu.memref_squeeze %dma_wait3A_138 : memref<1x40x128xi32, #tpu.memory_space<hbm>> -> memref<40x128xi32, #tpu.memory_space<hbm>>
      tpu.wait_dma2 semaphore(%run_scoped3A : memref<!tpu.dma_semaphore, #tpu.memory_space<semaphore_mem>>) src(%dma_wait3A_139 : memref<40x128xi32, #tpu.memory_space<hbm>>) dst(%arg8 : memref<40x128xi32, #tpu.memory_space<vmem>>)
      tpu.yield
    }) : () -> ()
    %mul3A_15 = arith.constant 80 : i32
    %mul3A_16 = arith.muli %add3A, %mul3A_15 : i32
    %sub3A = arith.constant 2500 : i32
    %sub3A_17 = arith.subi %sub3A, %mul3A_16 : i32
    %min3A = arith.constant 80 : i32
    %min3A_18 = arith.minsi %min3A, %sub3A_17 : i32
    %min3A_19 = arith.constant 40 : i32
    %min3A_20 = arith.minsi %min3A_18, %min3A_19 : i32
    %gt3A = arith.constant 0 : i32
    %gt3A_21 = arith.cmpi sgt, %min3A_20, %gt3A : i32
    %convert_element_type3A_22 = arith.extui %gt3A_21 : i1 to i32
    %cond3A_23 = arith.constant 0 : i32
    %cond3A_24 = arith.cmpi ne, %convert_element_type3A_22, %cond3A_23 : i32
    scf.if %cond3A_24 {
      %multiple_of3A_126 = arith.constant 0 : i32
      %multiple_of3A_127 = tpu.assume_multiple %multiple_of3A_126, 128 : i32
      %dma_start3A = tpu.memref_slice %arg7[%multiple_of3A_127] : memref<10240xi32, #tpu.memory_space<vmem>> -> memref<128xi32, #tpu.memory_space<vmem>>
      %dma_start3A_128 = arith.constant 0 : i32
      %dma_start3A_129 = arith.constant 0 : i32
      %dma_start3A_130 = tpu.memref_slice %arg2[%dma_start3A_128, %dma_start3A_129] : memref<10000x128xf32, #tpu.memory_space<hbm>> -> memref<10000x128xf32, #tpu.memory_space<hbm>>
      tpu.enqueue_indirect_dma source(%dma_start3A_130 : memref<10000x128xf32, #tpu.memory_space<hbm>>) target(%arg9 : memref<128x128xf32, #tpu.memory_space<vmem>>) offsets(%dma_start3A : memref<128xi32, #tpu.memory_space<vmem>>) semaphore(%arg12 : memref<!tpu.dma_semaphore, #tpu.memory_space<semaphore_mem>>)
      %multiple_of3A_131 = arith.constant 128 : i32
      %multiple_of3A_132 = tpu.assume_multiple %multiple_of3A_131, 128 : i32
      %dma_start3A_133 = tpu.memref_slice %arg7[%multiple_of3A_132] : memref<10240xi32, #tpu.memory_space<vmem>> -> memref<128xi32, #tpu.memory_space<vmem>>
      %dma_start3A_134 = arith.constant 0 : i32
      %dma_start3A_135 = arith.constant 0 : i32
      %dma_start3A_136 = tpu.memref_slice %arg2[%dma_start3A_134, %dma_start3A_135] : memref<10000x128xf32, #tpu.memory_space<hbm>> -> memref<10000x128xf32, #tpu.memory_space<hbm>>
      tpu.enqueue_indirect_dma source(%dma_start3A_136 : memref<10000x128xf32, #tpu.memory_space<hbm>>) target(%arg10 : memref<128x128xf32, #tpu.memory_space<vmem>>) offsets(%dma_start3A_133 : memref<128xi32, #tpu.memory_space<vmem>>) semaphore(%arg13 : memref<!tpu.dma_semaphore, #tpu.memory_space<semaphore_mem>>)
    } else {
    }
    %eq3A_25 = arith.constant 0 : i32
    %eq3A_26 = arith.cmpi eq, %arg0, %eq3A_25 : i32
    %convert_element_type3A_27 = arith.extui %eq3A_26 : i1 to i32
    %cond3A_28 = arith.constant 0 : i32
    %cond3A_29 = arith.cmpi ne, %convert_element_type3A_27, %cond3A_28 : i32
    scf.if %cond3A_29 {
      %lt3A_126 = arith.constant 15 : i32
      %lt3A_127 = arith.cmpi slt, %arg1, %lt3A_126 : i32
      %convert_element_type3A_128 = arith.extui %lt3A_127 : i1 to i32
      %cond3A_129 = arith.constant 0 : i32
      %cond3A_130 = arith.cmpi ne, %convert_element_type3A_128, %cond3A_129 : i32
      scf.if %cond3A_130 {
        %dma_wait3A = arith.constant 0 : i32
        %dma_wait3A_136 = tpu.memref_slice %arg11[%mul3A_2, %dma_wait3A] : memref<10000x128xf32, #tpu.memory_space<vmem_shared>> -> memref<624x128xf32, #tpu.memory_space<vmem_shared>>
        %dma_wait3A_137 = arith.constant 0 : i32
        %dma_wait3A_138 = tpu.memref_slice %arg2[%mul3A_2, %dma_wait3A_137] : memref<10000x128xf32, #tpu.memory_space<hbm>> -> memref<624x128xf32, #tpu.memory_space<hbm>>
        tpu.wait_dma2 semaphore(%arg14 : memref<!tpu.dma_semaphore, #tpu.memory_space<semaphore_mem>>) src(%dma_wait3A_138 : memref<624x128xf32, #tpu.memory_space<hbm>>) dst(%dma_wait3A_136 : memref<624x128xf32, #tpu.memory_space<vmem_shared>>)
      } else {
      }
      %eq3A_131 = arith.constant 15 : i32
      %eq3A_132 = arith.cmpi eq, %arg1, %eq3A_131 : i32
      %convert_element_type3A_133 = arith.extui %eq3A_132 : i1 to i32
      %cond3A_134 = arith.constant 0 : i32
      %cond3A_135 = arith.cmpi ne, %convert_element_type3A_133, %cond3A_134 : i32
      scf.if %cond3A_135 {
        %dma_wait3A = arith.constant 9360 : i32
        %dma_wait3A_136 = arith.constant 0 : i32
        %dma_wait3A_137 = tpu.memref_slice %arg11[%dma_wait3A, %dma_wait3A_136] : memref<10000x128xf32, #tpu.memory_space<vmem_shared>> -> memref<640x128xf32, #tpu.memory_space<vmem_shared>>
        %dma_wait3A_138 = arith.constant 9360 : i32
        %dma_wait3A_139 = arith.constant 0 : i32
        %dma_wait3A_140 = tpu.memref_slice %arg2[%dma_wait3A_138, %dma_wait3A_139] : memref<10000x128xf32, #tpu.memory_space<hbm>> -> memref<640x128xf32, #tpu.memory_space<hbm>>
        tpu.wait_dma2 semaphore(%arg14 : memref<!tpu.dma_semaphore, #tpu.memory_space<semaphore_mem>>) src(%dma_wait3A_140 : memref<640x128xf32, #tpu.memory_space<hbm>>) dst(%dma_wait3A_137 : memref<640x128xf32, #tpu.memory_space<vmem_shared>>)
      } else {
      }
    } else {
    }
    %ne3A_30 = arith.constant 0 : i32
    %ne3A_31 = arith.cmpi ne, %arg0, %ne3A_30 : i32
    %convert_element_type3A_32 = arith.extui %ne3A_31 : i1 to i32
    %cond3A_33 = arith.constant 0 : i32
    %cond3A_34 = arith.cmpi ne, %convert_element_type3A_32, %cond3A_33 : i32
    scf.if %cond3A_34 {
      %lt3A_126 = arith.constant 15 : i32
      %lt3A_127 = arith.cmpi slt, %arg1, %lt3A_126 : i32
      %convert_element_type3A_128 = arith.extui %lt3A_127 : i1 to i32
      %cond3A_129 = arith.constant 0 : i32
      %cond3A_130 = arith.cmpi ne, %convert_element_type3A_128, %cond3A_129 : i32
      scf.if %cond3A_130 {
        %dma_wait3A = arith.constant 0 : i32
        %dma_wait3A_136 = tpu.memref_slice %arg11[%mul3A_2, %dma_wait3A] : memref<10000x128xf32, #tpu.memory_space<vmem_shared>> -> memref<624x128xf32, #tpu.memory_space<vmem_shared>>
        %dma_wait3A_137 = arith.constant 0 : i32
        %dma_wait3A_138 = tpu.memref_slice %arg5[%mul3A_2, %dma_wait3A_137] : memref<10000x128xf32, #tpu.memory_space<hbm>> -> memref<624x128xf32, #tpu.memory_space<hbm>>
        tpu.wait_dma2 semaphore(%arg14 : memref<!tpu.dma_semaphore, #tpu.memory_space<semaphore_mem>>) src(%dma_wait3A_138 : memref<624x128xf32, #tpu.memory_space<hbm>>) dst(%dma_wait3A_136 : memref<624x128xf32, #tpu.memory_space<vmem_shared>>)
      } else {
      }
      %eq3A_131 = arith.constant 15 : i32
      %eq3A_132 = arith.cmpi eq, %arg1, %eq3A_131 : i32
      %convert_element_type3A_133 = arith.extui %eq3A_132 : i1 to i32
      %cond3A_134 = arith.constant 0 : i32
      %cond3A_135 = arith.cmpi ne, %convert_element_type3A_133, %cond3A_134 : i32
      scf.if %cond3A_135 {
        %dma_wait3A = arith.constant 9360 : i32
        %dma_wait3A_136 = arith.constant 0 : i32
        %dma_wait3A_137 = tpu.memref_slice %arg11[%dma_wait3A, %dma_wait3A_136] : memref<10000x128xf32, #tpu.memory_space<vmem_shared>> -> memref<640x128xf32, #tpu.memory_space<vmem_shared>>
        %dma_wait3A_138 = arith.constant 9360 : i32
        %dma_wait3A_139 = arith.constant 0 : i32
        %dma_wait3A_140 = tpu.memref_slice %arg5[%dma_wait3A_138, %dma_wait3A_139] : memref<10000x128xf32, #tpu.memory_space<hbm>> -> memref<640x128xf32, #tpu.memory_space<hbm>>
        tpu.wait_dma2 semaphore(%arg14 : memref<!tpu.dma_semaphore, #tpu.memory_space<semaphore_mem>>) src(%dma_wait3A_140 : memref<640x128xf32, #tpu.memory_space<hbm>>) dst(%dma_wait3A_137 : memref<640x128xf32, #tpu.memory_space<vmem_shared>>)
      } else {
      }
    } else {
    }
    %barrier3A = arith.constant 0 : index
    tpu.barrier barrier_id(%barrier3A)
    %sub3A_35 = arith.constant 0 : i32
    %sub3A_36 = arith.subi %min3A_18, %sub3A_35 : i32
    %jit3A = arith.constant 0 : i32
    %jit3A_37 = arith.constant 40 : i32
    %max3A = arith.maxsi %jit3A, %sub3A_36 : i32
    %min3A_38 = arith.minsi %jit3A_37, %max3A : i32
    %jit3A_39 = arith.constant 2 : i32
    %div3A = arith.divsi %min3A_38, %jit3A_39 : i32
    %sign3A = arith.constant 0 : i32
    %sign3A_40 = arith.cmpi sgt, %min3A_38, %sign3A : i32
    %sign3A_41 = arith.extui %sign3A_40 : i1 to i32
    %sign3A_42 = arith.constant 0 : i32
    %sign3A_43 = arith.cmpi slt, %min3A_38, %sign3A_42 : i32
    %sign3A_44 = arith.extui %sign3A_43 : i1 to i32
    %sign3A_45 = arith.subi %sign3A_41, %sign3A_44 : i32
    %sign3A_46 = arith.constant 0 : i32
    %sign3A_47 = arith.cmpi sgt, %jit3A_39, %sign3A_46 : i32
    %sign3A_48 = arith.extui %sign3A_47 : i1 to i32
    %sign3A_49 = arith.constant 0 : i32
    %sign3A_50 = arith.cmpi slt, %jit3A_39, %sign3A_49 : i32
    %sign3A_51 = arith.extui %sign3A_50 : i1 to i32
    %sign3A_52 = arith.subi %sign3A_48, %sign3A_51 : i32
    %ne3A_53 = arith.cmpi ne, %sign3A_45, %sign3A_52 : i32
    %rem3A = arith.remsi %min3A_38, %jit3A_39 : i32
    %ne3A_54 = arith.constant 0 : i32
    %ne3A_55 = arith.cmpi ne, %rem3A, %ne3A_54 : i32
    %and3A = arith.andi %ne3A_53, %ne3A_55 : i1
    %sub3A_56 = arith.constant 1 : i32
    %sub3A_57 = arith.subi %div3A, %sub3A_56 : i32
    %select_n3A = arith.select %and3A, %sub3A_57, %div3A : i32
    %while3A = arith.constant 0 : i32
    %while3A_58 = arith.constant 0 : i32
    %while3A_59 = arith.subi %select_n3A, %while3A_58 : i32
    %while3A_60 = arith.addi %while3A_58, %while3A_59 : i32
    %while3A_61 = arith.constant 1 : i32
    %while3A_62 = arith.divsi %while3A_59, %while3A_61 : i32
    %while3A_63 = arith.muli %while3A_62, %while3A_61 : i32
    %while3A_64 = arith.addi %while3A_58, %while3A_63 : i32
    %while3A_65 = arith.constant 1 : i32
    scf.for %while3A_126 = %while3A_58 to %while3A_64 step %while3A_65  : i32 {
      %mul3A_127 = arith.constant 2 : i32
      %mul3A_128 = arith.muli %mul3A_127, %while3A_126 : i32
      %add3A_129 = arith.constant 1 : i32
      %add3A_130 = arith.addi %mul3A_128, %add3A_129 : i32
      %add3A_131 = arith.constant 0 : i32
      %add3A_132 = arith.addi %add3A_131, %mul3A_128 : i32
      %mul3A_133 = arith.constant 128 : i32
      %mul3A_134 = arith.muli %add3A_132, %mul3A_133 : i32
      %multiple_of3A_135 = tpu.assume_multiple %mul3A_134, 128 : i32
      %dma_wait3A = tpu.memref_slice %arg7[%multiple_of3A_135] : memref<10240xi32, #tpu.memory_space<vmem>> -> memref<128xi32, #tpu.memory_space<vmem>>
      %dma_wait3A_136 = arith.constant 0 : i32
      %dma_wait3A_137 = arith.constant 0 : i32
      %dma_wait3A_138 = tpu.memref_slice %arg2[%dma_wait3A_136, %dma_wait3A_137] : memref<10000x128xf32, #tpu.memory_space<hbm>> -> memref<10000x128xf32, #tpu.memory_space<hbm>>
      tpu.wait_indirect_dma semaphore(%arg12 : memref<!tpu.dma_semaphore, #tpu.memory_space<semaphore_mem>>) src(%dma_wait3A_138 : memref<10000x128xf32, #tpu.memory_space<hbm>>) dst(%arg9 : memref<128x128xf32, #tpu.memory_space<vmem>>)
      "tpu.region"() ({
        %run_scoped3A = tpu.sem_alloc : memref<!tpu.dma_semaphore, #tpu.memory_space<semaphore_mem>>
        %dma_start3A = arith.constant 0 : i32
        %dma_start3A_160 = tpu.memref_slice %arg8[%mul3A_128, %dma_start3A] : memref<40x128xi32, #tpu.memory_space<vmem>> -> memref<1x128xi32, #tpu.memory_space<vmem>>
        %dma_start3A_161 = tpu.memref_squeeze %dma_start3A_160 : memref<1x128xi32, #tpu.memory_space<vmem>> -> memref<128xi32, #tpu.memory_space<vmem>>
        %dma_start3A_162 = arith.constant 0 : i32
        %dma_start3A_163 = arith.constant 0 : i32
        %dma_start3A_164 = tpu.memref_slice %arg11[%dma_start3A_162, %dma_start3A_163] : memref<10000x128xf32, #tpu.memory_space<vmem_shared>> -> memref<10000x128xf32, #tpu.memory_space<vmem_shared>>
        tpu.enqueue_indirect_dma source(%arg9 : memref<128x128xf32, #tpu.memory_space<vmem>>) target(%dma_start3A_164 : memref<10000x128xf32, #tpu.memory_space<vmem_shared>>) offsets(%dma_start3A_161 : memref<128xi32, #tpu.memory_space<vmem>>) semaphore(%run_scoped3A : memref<!tpu.dma_semaphore, #tpu.memory_space<semaphore_mem>>) {add = true}
        %dma_wait3A_165 = arith.constant 0 : i32
        %dma_wait3A_166 = tpu.memref_slice %arg8[%mul3A_128, %dma_wait3A_165] : memref<40x128xi32, #tpu.memory_space<vmem>> -> memref<1x128xi32, #tpu.memory_space<vmem>>
        %dma_wait3A_167 = tpu.memref_squeeze %dma_wait3A_166 : memref<1x128xi32, #tpu.memory_space<vmem>> -> memref<128xi32, #tpu.memory_space<vmem>>
        %dma_wait3A_168 = arith.constant 0 : i32
        %dma_wait3A_169 = arith.constant 0 : i32
        %dma_wait3A_170 = tpu.memref_slice %arg11[%dma_wait3A_168, %dma_wait3A_169] : memref<10000x128xf32, #tpu.memory_space<vmem_shared>> -> memref<10000x128xf32, #tpu.memory_space<vmem_shared>>
        tpu.wait_indirect_dma semaphore(%run_scoped3A : memref<!tpu.dma_semaphore, #tpu.memory_space<semaphore_mem>>) src(%arg9 : memref<128x128xf32, #tpu.memory_space<vmem>>) dst(%dma_wait3A_170 : memref<10000x128xf32, #tpu.memory_space<vmem_shared>>)
        tpu.yield
      }) : () -> ()
      %add3A_139 = arith.constant 2 : i32
      %add3A_140 = arith.addi %mul3A_128, %add3A_139 : i32
      %lt3A_141 = arith.cmpi slt, %add3A_140, %min3A_38 : i32
      %convert_element_type3A_142 = arith.extui %lt3A_141 : i1 to i32
      %cond3A_143 = arith.constant 0 : i32
      %cond3A_144 = arith.cmpi ne, %convert_element_type3A_142, %cond3A_143 : i32
      scf.if %cond3A_144 {
        %add3A_160 = arith.constant 0 : i32
        %add3A_161 = arith.addi %add3A_160, %mul3A_128 : i32
        %add3A_162 = arith.constant 2 : i32
        %add3A_163 = arith.addi %add3A_161, %add3A_162 : i32
        %mul3A_164 = arith.constant 128 : i32
        %mul3A_165 = arith.muli %add3A_163, %mul3A_164 : i32
        %multiple_of3A_166 = tpu.assume_multiple %mul3A_165, 128 : i32
        %dma_start3A = tpu.memref_slice %arg7[%multiple_of3A_166] : memref<10240xi32, #tpu.memory_space<vmem>> -> memref<128xi32, #tpu.memory_space<vmem>>
        %dma_start3A_167 = arith.constant 0 : i32
        %dma_start3A_168 = arith.constant 0 : i32
        %dma_start3A_169 = tpu.memref_slice %arg2[%dma_start3A_167, %dma_start3A_168] : memref<10000x128xf32, #tpu.memory_space<hbm>> -> memref<10000x128xf32, #tpu.memory_space<hbm>>
        tpu.enqueue_indirect_dma source(%dma_start3A_169 : memref<10000x128xf32, #tpu.memory_space<hbm>>) target(%arg9 : memref<128x128xf32, #tpu.memory_space<vmem>>) offsets(%dma_start3A : memref<128xi32, #tpu.memory_space<vmem>>) semaphore(%arg12 : memref<!tpu.dma_semaphore, #tpu.memory_space<semaphore_mem>>)
      } else {
      }
      %add3A_145 = arith.constant 0 : i32
      %add3A_146 = arith.addi %add3A_145, %add3A_130 : i32
      %mul3A_147 = arith.constant 128 : i32
      %mul3A_148 = arith.muli %add3A_146, %mul3A_147 : i32
      %multiple_of3A_149 = tpu.assume_multiple %mul3A_148, 128 : i32
      %dma_wait3A_150 = tpu.memref_slice %arg7[%multiple_of3A_149] : memref<10240xi32, #tpu.memory_space<vmem>> -> memref<128xi32, #tpu.memory_space<vmem>>
      %dma_wait3A_151 = arith.constant 0 : i32
      %dma_wait3A_152 = arith.constant 0 : i32
      %dma_wait3A_153 = tpu.memref_slice %arg2[%dma_wait3A_151, %dma_wait3A_152] : memref<10000x128xf32, #tpu.memory_space<hbm>> -> memref<10000x128xf32, #tpu.memory_space<hbm>>
      tpu.wait_indirect_dma semaphore(%arg13 : memref<!tpu.dma_semaphore, #tpu.memory_space<semaphore_mem>>) src(%dma_wait3A_153 : memref<10000x128xf32, #tpu.memory_space<hbm>>) dst(%arg10 : memref<128x128xf32, #tpu.memory_space<vmem>>)
      "tpu.region"() ({
        %run_scoped3A = tpu.sem_alloc : memref<!tpu.dma_semaphore, #tpu.memory_space<semaphore_mem>>
        %dma_start3A = arith.constant 0 : i32
        %dma_start3A_160 = tpu.memref_slice %arg8[%add3A_130, %dma_start3A] : memref<40x128xi32, #tpu.memory_space<vmem>> -> memref<1x128xi32, #tpu.memory_space<vmem>>
        %dma_start3A_161 = tpu.memref_squeeze %dma_start3A_160 : memref<1x128xi32, #tpu.memory_space<vmem>> -> memref<128xi32, #tpu.memory_space<vmem>>
        %dma_start3A_162 = arith.constant 0 : i32
        %dma_start3A_163 = arith.constant 0 : i32
        %dma_start3A_164 = tpu.memref_slice %arg11[%dma_start3A_162, %dma_start3A_163] : memref<10000x128xf32, #tpu.memory_space<vmem_shared>> -> memref<10000x128xf32, #tpu.memory_space<vmem_shared>>
        tpu.enqueue_indirect_dma source(%arg10 : memref<128x128xf32, #tpu.memory_space<vmem>>) target(%dma_start3A_164 : memref<10000x128xf32, #tpu.memory_space<vmem_shared>>) offsets(%dma_start3A_161 : memref<128xi32, #tpu.memory_space<vmem>>) semaphore(%run_scoped3A : memref<!tpu.dma_semaphore, #tpu.memory_space<semaphore_mem>>) {add = true}
        %dma_wait3A_165 = arith.constant 0 : i32
        %dma_wait3A_166 = tpu.memref_slice %arg8[%add3A_130, %dma_wait3A_165] : memref<40x128xi32, #tpu.memory_space<vmem>> -> memref<1x128xi32, #tpu.memory_space<vmem>>
        %dma_wait3A_167 = tpu.memref_squeeze %dma_wait3A_166 : memref<1x128xi32, #tpu.memory_space<vmem>> -> memref<128xi32, #tpu.memory_space<vmem>>
        %dma_wait3A_168 = arith.constant 0 : i32
        %dma_wait3A_169 = arith.constant 0 : i32
        %dma_wait3A_170 = tpu.memref_slice %arg11[%dma_wait3A_168, %dma_wait3A_169] : memref<10000x128xf32, #tpu.memory_space<vmem_shared>> -> memref<10000x128xf32, #tpu.memory_space<vmem_shared>>
        tpu.wait_indirect_dma semaphore(%run_scoped3A : memref<!tpu.dma_semaphore, #tpu.memory_space<semaphore_mem>>) src(%arg10 : memref<128x128xf32, #tpu.memory_space<vmem>>) dst(%dma_wait3A_170 : memref<10000x128xf32, #tpu.memory_space<vmem_shared>>)
        tpu.yield
      }) : () -> ()
      %add3A_154 = arith.constant 2 : i32
      %add3A_155 = arith.addi %add3A_130, %add3A_154 : i32
      %lt3A_156 = arith.cmpi slt, %add3A_155, %min3A_38 : i32
      %convert_element_type3A_157 = arith.extui %lt3A_156 : i1 to i32
      %cond3A_158 = arith.constant 0 : i32
      %cond3A_159 = arith.cmpi ne, %convert_element_type3A_157, %cond3A_158 : i32
      scf.if %cond3A_159 {
        %add3A_160 = arith.constant 0 : i32
        %add3A_161 = arith.addi %add3A_160, %add3A_130 : i32
        %add3A_162 = arith.constant 2 : i32
        %add3A_163 = arith.addi %add3A_161, %add3A_162 : i32
        %mul3A_164 = arith.constant 128 : i32
        %mul3A_165 = arith.muli %add3A_163, %mul3A_164 : i32
        %multiple_of3A_166 = tpu.assume_multiple %mul3A_165, 128 : i32
        %dma_start3A = tpu.memref_slice %arg7[%multiple_of3A_166] : memref<10240xi32, #tpu.memory_space<vmem>> -> memref<128xi32, #tpu.memory_space<vmem>>
        %dma_start3A_167 = arith.constant 0 : i32
        %dma_start3A_168 = arith.constant 0 : i32
        %dma_start3A_169 = tpu.memref_slice %arg2[%dma_start3A_167, %dma_start3A_168] : memref<10000x128xf32, #tpu.memory_space<hbm>> -> memref<10000x128xf32, #tpu.memory_space<hbm>>
        tpu.enqueue_indirect_dma source(%dma_start3A_169 : memref<10000x128xf32, #tpu.memory_space<hbm>>) target(%arg10 : memref<128x128xf32, #tpu.memory_space<vmem>>) offsets(%dma_start3A : memref<128xi32, #tpu.memory_space<vmem>>) semaphore(%arg13 : memref<!tpu.dma_semaphore, #tpu.memory_space<semaphore_mem>>)
      } else {
      }
    }
    %while3A_66 = arith.constant 1 : i32
    scf.for %while3A_126 = %while3A_64 to %while3A_60 step %while3A_66  : i32 {
      %mul3A_127 = arith.constant 2 : i32
      %mul3A_128 = arith.muli %mul3A_127, %while3A_126 : i32
      %add3A_129 = arith.constant 1 : i32
      %add3A_130 = arith.addi %mul3A_128, %add3A_129 : i32
      %add3A_131 = arith.constant 0 : i32
      %add3A_132 = arith.addi %add3A_131, %mul3A_128 : i32
      %mul3A_133 = arith.constant 128 : i32
      %mul3A_134 = arith.muli %add3A_132, %mul3A_133 : i32
      %multiple_of3A_135 = tpu.assume_multiple %mul3A_134, 128 : i32
      %dma_wait3A = tpu.memref_slice %arg7[%multiple_of3A_135] : memref<10240xi32, #tpu.memory_space<vmem>> -> memref<128xi32, #tpu.memory_space<vmem>>
      %dma_wait3A_136 = arith.constant 0 : i32
      %dma_wait3A_137 = arith.constant 0 : i32
      %dma_wait3A_138 = tpu.memref_slice %arg2[%dma_wait3A_136, %dma_wait3A_137] : memref<10000x128xf32, #tpu.memory_space<hbm>> -> memref<10000x128xf32, #tpu.memory_space<hbm>>
      tpu.wait_indirect_dma semaphore(%arg12 : memref<!tpu.dma_semaphore, #tpu.memory_space<semaphore_mem>>) src(%dma_wait3A_138 : memref<10000x128xf32, #tpu.memory_space<hbm>>) dst(%arg9 : memref<128x128xf32, #tpu.memory_space<vmem>>)
      "tpu.region"() ({
        %run_scoped3A = tpu.sem_alloc : memref<!tpu.dma_semaphore, #tpu.memory_space<semaphore_mem>>
        %dma_start3A = arith.constant 0 : i32
        %dma_start3A_160 = tpu.memref_slice %arg8[%mul3A_128, %dma_start3A] : memref<40x128xi32, #tpu.memory_space<vmem>> -> memref<1x128xi32, #tpu.memory_space<vmem>>
        %dma_start3A_161 = tpu.memref_squeeze %dma_start3A_160 : memref<1x128xi32, #tpu.memory_space<vmem>> -> memref<128xi32, #tpu.memory_space<vmem>>
        %dma_start3A_162 = arith.constant 0 : i32
        %dma_start3A_163 = arith.constant 0 : i32
        %dma_start3A_164 = tpu.memref_slice %arg11[%dma_start3A_162, %dma_start3A_163] : memref<10000x128xf32, #tpu.memory_space<vmem_shared>> -> memref<10000x128xf32, #tpu.memory_space<vmem_shared>>
        tpu.enqueue_indirect_dma source(%arg9 : memref<128x128xf32, #tpu.memory_space<vmem>>) target(%dma_start3A_164 : memref<10000x128xf32, #tpu.memory_space<vmem_shared>>) offsets(%dma_start3A_161 : memref<128xi32, #tpu.memory_space<vmem>>) semaphore(%run_scoped3A : memref<!tpu.dma_semaphore, #tpu.memory_space<semaphore_mem>>) {add = true}
        %dma_wait3A_165 = arith.constant 0 : i32
        %dma_wait3A_166 = tpu.memref_slice %arg8[%mul3A_128, %dma_wait3A_165] : memref<40x128xi32, #tpu.memory_space<vmem>> -> memref<1x128xi32, #tpu.memory_space<vmem>>
        %dma_wait3A_167 = tpu.memref_squeeze %dma_wait3A_166 : memref<1x128xi32, #tpu.memory_space<vmem>> -> memref<128xi32, #tpu.memory_space<vmem>>
        %dma_wait3A_168 = arith.constant 0 : i32
        %dma_wait3A_169 = arith.constant 0 : i32
        %dma_wait3A_170 = tpu.memref_slice %arg11[%dma_wait3A_168, %dma_wait3A_169] : memref<10000x128xf32, #tpu.memory_space<vmem_shared>> -> memref<10000x128xf32, #tpu.memory_space<vmem_shared>>
        tpu.wait_indirect_dma semaphore(%run_scoped3A : memref<!tpu.dma_semaphore, #tpu.memory_space<semaphore_mem>>) src(%arg9 : memref<128x128xf32, #tpu.memory_space<vmem>>) dst(%dma_wait3A_170 : memref<10000x128xf32, #tpu.memory_space<vmem_shared>>)
        tpu.yield
      }) : () -> ()
      %add3A_139 = arith.constant 2 : i32
      %add3A_140 = arith.addi %mul3A_128, %add3A_139 : i32
      %lt3A_141 = arith.cmpi slt, %add3A_140, %min3A_38 : i32
      %convert_element_type3A_142 = arith.extui %lt3A_141 : i1 to i32
      %cond3A_143 = arith.constant 0 : i32
      %cond3A_144 = arith.cmpi ne, %convert_element_type3A_142, %cond3A_143 : i32
      scf.if %cond3A_144 {
        %add3A_160 = arith.constant 0 : i32
        %add3A_161 = arith.addi %add3A_160, %mul3A_128 : i32
        %add3A_162 = arith.constant 2 : i32
        %add3A_163 = arith.addi %add3A_161, %add3A_162 : i32
        %mul3A_164 = arith.constant 128 : i32
        %mul3A_165 = arith.muli %add3A_163, %mul3A_164 : i32
        %multiple_of3A_166 = tpu.assume_multiple %mul3A_165, 128 : i32
        %dma_start3A = tpu.memref_slice %arg7[%multiple_of3A_166] : memref<10240xi32, #tpu.memory_space<vmem>> -> memref<128xi32, #tpu.memory_space<vmem>>
        %dma_start3A_167 = arith.constant 0 : i32
        %dma_start3A_168 = arith.constant 0 : i32
        %dma_start3A_169 = tpu.memref_slice %arg2[%dma_start3A_167, %dma_start3A_168] : memref<10000x128xf32, #tpu.memory_space<hbm>> -> memref<10000x128xf32, #tpu.memory_space<hbm>>
        tpu.enqueue_indirect_dma source(%dma_start3A_169 : memref<10000x128xf32, #tpu.memory_space<hbm>>) target(%arg9 : memref<128x128xf32, #tpu.memory_space<vmem>>) offsets(%dma_start3A : memref<128xi32, #tpu.memory_space<vmem>>) semaphore(%arg12 : memref<!tpu.dma_semaphore, #tpu.memory_space<semaphore_mem>>)
      } else {
      }
      %add3A_145 = arith.constant 0 : i32
      %add3A_146 = arith.addi %add3A_145, %add3A_130 : i32
      %mul3A_147 = arith.constant 128 : i32
      %mul3A_148 = arith.muli %add3A_146, %mul3A_147 : i32
      %multiple_of3A_149 = tpu.assume_multiple %mul3A_148, 128 : i32
      %dma_wait3A_150 = tpu.memref_slice %arg7[%multiple_of3A_149] : memref<10240xi32, #tpu.memory_space<vmem>> -> memref<128xi32, #tpu.memory_space<vmem>>
      %dma_wait3A_151 = arith.constant 0 : i32
      %dma_wait3A_152 = arith.constant 0 : i32
      %dma_wait3A_153 = tpu.memref_slice %arg2[%dma_wait3A_151, %dma_wait3A_152] : memref<10000x128xf32, #tpu.memory_space<hbm>> -> memref<10000x128xf32, #tpu.memory_space<hbm>>
      tpu.wait_indirect_dma semaphore(%arg13 : memref<!tpu.dma_semaphore, #tpu.memory_space<semaphore_mem>>) src(%dma_wait3A_153 : memref<10000x128xf32, #tpu.memory_space<hbm>>) dst(%arg10 : memref<128x128xf32, #tpu.memory_space<vmem>>)
      "tpu.region"() ({
        %run_scoped3A = tpu.sem_alloc : memref<!tpu.dma_semaphore, #tpu.memory_space<semaphore_mem>>
        %dma_start3A = arith.constant 0 : i32
        %dma_start3A_160 = tpu.memref_slice %arg8[%add3A_130, %dma_start3A] : memref<40x128xi32, #tpu.memory_space<vmem>> -> memref<1x128xi32, #tpu.memory_space<vmem>>
        %dma_start3A_161 = tpu.memref_squeeze %dma_start3A_160 : memref<1x128xi32, #tpu.memory_space<vmem>> -> memref<128xi32, #tpu.memory_space<vmem>>
        %dma_start3A_162 = arith.constant 0 : i32
        %dma_start3A_163 = arith.constant 0 : i32
        %dma_start3A_164 = tpu.memref_slice %arg11[%dma_start3A_162, %dma_start3A_163] : memref<10000x128xf32, #tpu.memory_space<vmem_shared>> -> memref<10000x128xf32, #tpu.memory_space<vmem_shared>>
        tpu.enqueue_indirect_dma source(%arg10 : memref<128x128xf32, #tpu.memory_space<vmem>>) target(%dma_start3A_164 : memref<10000x128xf32, #tpu.memory_space<vmem_shared>>) offsets(%dma_start3A_161 : memref<128xi32, #tpu.memory_space<vmem>>) semaphore(%run_scoped3A : memref<!tpu.dma_semaphore, #tpu.memory_space<semaphore_mem>>) {add = true}
        %dma_wait3A_165 = arith.constant 0 : i32
        %dma_wait3A_166 = tpu.memref_slice %arg8[%add3A_130, %dma_wait3A_165] : memref<40x128xi32, #tpu.memory_space<vmem>> -> memref<1x128xi32, #tpu.memory_space<vmem>>
        %dma_wait3A_167 = tpu.memref_squeeze %dma_wait3A_166 : memref<1x128xi32, #tpu.memory_space<vmem>> -> memref<128xi32, #tpu.memory_space<vmem>>
        %dma_wait3A_168 = arith.constant 0 : i32
        %dma_wait3A_169 = arith.constant 0 : i32
        %dma_wait3A_170 = tpu.memref_slice %arg11[%dma_wait3A_168, %dma_wait3A_169] : memref<10000x128xf32, #tpu.memory_space<vmem_shared>> -> memref<10000x128xf32, #tpu.memory_space<vmem_shared>>
        tpu.wait_indirect_dma semaphore(%run_scoped3A : memref<!tpu.dma_semaphore, #tpu.memory_space<semaphore_mem>>) src(%arg10 : memref<128x128xf32, #tpu.memory_space<vmem>>) dst(%dma_wait3A_170 : memref<10000x128xf32, #tpu.memory_space<vmem_shared>>)
        tpu.yield
      }) : () -> ()
      %add3A_154 = arith.constant 2 : i32
      %add3A_155 = arith.addi %add3A_130, %add3A_154 : i32
      %lt3A_156 = arith.cmpi slt, %add3A_155, %min3A_38 : i32
      %convert_element_type3A_157 = arith.extui %lt3A_156 : i1 to i32
      %cond3A_158 = arith.constant 0 : i32
      %cond3A_159 = arith.cmpi ne, %convert_element_type3A_157, %cond3A_158 : i32
      scf.if %cond3A_159 {
        %add3A_160 = arith.constant 0 : i32
        %add3A_161 = arith.addi %add3A_160, %add3A_130 : i32
        %add3A_162 = arith.constant 2 : i32
        %add3A_163 = arith.addi %add3A_161, %add3A_162 : i32
        %mul3A_164 = arith.constant 128 : i32
        %mul3A_165 = arith.muli %add3A_163, %mul3A_164 : i32
        %multiple_of3A_166 = tpu.assume_multiple %mul3A_165, 128 : i32
        %dma_start3A = tpu.memref_slice %arg7[%multiple_of3A_166] : memref<10240xi32, #tpu.memory_space<vmem>> -> memref<128xi32, #tpu.memory_space<vmem>>
        %dma_start3A_167 = arith.constant 0 : i32
        %dma_start3A_168 = arith.constant 0 : i32
        %dma_start3A_169 = tpu.memref_slice %arg2[%dma_start3A_167, %dma_start3A_168] : memref<10000x128xf32, #tpu.memory_space<hbm>> -> memref<10000x128xf32, #tpu.memory_space<hbm>>
        tpu.enqueue_indirect_dma source(%dma_start3A_169 : memref<10000x128xf32, #tpu.memory_space<hbm>>) target(%arg10 : memref<128x128xf32, #tpu.memory_space<vmem>>) offsets(%dma_start3A : memref<128xi32, #tpu.memory_space<vmem>>) semaphore(%arg13 : memref<!tpu.dma_semaphore, #tpu.memory_space<semaphore_mem>>)
      } else {
      }
    }
    %sub3A_67 = arith.constant 40 : i32
    %sub3A_68 = arith.subi %min3A_18, %sub3A_67 : i32
    %jit3A_69 = arith.constant 0 : i32
    %jit3A_70 = arith.constant 40 : i32
    %max3A_71 = arith.maxsi %jit3A_69, %sub3A_68 : i32
    %min3A_72 = arith.minsi %jit3A_70, %max3A_71 : i32
    %jit3A_73 = arith.constant 2 : i32
    %div3A_74 = arith.divsi %min3A_72, %jit3A_73 : i32
    %sign3A_75 = arith.constant 0 : i32
    %sign3A_76 = arith.cmpi sgt, %min3A_72, %sign3A_75 : i32
    %sign3A_77 = arith.extui %sign3A_76 : i1 to i32
    %sign3A_78 = arith.constant 0 : i32
    %sign3A_79 = arith.cmpi slt, %min3A_72, %sign3A_78 : i32
    %sign3A_80 = arith.extui %sign3A_79 : i1 to i32
    %sign3A_81 = arith.subi %sign3A_77, %sign3A_80 : i32
    %sign3A_82 = arith.constant 0 : i32
    %sign3A_83 = arith.cmpi sgt, %jit3A_73, %sign3A_82 : i32
    %sign3A_84 = arith.extui %sign3A_83 : i1 to i32
    %sign3A_85 = arith.constant 0 : i32
    %sign3A_86 = arith.cmpi slt, %jit3A_73, %sign3A_85 : i32
    %sign3A_87 = arith.extui %sign3A_86 : i1 to i32
    %sign3A_88 = arith.subi %sign3A_84, %sign3A_87 : i32
    %ne3A_89 = arith.cmpi ne, %sign3A_81, %sign3A_88 : i32
    %rem3A_90 = arith.remsi %min3A_72, %jit3A_73 : i32
    %ne3A_91 = arith.constant 0 : i32
    %ne3A_92 = arith.cmpi ne, %rem3A_90, %ne3A_91 : i32
    %and3A_93 = arith.andi %ne3A_89, %ne3A_92 : i1
    %sub3A_94 = arith.constant 1 : i32
    %sub3A_95 = arith.subi %div3A_74, %sub3A_94 : i32
    %select_n3A_96 = arith.select %and3A_93, %sub3A_95, %div3A_74 : i32
    %gt3A_97 = arith.constant 0 : i32
    %gt3A_98 = arith.cmpi sgt, %min3A_72, %gt3A_97 : i32
    %convert_element_type3A_99 = arith.extui %gt3A_98 : i1 to i32
    %cond3A_100 = arith.constant 0 : i32
    %cond3A_101 = arith.cmpi ne, %convert_element_type3A_99, %cond3A_100 : i32
    scf.if %cond3A_101 {
      %multiple_of3A_126 = arith.constant 5120 : i32
      %multiple_of3A_127 = tpu.assume_multiple %multiple_of3A_126, 128 : i32
      %dma_start3A = tpu.memref_slice %arg7[%multiple_of3A_127] : memref<10240xi32, #tpu.memory_space<vmem>> -> memref<128xi32, #tpu.memory_space<vmem>>
      %dma_start3A_128 = arith.constant 0 : i32
      %dma_start3A_129 = arith.constant 0 : i32
      %dma_start3A_130 = tpu.memref_slice %arg2[%dma_start3A_128, %dma_start3A_129] : memref<10000x128xf32, #tpu.memory_space<hbm>> -> memref<10000x128xf32, #tpu.memory_space<hbm>>
      tpu.enqueue_indirect_dma source(%dma_start3A_130 : memref<10000x128xf32, #tpu.memory_space<hbm>>) target(%arg9 : memref<128x128xf32, #tpu.memory_space<vmem>>) offsets(%dma_start3A : memref<128xi32, #tpu.memory_space<vmem>>) semaphore(%arg12 : memref<!tpu.dma_semaphore, #tpu.memory_space<semaphore_mem>>)
      %multiple_of3A_131 = arith.constant 5248 : i32
      %multiple_of3A_132 = tpu.assume_multiple %multiple_of3A_131, 128 : i32
      %dma_start3A_133 = tpu.memref_slice %arg7[%multiple_of3A_132] : memref<10240xi32, #tpu.memory_space<vmem>> -> memref<128xi32, #tpu.memory_space<vmem>>
      %dma_start3A_134 = arith.constant 0 : i32
      %dma_start3A_135 = arith.constant 0 : i32
      %dma_start3A_136 = tpu.memref_slice %arg2[%dma_start3A_134, %dma_start3A_135] : memref<10000x128xf32, #tpu.memory_space<hbm>> -> memref<10000x128xf32, #tpu.memory_space<hbm>>
      tpu.enqueue_indirect_dma source(%dma_start3A_136 : memref<10000x128xf32, #tpu.memory_space<hbm>>) target(%arg10 : memref<128x128xf32, #tpu.memory_space<vmem>>) offsets(%dma_start3A_133 : memref<128xi32, #tpu.memory_space<vmem>>) semaphore(%arg13 : memref<!tpu.dma_semaphore, #tpu.memory_space<semaphore_mem>>)
    } else {
    }
    %mul3A_102 = arith.constant 2 : i32
    %mul3A_103 = arith.muli %add3A, %mul3A_102 : i32
    %add3A_104 = arith.constant 1 : i32
    %add3A_105 = arith.addi %mul3A_103, %add3A_104 : i32
    "tpu.region"() ({
      %run_scoped3A = tpu.sem_alloc : memref<!tpu.dma_semaphore, #tpu.memory_space<semaphore_mem>>
      %dma_start3A = arith.constant 0 : i32
      %dma_start3A_126 = arith.constant 0 : i32
      %dma_start3A_127 = tpu.memref_slice %arg4[%add3A_105, %dma_start3A, %dma_start3A_126] : memref<64x40x128xi32, #tpu.memory_space<hbm>> -> memref<1x40x128xi32, #tpu.memory_space<hbm>>
      %dma_start3A_128 = tpu.memref_squeeze %dma_start3A_127 : memref<1x40x128xi32, #tpu.memory_space<hbm>> -> memref<40x128xi32, #tpu.memory_space<hbm>>
      %dma_start3A_129 = arith.constant 0 : i32
      %dma_start3A_130 = arith.constant 0 : i32
      %dma_start3A_131 = tpu.memref_slice %arg4[%add3A_105, %dma_start3A_129, %dma_start3A_130] : memref<64x40x128xi32, #tpu.memory_space<hbm>> -> memref<1x40x128xi32, #tpu.memory_space<hbm>>
      %dma_start3A_132 = tpu.memref_squeeze %dma_start3A_131 : memref<1x40x128xi32, #tpu.memory_space<hbm>> -> memref<40x128xi32, #tpu.memory_space<hbm>>
      tpu.enqueue_dma source(%dma_start3A_132 : memref<40x128xi32, #tpu.memory_space<hbm>>) target(%arg8 : memref<40x128xi32, #tpu.memory_space<vmem>>) target_semaphore(%run_scoped3A : memref<!tpu.dma_semaphore, #tpu.memory_space<semaphore_mem>>)
      %dma_wait3A = arith.constant 0 : i32
      %dma_wait3A_133 = arith.constant 0 : i32
      %dma_wait3A_134 = tpu.memref_slice %arg4[%add3A_105, %dma_wait3A, %dma_wait3A_133] : memref<64x40x128xi32, #tpu.memory_space<hbm>> -> memref<1x40x128xi32, #tpu.memory_space<hbm>>
      %dma_wait3A_135 = tpu.memref_squeeze %dma_wait3A_134 : memref<1x40x128xi32, #tpu.memory_space<hbm>> -> memref<40x128xi32, #tpu.memory_space<hbm>>
      %dma_wait3A_136 = arith.constant 0 : i32
      %dma_wait3A_137 = arith.constant 0 : i32
      %dma_wait3A_138 = tpu.memref_slice %arg4[%add3A_105, %dma_wait3A_136, %dma_wait3A_137] : memref<64x40x128xi32, #tpu.memory_space<hbm>> -> memref<1x40x128xi32, #tpu.memory_space<hbm>>
      %dma_wait3A_139 = tpu.memref_squeeze %dma_wait3A_138 : memref<1x40x128xi32, #tpu.memory_space<hbm>> -> memref<40x128xi32, #tpu.memory_space<hbm>>
      tpu.wait_dma2 semaphore(%run_scoped3A : memref<!tpu.dma_semaphore, #tpu.memory_space<semaphore_mem>>) src(%dma_wait3A_139 : memref<40x128xi32, #tpu.memory_space<hbm>>) dst(%arg8 : memref<40x128xi32, #tpu.memory_space<vmem>>)
      tpu.yield
    }) : () -> ()
    %while3A_106 = arith.constant 0 : i32
    %while3A_107 = arith.constant 0 : i32
    %while3A_108 = arith.subi %select_n3A_96, %while3A_107 : i32
    %while3A_109 = arith.addi %while3A_107, %while3A_108 : i32
    %while3A_110 = arith.constant 1 : i32
    %while3A_111 = arith.divsi %while3A_108, %while3A_110 : i32
    %while3A_112 = arith.muli %while3A_111, %while3A_110 : i32
    %while3A_113 = arith.addi %while3A_107, %while3A_112 : i32
    %while3A_114 = arith.constant 1 : i32
    scf.for %while3A_126 = %while3A_107 to %while3A_113 step %while3A_114  : i32 {
      %mul3A_127 = arith.constant 2 : i32
      %mul3A_128 = arith.muli %mul3A_127, %while3A_126 : i32
      %add3A_129 = arith.constant 1 : i32
      %add3A_130 = arith.addi %mul3A_128, %add3A_129 : i32
      %add3A_131 = arith.constant 40 : i32
      %add3A_132 = arith.addi %add3A_131, %mul3A_128 : i32
      %mul3A_133 = arith.constant 128 : i32
      %mul3A_134 = arith.muli %add3A_132, %mul3A_133 : i32
      %multiple_of3A_135 = tpu.assume_multiple %mul3A_134, 128 : i32
      %dma_wait3A = tpu.memref_slice %arg7[%multiple_of3A_135] : memref<10240xi32, #tpu.memory_space<vmem>> -> memref<128xi32, #tpu.memory_space<vmem>>
      %dma_wait3A_136 = arith.constant 0 : i32
      %dma_wait3A_137 = arith.constant 0 : i32
      %dma_wait3A_138 = tpu.memref_slice %arg2[%dma_wait3A_136, %dma_wait3A_137] : memref<10000x128xf32, #tpu.memory_space<hbm>> -> memref<10000x128xf32, #tpu.memory_space<hbm>>
      tpu.wait_indirect_dma semaphore(%arg12 : memref<!tpu.dma_semaphore, #tpu.memory_space<semaphore_mem>>) src(%dma_wait3A_138 : memref<10000x128xf32, #tpu.memory_space<hbm>>) dst(%arg9 : memref<128x128xf32, #tpu.memory_space<vmem>>)
      "tpu.region"() ({
        %run_scoped3A = tpu.sem_alloc : memref<!tpu.dma_semaphore, #tpu.memory_space<semaphore_mem>>
        %dma_start3A = arith.constant 0 : i32
        %dma_start3A_160 = tpu.memref_slice %arg8[%mul3A_128, %dma_start3A] : memref<40x128xi32, #tpu.memory_space<vmem>> -> memref<1x128xi32, #tpu.memory_space<vmem>>
        %dma_start3A_161 = tpu.memref_squeeze %dma_start3A_160 : memref<1x128xi32, #tpu.memory_space<vmem>> -> memref<128xi32, #tpu.memory_space<vmem>>
        %dma_start3A_162 = arith.constant 0 : i32
        %dma_start3A_163 = arith.constant 0 : i32
        %dma_start3A_164 = tpu.memref_slice %arg11[%dma_start3A_162, %dma_start3A_163] : memref<10000x128xf32, #tpu.memory_space<vmem_shared>> -> memref<10000x128xf32, #tpu.memory_space<vmem_shared>>
        tpu.enqueue_indirect_dma source(%arg9 : memref<128x128xf32, #tpu.memory_space<vmem>>) target(%dma_start3A_164 : memref<10000x128xf32, #tpu.memory_space<vmem_shared>>) offsets(%dma_start3A_161 : memref<128xi32, #tpu.memory_space<vmem>>) semaphore(%run_scoped3A : memref<!tpu.dma_semaphore, #tpu.memory_space<semaphore_mem>>) {add = true}
        %dma_wait3A_165 = arith.constant 0 : i32
        %dma_wait3A_166 = tpu.memref_slice %arg8[%mul3A_128, %dma_wait3A_165] : memref<40x128xi32, #tpu.memory_space<vmem>> -> memref<1x128xi32, #tpu.memory_space<vmem>>
        %dma_wait3A_167 = tpu.memref_squeeze %dma_wait3A_166 : memref<1x128xi32, #tpu.memory_space<vmem>> -> memref<128xi32, #tpu.memory_space<vmem>>
        %dma_wait3A_168 = arith.constant 0 : i32
        %dma_wait3A_169 = arith.constant 0 : i32
        %dma_wait3A_170 = tpu.memref_slice %arg11[%dma_wait3A_168, %dma_wait3A_169] : memref<10000x128xf32, #tpu.memory_space<vmem_shared>> -> memref<10000x128xf32, #tpu.memory_space<vmem_shared>>
        tpu.wait_indirect_dma semaphore(%run_scoped3A : memref<!tpu.dma_semaphore, #tpu.memory_space<semaphore_mem>>) src(%arg9 : memref<128x128xf32, #tpu.memory_space<vmem>>) dst(%dma_wait3A_170 : memref<10000x128xf32, #tpu.memory_space<vmem_shared>>)
        tpu.yield
      }) : () -> ()
      %add3A_139 = arith.constant 2 : i32
      %add3A_140 = arith.addi %mul3A_128, %add3A_139 : i32
      %lt3A_141 = arith.cmpi slt, %add3A_140, %min3A_72 : i32
      %convert_element_type3A_142 = arith.extui %lt3A_141 : i1 to i32
      %cond3A_143 = arith.constant 0 : i32
      %cond3A_144 = arith.cmpi ne, %convert_element_type3A_142, %cond3A_143 : i32
      scf.if %cond3A_144 {
        %add3A_160 = arith.constant 40 : i32
        %add3A_161 = arith.addi %add3A_160, %mul3A_128 : i32
        %add3A_162 = arith.constant 2 : i32
        %add3A_163 = arith.addi %add3A_161, %add3A_162 : i32
        %mul3A_164 = arith.constant 128 : i32
        %mul3A_165 = arith.muli %add3A_163, %mul3A_164 : i32
        %multiple_of3A_166 = tpu.assume_multiple %mul3A_165, 128 : i32
        %dma_start3A = tpu.memref_slice %arg7[%multiple_of3A_166] : memref<10240xi32, #tpu.memory_space<vmem>> -> memref<128xi32, #tpu.memory_space<vmem>>
        %dma_start3A_167 = arith.constant 0 : i32
        %dma_start3A_168 = arith.constant 0 : i32
        %dma_start3A_169 = tpu.memref_slice %arg2[%dma_start3A_167, %dma_start3A_168] : memref<10000x128xf32, #tpu.memory_space<hbm>> -> memref<10000x128xf32, #tpu.memory_space<hbm>>
        tpu.enqueue_indirect_dma source(%dma_start3A_169 : memref<10000x128xf32, #tpu.memory_space<hbm>>) target(%arg9 : memref<128x128xf32, #tpu.memory_space<vmem>>) offsets(%dma_start3A : memref<128xi32, #tpu.memory_space<vmem>>) semaphore(%arg12 : memref<!tpu.dma_semaphore, #tpu.memory_space<semaphore_mem>>)
      } else {
      }
      %add3A_145 = arith.constant 40 : i32
      %add3A_146 = arith.addi %add3A_145, %add3A_130 : i32
      %mul3A_147 = arith.constant 128 : i32
      %mul3A_148 = arith.muli %add3A_146, %mul3A_147 : i32
      %multiple_of3A_149 = tpu.assume_multiple %mul3A_148, 128 : i32
      %dma_wait3A_150 = tpu.memref_slice %arg7[%multiple_of3A_149] : memref<10240xi32, #tpu.memory_space<vmem>> -> memref<128xi32, #tpu.memory_space<vmem>>
      %dma_wait3A_151 = arith.constant 0 : i32
      %dma_wait3A_152 = arith.constant 0 : i32
      %dma_wait3A_153 = tpu.memref_slice %arg2[%dma_wait3A_151, %dma_wait3A_152] : memref<10000x128xf32, #tpu.memory_space<hbm>> -> memref<10000x128xf32, #tpu.memory_space<hbm>>
      tpu.wait_indirect_dma semaphore(%arg13 : memref<!tpu.dma_semaphore, #tpu.memory_space<semaphore_mem>>) src(%dma_wait3A_153 : memref<10000x128xf32, #tpu.memory_space<hbm>>) dst(%arg10 : memref<128x128xf32, #tpu.memory_space<vmem>>)
      "tpu.region"() ({
        %run_scoped3A = tpu.sem_alloc : memref<!tpu.dma_semaphore, #tpu.memory_space<semaphore_mem>>
        %dma_start3A = arith.constant 0 : i32
        %dma_start3A_160 = tpu.memref_slice %arg8[%add3A_130, %dma_start3A] : memref<40x128xi32, #tpu.memory_space<vmem>> -> memref<1x128xi32, #tpu.memory_space<vmem>>
        %dma_start3A_161 = tpu.memref_squeeze %dma_start3A_160 : memref<1x128xi32, #tpu.memory_space<vmem>> -> memref<128xi32, #tpu.memory_space<vmem>>
        %dma_start3A_162 = arith.constant 0 : i32
        %dma_start3A_163 = arith.constant 0 : i32
        %dma_start3A_164 = tpu.memref_slice %arg11[%dma_start3A_162, %dma_start3A_163] : memref<10000x128xf32, #tpu.memory_space<vmem_shared>> -> memref<10000x128xf32, #tpu.memory_space<vmem_shared>>
        tpu.enqueue_indirect_dma source(%arg10 : memref<128x128xf32, #tpu.memory_space<vmem>>) target(%dma_start3A_164 : memref<10000x128xf32, #tpu.memory_space<vmem_shared>>) offsets(%dma_start3A_161 : memref<128xi32, #tpu.memory_space<vmem>>) semaphore(%run_scoped3A : memref<!tpu.dma_semaphore, #tpu.memory_space<semaphore_mem>>) {add = true}
        %dma_wait3A_165 = arith.constant 0 : i32
        %dma_wait3A_166 = tpu.memref_slice %arg8[%add3A_130, %dma_wait3A_165] : memref<40x128xi32, #tpu.memory_space<vmem>> -> memref<1x128xi32, #tpu.memory_space<vmem>>
        %dma_wait3A_167 = tpu.memref_squeeze %dma_wait3A_166 : memref<1x128xi32, #tpu.memory_space<vmem>> -> memref<128xi32, #tpu.memory_space<vmem>>
        %dma_wait3A_168 = arith.constant 0 : i32
        %dma_wait3A_169 = arith.constant 0 : i32
        %dma_wait3A_170 = tpu.memref_slice %arg11[%dma_wait3A_168, %dma_wait3A_169] : memref<10000x128xf32, #tpu.memory_space<vmem_shared>> -> memref<10000x128xf32, #tpu.memory_space<vmem_shared>>
        tpu.wait_indirect_dma semaphore(%run_scoped3A : memref<!tpu.dma_semaphore, #tpu.memory_space<semaphore_mem>>) src(%arg10 : memref<128x128xf32, #tpu.memory_space<vmem>>) dst(%dma_wait3A_170 : memref<10000x128xf32, #tpu.memory_space<vmem_shared>>)
        tpu.yield
      }) : () -> ()
      %add3A_154 = arith.constant 2 : i32
      %add3A_155 = arith.addi %add3A_130, %add3A_154 : i32
      %lt3A_156 = arith.cmpi slt, %add3A_155, %min3A_72 : i32
      %convert_element_type3A_157 = arith.extui %lt3A_156 : i1 to i32
      %cond3A_158 = arith.constant 0 : i32
      %cond3A_159 = arith.cmpi ne, %convert_element_type3A_157, %cond3A_158 : i32
      scf.if %cond3A_159 {
        %add3A_160 = arith.constant 40 : i32
        %add3A_161 = arith.addi %add3A_160, %add3A_130 : i32
        %add3A_162 = arith.constant 2 : i32
        %add3A_163 = arith.addi %add3A_161, %add3A_162 : i32
        %mul3A_164 = arith.constant 128 : i32
        %mul3A_165 = arith.muli %add3A_163, %mul3A_164 : i32
        %multiple_of3A_166 = tpu.assume_multiple %mul3A_165, 128 : i32
        %dma_start3A = tpu.memref_slice %arg7[%multiple_of3A_166] : memref<10240xi32, #tpu.memory_space<vmem>> -> memref<128xi32, #tpu.memory_space<vmem>>
        %dma_start3A_167 = arith.constant 0 : i32
        %dma_start3A_168 = arith.constant 0 : i32
        %dma_start3A_169 = tpu.memref_slice %arg2[%dma_start3A_167, %dma_start3A_168] : memref<10000x128xf32, #tpu.memory_space<hbm>> -> memref<10000x128xf32, #tpu.memory_space<hbm>>
        tpu.enqueue_indirect_dma source(%dma_start3A_169 : memref<10000x128xf32, #tpu.memory_space<hbm>>) target(%arg10 : memref<128x128xf32, #tpu.memory_space<vmem>>) offsets(%dma_start3A : memref<128xi32, #tpu.memory_space<vmem>>) semaphore(%arg13 : memref<!tpu.dma_semaphore, #tpu.memory_space<semaphore_mem>>)
      } else {
      }
    }
    %while3A_115 = arith.constant 1 : i32
    scf.for %while3A_126 = %while3A_113 to %while3A_109 step %while3A_115  : i32 {
      %mul3A_127 = arith.constant 2 : i32
      %mul3A_128 = arith.muli %mul3A_127, %while3A_126 : i32
      %add3A_129 = arith.constant 1 : i32
      %add3A_130 = arith.addi %mul3A_128, %add3A_129 : i32
      %add3A_131 = arith.constant 40 : i32
      %add3A_132 = arith.addi %add3A_131, %mul3A_128 : i32
      %mul3A_133 = arith.constant 128 : i32
      %mul3A_134 = arith.muli %add3A_132, %mul3A_133 : i32
      %multiple_of3A_135 = tpu.assume_multiple %mul3A_134, 128 : i32
      %dma_wait3A = tpu.memref_slice %arg7[%multiple_of3A_135] : memref<10240xi32, #tpu.memory_space<vmem>> -> memref<128xi32, #tpu.memory_space<vmem>>
      %dma_wait3A_136 = arith.constant 0 : i32
      %dma_wait3A_137 = arith.constant 0 : i32
      %dma_wait3A_138 = tpu.memref_slice %arg2[%dma_wait3A_136, %dma_wait3A_137] : memref<10000x128xf32, #tpu.memory_space<hbm>> -> memref<10000x128xf32, #tpu.memory_space<hbm>>
      tpu.wait_indirect_dma semaphore(%arg12 : memref<!tpu.dma_semaphore, #tpu.memory_space<semaphore_mem>>) src(%dma_wait3A_138 : memref<10000x128xf32, #tpu.memory_space<hbm>>) dst(%arg9 : memref<128x128xf32, #tpu.memory_space<vmem>>)
      "tpu.region"() ({
        %run_scoped3A = tpu.sem_alloc : memref<!tpu.dma_semaphore, #tpu.memory_space<semaphore_mem>>
        %dma_start3A = arith.constant 0 : i32
        %dma_start3A_160 = tpu.memref_slice %arg8[%mul3A_128, %dma_start3A] : memref<40x128xi32, #tpu.memory_space<vmem>> -> memref<1x128xi32, #tpu.memory_space<vmem>>
        %dma_start3A_161 = tpu.memref_squeeze %dma_start3A_160 : memref<1x128xi32, #tpu.memory_space<vmem>> -> memref<128xi32, #tpu.memory_space<vmem>>
        %dma_start3A_162 = arith.constant 0 : i32
        %dma_start3A_163 = arith.constant 0 : i32
        %dma_start3A_164 = tpu.memref_slice %arg11[%dma_start3A_162, %dma_start3A_163] : memref<10000x128xf32, #tpu.memory_space<vmem_shared>> -> memref<10000x128xf32, #tpu.memory_space<vmem_shared>>
        tpu.enqueue_indirect_dma source(%arg9 : memref<128x128xf32, #tpu.memory_space<vmem>>) target(%dma_start3A_164 : memref<10000x128xf32, #tpu.memory_space<vmem_shared>>) offsets(%dma_start3A_161 : memref<128xi32, #tpu.memory_space<vmem>>) semaphore(%run_scoped3A : memref<!tpu.dma_semaphore, #tpu.memory_space<semaphore_mem>>) {add = true}
        %dma_wait3A_165 = arith.constant 0 : i32
        %dma_wait3A_166 = tpu.memref_slice %arg8[%mul3A_128, %dma_wait3A_165] : memref<40x128xi32, #tpu.memory_space<vmem>> -> memref<1x128xi32, #tpu.memory_space<vmem>>
        %dma_wait3A_167 = tpu.memref_squeeze %dma_wait3A_166 : memref<1x128xi32, #tpu.memory_space<vmem>> -> memref<128xi32, #tpu.memory_space<vmem>>
        %dma_wait3A_168 = arith.constant 0 : i32
        %dma_wait3A_169 = arith.constant 0 : i32
        %dma_wait3A_170 = tpu.memref_slice %arg11[%dma_wait3A_168, %dma_wait3A_169] : memref<10000x128xf32, #tpu.memory_space<vmem_shared>> -> memref<10000x128xf32, #tpu.memory_space<vmem_shared>>
        tpu.wait_indirect_dma semaphore(%run_scoped3A : memref<!tpu.dma_semaphore, #tpu.memory_space<semaphore_mem>>) src(%arg9 : memref<128x128xf32, #tpu.memory_space<vmem>>) dst(%dma_wait3A_170 : memref<10000x128xf32, #tpu.memory_space<vmem_shared>>)
        tpu.yield
      }) : () -> ()
      %add3A_139 = arith.constant 2 : i32
      %add3A_140 = arith.addi %mul3A_128, %add3A_139 : i32
      %lt3A_141 = arith.cmpi slt, %add3A_140, %min3A_72 : i32
      %convert_element_type3A_142 = arith.extui %lt3A_141 : i1 to i32
      %cond3A_143 = arith.constant 0 : i32
      %cond3A_144 = arith.cmpi ne, %convert_element_type3A_142, %cond3A_143 : i32
      scf.if %cond3A_144 {
        %add3A_160 = arith.constant 40 : i32
        %add3A_161 = arith.addi %add3A_160, %mul3A_128 : i32
        %add3A_162 = arith.constant 2 : i32
        %add3A_163 = arith.addi %add3A_161, %add3A_162 : i32
        %mul3A_164 = arith.constant 128 : i32
        %mul3A_165 = arith.muli %add3A_163, %mul3A_164 : i32
        %multiple_of3A_166 = tpu.assume_multiple %mul3A_165, 128 : i32
        %dma_start3A = tpu.memref_slice %arg7[%multiple_of3A_166] : memref<10240xi32, #tpu.memory_space<vmem>> -> memref<128xi32, #tpu.memory_space<vmem>>
        %dma_start3A_167 = arith.constant 0 : i32
        %dma_start3A_168 = arith.constant 0 : i32
        %dma_start3A_169 = tpu.memref_slice %arg2[%dma_start3A_167, %dma_start3A_168] : memref<10000x128xf32, #tpu.memory_space<hbm>> -> memref<10000x128xf32, #tpu.memory_space<hbm>>
        tpu.enqueue_indirect_dma source(%dma_start3A_169 : memref<10000x128xf32, #tpu.memory_space<hbm>>) target(%arg9 : memref<128x128xf32, #tpu.memory_space<vmem>>) offsets(%dma_start3A : memref<128xi32, #tpu.memory_space<vmem>>) semaphore(%arg12 : memref<!tpu.dma_semaphore, #tpu.memory_space<semaphore_mem>>)
      } else {
      }
      %add3A_145 = arith.constant 40 : i32
      %add3A_146 = arith.addi %add3A_145, %add3A_130 : i32
      %mul3A_147 = arith.constant 128 : i32
      %mul3A_148 = arith.muli %add3A_146, %mul3A_147 : i32
      %multiple_of3A_149 = tpu.assume_multiple %mul3A_148, 128 : i32
      %dma_wait3A_150 = tpu.memref_slice %arg7[%multiple_of3A_149] : memref<10240xi32, #tpu.memory_space<vmem>> -> memref<128xi32, #tpu.memory_space<vmem>>
      %dma_wait3A_151 = arith.constant 0 : i32
      %dma_wait3A_152 = arith.constant 0 : i32
      %dma_wait3A_153 = tpu.memref_slice %arg2[%dma_wait3A_151, %dma_wait3A_152] : memref<10000x128xf32, #tpu.memory_space<hbm>> -> memref<10000x128xf32, #tpu.memory_space<hbm>>
      tpu.wait_indirect_dma semaphore(%arg13 : memref<!tpu.dma_semaphore, #tpu.memory_space<semaphore_mem>>) src(%dma_wait3A_153 : memref<10000x128xf32, #tpu.memory_space<hbm>>) dst(%arg10 : memref<128x128xf32, #tpu.memory_space<vmem>>)
      "tpu.region"() ({
        %run_scoped3A = tpu.sem_alloc : memref<!tpu.dma_semaphore, #tpu.memory_space<semaphore_mem>>
        %dma_start3A = arith.constant 0 : i32
        %dma_start3A_160 = tpu.memref_slice %arg8[%add3A_130, %dma_start3A] : memref<40x128xi32, #tpu.memory_space<vmem>> -> memref<1x128xi32, #tpu.memory_space<vmem>>
        %dma_start3A_161 = tpu.memref_squeeze %dma_start3A_160 : memref<1x128xi32, #tpu.memory_space<vmem>> -> memref<128xi32, #tpu.memory_space<vmem>>
        %dma_start3A_162 = arith.constant 0 : i32
        %dma_start3A_163 = arith.constant 0 : i32
        %dma_start3A_164 = tpu.memref_slice %arg11[%dma_start3A_162, %dma_start3A_163] : memref<10000x128xf32, #tpu.memory_space<vmem_shared>> -> memref<10000x128xf32, #tpu.memory_space<vmem_shared>>
        tpu.enqueue_indirect_dma source(%arg10 : memref<128x128xf32, #tpu.memory_space<vmem>>) target(%dma_start3A_164 : memref<10000x128xf32, #tpu.memory_space<vmem_shared>>) offsets(%dma_start3A_161 : memref<128xi32, #tpu.memory_space<vmem>>) semaphore(%run_scoped3A : memref<!tpu.dma_semaphore, #tpu.memory_space<semaphore_mem>>) {add = true}
        %dma_wait3A_165 = arith.constant 0 : i32
        %dma_wait3A_166 = tpu.memref_slice %arg8[%add3A_130, %dma_wait3A_165] : memref<40x128xi32, #tpu.memory_space<vmem>> -> memref<1x128xi32, #tpu.memory_space<vmem>>
        %dma_wait3A_167 = tpu.memref_squeeze %dma_wait3A_166 : memref<1x128xi32, #tpu.memory_space<vmem>> -> memref<128xi32, #tpu.memory_space<vmem>>
        %dma_wait3A_168 = arith.constant 0 : i32
        %dma_wait3A_169 = arith.constant 0 : i32
        %dma_wait3A_170 = tpu.memref_slice %arg11[%dma_wait3A_168, %dma_wait3A_169] : memref<10000x128xf32, #tpu.memory_space<vmem_shared>> -> memref<10000x128xf32, #tpu.memory_space<vmem_shared>>
        tpu.wait_indirect_dma semaphore(%run_scoped3A : memref<!tpu.dma_semaphore, #tpu.memory_space<semaphore_mem>>) src(%arg10 : memref<128x128xf32, #tpu.memory_space<vmem>>) dst(%dma_wait3A_170 : memref<10000x128xf32, #tpu.memory_space<vmem_shared>>)
        tpu.yield
      }) : () -> ()
      %add3A_154 = arith.constant 2 : i32
      %add3A_155 = arith.addi %add3A_130, %add3A_154 : i32
      %lt3A_156 = arith.cmpi slt, %add3A_155, %min3A_72 : i32
      %convert_element_type3A_157 = arith.extui %lt3A_156 : i1 to i32
      %cond3A_158 = arith.constant 0 : i32
      %cond3A_159 = arith.cmpi ne, %convert_element_type3A_157, %cond3A_158 : i32
      scf.if %cond3A_159 {
        %add3A_160 = arith.constant 40 : i32
        %add3A_161 = arith.addi %add3A_160, %add3A_130 : i32
        %add3A_162 = arith.constant 2 : i32
        %add3A_163 = arith.addi %add3A_161, %add3A_162 : i32
        %mul3A_164 = arith.constant 128 : i32
        %mul3A_165 = arith.muli %add3A_163, %mul3A_164 : i32
        %multiple_of3A_166 = tpu.assume_multiple %mul3A_165, 128 : i32
        %dma_start3A = tpu.memref_slice %arg7[%multiple_of3A_166] : memref<10240xi32, #tpu.memory_space<vmem>> -> memref<128xi32, #tpu.memory_space<vmem>>
        %dma_start3A_167 = arith.constant 0 : i32
        %dma_start3A_168 = arith.constant 0 : i32
        %dma_start3A_169 = tpu.memref_slice %arg2[%dma_start3A_167, %dma_start3A_168] : memref<10000x128xf32, #tpu.memory_space<hbm>> -> memref<10000x128xf32, #tpu.memory_space<hbm>>
        tpu.enqueue_indirect_dma source(%dma_start3A_169 : memref<10000x128xf32, #tpu.memory_space<hbm>>) target(%arg10 : memref<128x128xf32, #tpu.memory_space<vmem>>) offsets(%dma_start3A : memref<128xi32, #tpu.memory_space<vmem>>) semaphore(%arg13 : memref<!tpu.dma_semaphore, #tpu.memory_space<semaphore_mem>>)
      } else {
      }
    }
    %barrier3A_116 = arith.constant 0 : index
    tpu.barrier barrier_id(%barrier3A_116)
    %lt3A = arith.constant 15 : i32
    %lt3A_117 = arith.cmpi slt, %arg1, %lt3A : i32
    %convert_element_type3A_118 = arith.extui %lt3A_117 : i1 to i32
    %cond3A_119 = arith.constant 0 : i32
    %cond3A_120 = arith.cmpi ne, %convert_element_type3A_118, %cond3A_119 : i32
    scf.if %cond3A_120 {
      "tpu.region"() ({
        %run_scoped3A = tpu.sem_alloc : memref<!tpu.dma_semaphore, #tpu.memory_space<semaphore_mem>>
        %dma_start3A = arith.constant 0 : i32
        %dma_start3A_126 = tpu.memref_slice %arg6[%arg0, %mul3A_2, %dma_start3A] : memref<2x10000x128xf32, #tpu.memory_space<hbm>> -> memref<1x624x128xf32, #tpu.memory_space<hbm>>
        %dma_start3A_127 = tpu.memref_squeeze %dma_start3A_126 : memref<1x624x128xf32, #tpu.memory_space<hbm>> -> memref<624x128xf32, #tpu.memory_space<hbm>>
        %dma_start3A_128 = arith.constant 0 : i32
        %dma_start3A_129 = tpu.memref_slice %arg11[%mul3A_2, %dma_start3A_128] : memref<10000x128xf32, #tpu.memory_space<vmem_shared>> -> memref<624x128xf32, #tpu.memory_space<vmem_shared>>
        tpu.enqueue_dma source(%dma_start3A_129 : memref<624x128xf32, #tpu.memory_space<vmem_shared>>) target(%dma_start3A_127 : memref<624x128xf32, #tpu.memory_space<hbm>>) target_semaphore(%run_scoped3A : memref<!tpu.dma_semaphore, #tpu.memory_space<semaphore_mem>>)
        %dma_wait3A = arith.constant 0 : i32
        %dma_wait3A_130 = tpu.memref_slice %arg6[%arg0, %mul3A_2, %dma_wait3A] : memref<2x10000x128xf32, #tpu.memory_space<hbm>> -> memref<1x624x128xf32, #tpu.memory_space<hbm>>
        %dma_wait3A_131 = tpu.memref_squeeze %dma_wait3A_130 : memref<1x624x128xf32, #tpu.memory_space<hbm>> -> memref<624x128xf32, #tpu.memory_space<hbm>>
        %dma_wait3A_132 = arith.constant 0 : i32
        %dma_wait3A_133 = tpu.memref_slice %arg11[%mul3A_2, %dma_wait3A_132] : memref<10000x128xf32, #tpu.memory_space<vmem_shared>> -> memref<624x128xf32, #tpu.memory_space<vmem_shared>>
        tpu.wait_dma2 semaphore(%run_scoped3A : memref<!tpu.dma_semaphore, #tpu.memory_space<semaphore_mem>>) src(%dma_wait3A_133 : memref<624x128xf32, #tpu.memory_space<vmem_shared>>) dst(%dma_wait3A_131 : memref<624x128xf32, #tpu.memory_space<hbm>>)
        tpu.yield
      }) : () -> ()
    } else {
    }
    %eq3A_121 = arith.constant 15 : i32
    %eq3A_122 = arith.cmpi eq, %arg1, %eq3A_121 : i32
    %convert_element_type3A_123 = arith.extui %eq3A_122 : i1 to i32
    %cond3A_124 = arith.constant 0 : i32
    %cond3A_125 = arith.cmpi ne, %convert_element_type3A_123, %cond3A_124 : i32
    scf.if %cond3A_125 {
      "tpu.region"() ({
        %run_scoped3A = tpu.sem_alloc : memref<!tpu.dma_semaphore, #tpu.memory_space<semaphore_mem>>
        %dma_start3A = arith.constant 9360 : i32
        %dma_start3A_126 = arith.constant 0 : i32
        %dma_start3A_127 = tpu.memref_slice %arg6[%arg0, %dma_start3A, %dma_start3A_126] : memref<2x10000x128xf32, #tpu.memory_space<hbm>> -> memref<1x640x128xf32, #tpu.memory_space<hbm>>
        %dma_start3A_128 = tpu.memref_squeeze %dma_start3A_127 : memref<1x640x128xf32, #tpu.memory_space<hbm>> -> memref<640x128xf32, #tpu.memory_space<hbm>>
        %dma_start3A_129 = arith.constant 9360 : i32
        %dma_start3A_130 = arith.constant 0 : i32
        %dma_start3A_131 = tpu.memref_slice %arg11[%dma_start3A_129, %dma_start3A_130] : memref<10000x128xf32, #tpu.memory_space<vmem_shared>> -> memref<640x128xf32, #tpu.memory_space<vmem_shared>>
        tpu.enqueue_dma source(%dma_start3A_131 : memref<640x128xf32, #tpu.memory_space<vmem_shared>>) target(%dma_start3A_128 : memref<640x128xf32, #tpu.memory_space<hbm>>) target_semaphore(%run_scoped3A : memref<!tpu.dma_semaphore, #tpu.memory_space<semaphore_mem>>)
        %dma_wait3A = arith.constant 9360 : i32
        %dma_wait3A_132 = arith.constant 0 : i32
        %dma_wait3A_133 = tpu.memref_slice %arg6[%arg0, %dma_wait3A, %dma_wait3A_132] : memref<2x10000x128xf32, #tpu.memory_space<hbm>> -> memref<1x640x128xf32, #tpu.memory_space<hbm>>
        %dma_wait3A_134 = tpu.memref_squeeze %dma_wait3A_133 : memref<1x640x128xf32, #tpu.memory_space<hbm>> -> memref<640x128xf32, #tpu.memory_space<hbm>>
        %dma_wait3A_135 = arith.constant 9360 : i32
        %dma_wait3A_136 = arith.constant 0 : i32
        %dma_wait3A_137 = tpu.memref_slice %arg11[%dma_wait3A_135, %dma_wait3A_136] : memref<10000x128xf32, #tpu.memory_space<vmem_shared>> -> memref<640x128xf32, #tpu.memory_space<vmem_shared>>
        tpu.wait_dma2 semaphore(%run_scoped3A : memref<!tpu.dma_semaphore, #tpu.memory_space<semaphore_mem>>) src(%dma_wait3A_137 : memref<640x128xf32, #tpu.memory_space<vmem_shared>>) dst(%dma_wait3A_134 : memref<640x128xf32, #tpu.memory_space<hbm>>)
        tpu.yield
      }) : () -> ()
    } else {
    }
    return
  }
}

#map = affine_map<(d0, d1) -> (0, 0)>
#map1 = affine_map<(d0, d1) -> (0)>
#map2 = affine_map<(d0, d1) -> (0, 0, 0)>
module attributes {stable_mosaic.version = 14 : i64} {
  func.func @_sc_aggregate_body(%arg0: i32, %arg1: i32, %arg2: memref<10000x128xf32, #tpu.memory_space<hbm>>, %arg3: memref<327680xi32, #tpu.memory_space<hbm>>, %arg4: memref<64x40x128xi32, #tpu.memory_space<hbm>>, %arg5: memref<10000x128xf32, #tpu.memory_space<hbm>>, %arg6: memref<2x10000x128xf32, #tpu.memory_space<hbm>>, %arg7: memref<10240xi32, #tpu.memory_space<vmem>>, %arg8: memref<40x128xi32, #tpu.memory_space<vmem>>, %arg9: memref<128x128xf32, #tpu.memory_space<vmem>>, %arg10: memref<128x128xf32, #tpu.memory_space<vmem>>, %arg11: memref<10000x128xf32, #tpu.memory_space<vmem_shared>>, %arg12: memref<!tpu.dma_semaphore, #tpu.memory_space<semaphore_mem>>, %arg13: memref<!tpu.dma_semaphore, #tpu.memory_space<semaphore_mem>>, %arg14: memref<!tpu.dma_semaphore, #tpu.memory_space<semaphore_mem>>) attributes {dimension_semantics = [#tpu.dimension_semantics<core_parallel>, #tpu.dimension_semantics<subcore_parallel>], iteration_bounds = array<i64: 2, 16>, scalar_prefetch = 0 : i64, scratch_operands = 8 : i64, tpu.core_type = #tpu.core_type<sc_vector_subcore>, window_params = [{transform_indices = #map}, {transform_indices = #map1}, {transform_indices = #map2}, {transform_indices = #map}, {transform_indices = #map2}]} {
    %mul3A = arith.constant 16 : i32
    %mul3A_0 = arith.muli %arg0, %mul3A : i32
    %add3A = arith.addi %mul3A_0, %arg1 : i32
    %mul3A_1 = arith.constant 624 : i32
    %mul3A_2 = arith.muli %arg1, %mul3A_1 : i32
    %eq3A = arith.constant 0 : i32
    %eq3A_3 = arith.cmpi eq, %arg0, %eq3A : i32
    %convert_element_type3A = arith.extui %eq3A_3 : i1 to i32
    %cond3A = arith.constant 0 : i32
    %cond3A_4 = arith.cmpi ne, %convert_element_type3A, %cond3A : i32
    scf.if %cond3A_4 {
      %lt3A_126 = arith.constant 15 : i32
      %lt3A_127 = arith.cmpi slt, %arg1, %lt3A_126 : i32
      %convert_element_type3A_128 = arith.extui %lt3A_127 : i1 to i32
      %cond3A_129 = arith.constant 0 : i32
      %cond3A_130 = arith.cmpi ne, %convert_element_type3A_128, %cond3A_129 : i32
      scf.if %cond3A_130 {
        %dma_start3A = arith.constant 0 : i32
        %dma_start3A_136 = tpu.memref_slice %arg11[%mul3A_2, %dma_start3A] : memref<10000x128xf32, #tpu.memory_space<vmem_shared>> -> memref<624x128xf32, #tpu.memory_space<vmem_shared>>
        %dma_start3A_137 = arith.constant 0 : i32
        %dma_start3A_138 = tpu.memref_slice %arg2[%mul3A_2, %dma_start3A_137] : memref<10000x128xf32, #tpu.memory_space<hbm>> -> memref<624x128xf32, #tpu.memory_space<hbm>>
        tpu.enqueue_dma source(%dma_start3A_138 : memref<624x128xf32, #tpu.memory_space<hbm>>) target(%dma_start3A_136 : memref<624x128xf32, #tpu.memory_space<vmem_shared>>) target_semaphore(%arg14 : memref<!tpu.dma_semaphore, #tpu.memory_space<semaphore_mem>>)
      } else {
      }
      %eq3A_131 = arith.constant 15 : i32
      %eq3A_132 = arith.cmpi eq, %arg1, %eq3A_131 : i32
      %convert_element_type3A_133 = arith.extui %eq3A_132 : i1 to i32
      %cond3A_134 = arith.constant 0 : i32
      %cond3A_135 = arith.cmpi ne, %convert_element_type3A_133, %cond3A_134 : i32
      scf.if %cond3A_135 {
        %dma_start3A = arith.constant 9360 : i32
        %dma_start3A_136 = arith.constant 0 : i32
        %dma_start3A_137 = tpu.memref_slice %arg11[%dma_start3A, %dma_start3A_136] : memref<10000x128xf32, #tpu.memory_space<vmem_shared>> -> memref<640x128xf32, #tpu.memory_space<vmem_shared>>
        %dma_start3A_138 = arith.constant 9360 : i32
        %dma_start3A_139 = arith.constant 0 : i32
        %dma_start3A_140 = tpu.memref_slice %arg2[%dma_start3A_138, %dma_start3A_139] : memref<10000x128xf32, #tpu.memory_space<hbm>> -> memref<640x128xf32, #tpu.memory_space<hbm>>
        tpu.enqueue_dma source(%dma_start3A_140 : memref<640x128xf32, #tpu.memory_space<hbm>>) target(%dma_start3A_137 : memref<640x128xf32, #tpu.memory_space<vmem_shared>>) target_semaphore(%arg14 : memref<!tpu.dma_semaphore, #tpu.memory_space<semaphore_mem>>)
      } else {
      }
    } else {
    }
    %ne3A = arith.constant 0 : i32
    %ne3A_5 = arith.cmpi ne, %arg0, %ne3A : i32
    %convert_element_type3A_6 = arith.extui %ne3A_5 : i1 to i32
    %cond3A_7 = arith.constant 0 : i32
    %cond3A_8 = arith.cmpi ne, %convert_element_type3A_6, %cond3A_7 : i32
    scf.if %cond3A_8 {
      %lt3A_126 = arith.constant 15 : i32
      %lt3A_127 = arith.cmpi slt, %arg1, %lt3A_126 : i32
      %convert_element_type3A_128 = arith.extui %lt3A_127 : i1 to i32
      %cond3A_129 = arith.constant 0 : i32
      %cond3A_130 = arith.cmpi ne, %convert_element_type3A_128, %cond3A_129 : i32
      scf.if %cond3A_130 {
        %dma_start3A = arith.constant 0 : i32
        %dma_start3A_136 = tpu.memref_slice %arg11[%mul3A_2, %dma_start3A] : memref<10000x128xf32, #tpu.memory_space<vmem_shared>> -> memref<624x128xf32, #tpu.memory_space<vmem_shared>>
        %dma_start3A_137 = arith.constant 0 : i32
        %dma_start3A_138 = tpu.memref_slice %arg5[%mul3A_2, %dma_start3A_137] : memref<10000x128xf32, #tpu.memory_space<hbm>> -> memref<624x128xf32, #tpu.memory_space<hbm>>
        tpu.enqueue_dma source(%dma_start3A_138 : memref<624x128xf32, #tpu.memory_space<hbm>>) target(%dma_start3A_136 : memref<624x128xf32, #tpu.memory_space<vmem_shared>>) target_semaphore(%arg14 : memref<!tpu.dma_semaphore, #tpu.memory_space<semaphore_mem>>)
      } else {
      }
      %eq3A_131 = arith.constant 15 : i32
      %eq3A_132 = arith.cmpi eq, %arg1, %eq3A_131 : i32
      %convert_element_type3A_133 = arith.extui %eq3A_132 : i1 to i32
      %cond3A_134 = arith.constant 0 : i32
      %cond3A_135 = arith.cmpi ne, %convert_element_type3A_133, %cond3A_134 : i32
      scf.if %cond3A_135 {
        %dma_start3A = arith.constant 9360 : i32
        %dma_start3A_136 = arith.constant 0 : i32
        %dma_start3A_137 = tpu.memref_slice %arg11[%dma_start3A, %dma_start3A_136] : memref<10000x128xf32, #tpu.memory_space<vmem_shared>> -> memref<640x128xf32, #tpu.memory_space<vmem_shared>>
        %dma_start3A_138 = arith.constant 9360 : i32
        %dma_start3A_139 = arith.constant 0 : i32
        %dma_start3A_140 = tpu.memref_slice %arg5[%dma_start3A_138, %dma_start3A_139] : memref<10000x128xf32, #tpu.memory_space<hbm>> -> memref<640x128xf32, #tpu.memory_space<hbm>>
        tpu.enqueue_dma source(%dma_start3A_140 : memref<640x128xf32, #tpu.memory_space<hbm>>) target(%dma_start3A_137 : memref<640x128xf32, #tpu.memory_space<vmem_shared>>) target_semaphore(%arg14 : memref<!tpu.dma_semaphore, #tpu.memory_space<semaphore_mem>>)
      } else {
      }
    } else {
    }
    %mul3A_9 = arith.constant 80 : i32
    %mul3A_10 = arith.muli %add3A, %mul3A_9 : i32
    %mul3A_11 = arith.constant 128 : i32
    %mul3A_12 = arith.muli %mul3A_10, %mul3A_11 : i32
    %multiple_of3A = tpu.assume_multiple %mul3A_12, 10240 : i32
    "tpu.region"() ({
      %run_scoped3A = tpu.sem_alloc : memref<!tpu.dma_semaphore, #tpu.memory_space<semaphore_mem>>
      %dma_start3A = tpu.memref_slice %arg3[%multiple_of3A] : memref<327680xi32, #tpu.memory_space<hbm>> -> memref<10240xi32, #tpu.memory_space<hbm>>
      %dma_start3A_126 = tpu.memref_slice %arg3[%multiple_of3A] : memref<327680xi32, #tpu.memory_space<hbm>> -> memref<10240xi32, #tpu.memory_space<hbm>>
      tpu.enqueue_dma source(%dma_start3A_126 : memref<10240xi32, #tpu.memory_space<hbm>>) target(%arg7 : memref<10240xi32, #tpu.memory_space<vmem>>) target_semaphore(%run_scoped3A : memref<!tpu.dma_semaphore, #tpu.memory_space<semaphore_mem>>)
      %dma_wait3A = tpu.memref_slice %arg3[%multiple_of3A] : memref<327680xi32, #tpu.memory_space<hbm>> -> memref<10240xi32, #tpu.memory_space<hbm>>
      %dma_wait3A_127 = tpu.memref_slice %arg3[%multiple_of3A] : memref<327680xi32, #tpu.memory_space<hbm>> -> memref<10240xi32, #tpu.memory_space<hbm>>
      tpu.wait_dma2 semaphore(%run_scoped3A : memref<!tpu.dma_semaphore, #tpu.memory_space<semaphore_mem>>) src(%dma_wait3A_127 : memref<10240xi32, #tpu.memory_space<hbm>>) dst(%arg7 : memref<10240xi32, #tpu.memory_space<vmem>>)
      tpu.yield
    }) : () -> ()
    %mul3A_13 = arith.constant 2 : i32
    %mul3A_14 = arith.muli %add3A, %mul3A_13 : i32
    "tpu.region"() ({
      %run_scoped3A = tpu.sem_alloc : memref<!tpu.dma_semaphore, #tpu.memory_space<semaphore_mem>>
      %dma_start3A = arith.constant 0 : i32
      %dma_start3A_126 = arith.constant 0 : i32
      %dma_start3A_127 = tpu.memref_slice %arg4[%mul3A_14, %dma_start3A, %dma_start3A_126] : memref<64x40x128xi32, #tpu.memory_space<hbm>> -> memref<1x40x128xi32, #tpu.memory_space<hbm>>
      %dma_start3A_128 = tpu.memref_squeeze %dma_start3A_127 : memref<1x40x128xi32, #tpu.memory_space<hbm>> -> memref<40x128xi32, #tpu.memory_space<hbm>>
      %dma_start3A_129 = arith.constant 0 : i32
      %dma_start3A_130 = arith.constant 0 : i32
      %dma_start3A_131 = tpu.memref_slice %arg4[%mul3A_14, %dma_start3A_129, %dma_start3A_130] : memref<64x40x128xi32, #tpu.memory_space<hbm>> -> memref<1x40x128xi32, #tpu.memory_space<hbm>>
      %dma_start3A_132 = tpu.memref_squeeze %dma_start3A_131 : memref<1x40x128xi32, #tpu.memory_space<hbm>> -> memref<40x128xi32, #tpu.memory_space<hbm>>
      tpu.enqueue_dma source(%dma_start3A_132 : memref<40x128xi32, #tpu.memory_space<hbm>>) target(%arg8 : memref<40x128xi32, #tpu.memory_space<vmem>>) target_semaphore(%run_scoped3A : memref<!tpu.dma_semaphore, #tpu.memory_space<semaphore_mem>>)
      %dma_wait3A = arith.constant 0 : i32
      %dma_wait3A_133 = arith.constant 0 : i32
      %dma_wait3A_134 = tpu.memref_slice %arg4[%mul3A_14, %dma_wait3A, %dma_wait3A_133] : memref<64x40x128xi32, #tpu.memory_space<hbm>> -> memref<1x40x128xi32, #tpu.memory_space<hbm>>
      %dma_wait3A_135 = tpu.memref_squeeze %dma_wait3A_134 : memref<1x40x128xi32, #tpu.memory_space<hbm>> -> memref<40x128xi32, #tpu.memory_space<hbm>>
      %dma_wait3A_136 = arith.constant 0 : i32
      %dma_wait3A_137 = arith.constant 0 : i32
      %dma_wait3A_138 = tpu.memref_slice %arg4[%mul3A_14, %dma_wait3A_136, %dma_wait3A_137] : memref<64x40x128xi32, #tpu.memory_space<hbm>> -> memref<1x40x128xi32, #tpu.memory_space<hbm>>
      %dma_wait3A_139 = tpu.memref_squeeze %dma_wait3A_138 : memref<1x40x128xi32, #tpu.memory_space<hbm>> -> memref<40x128xi32, #tpu.memory_space<hbm>>
      tpu.wait_dma2 semaphore(%run_scoped3A : memref<!tpu.dma_semaphore, #tpu.memory_space<semaphore_mem>>) src(%dma_wait3A_139 : memref<40x128xi32, #tpu.memory_space<hbm>>) dst(%arg8 : memref<40x128xi32, #tpu.memory_space<vmem>>)
      tpu.yield
    }) : () -> ()
    %mul3A_15 = arith.constant 80 : i32
    %mul3A_16 = arith.muli %add3A, %mul3A_15 : i32
    %sub3A = arith.constant 2500 : i32
    %sub3A_17 = arith.subi %sub3A, %mul3A_16 : i32
    %min3A = arith.constant 80 : i32
    %min3A_18 = arith.minsi %min3A, %sub3A_17 : i32
    %min3A_19 = arith.constant 40 : i32
    %min3A_20 = arith.minsi %min3A_18, %min3A_19 : i32
    %gt3A = arith.constant 0 : i32
    %gt3A_21 = arith.cmpi sgt, %min3A_20, %gt3A : i32
    %convert_element_type3A_22 = arith.extui %gt3A_21 : i1 to i32
    %cond3A_23 = arith.constant 0 : i32
    %cond3A_24 = arith.cmpi ne, %convert_element_type3A_22, %cond3A_23 : i32
    scf.if %cond3A_24 {
      %multiple_of3A_126 = arith.constant 0 : i32
      %multiple_of3A_127 = tpu.assume_multiple %multiple_of3A_126, 128 : i32
      %dma_start3A = tpu.memref_slice %arg7[%multiple_of3A_127] : memref<10240xi32, #tpu.memory_space<vmem>> -> memref<128xi32, #tpu.memory_space<vmem>>
      %dma_start3A_128 = arith.constant 0 : i32
      %dma_start3A_129 = arith.constant 0 : i32
      %dma_start3A_130 = tpu.memref_slice %arg2[%dma_start3A_128, %dma_start3A_129] : memref<10000x128xf32, #tpu.memory_space<hbm>> -> memref<10000x128xf32, #tpu.memory_space<hbm>>
      tpu.enqueue_indirect_dma source(%dma_start3A_130 : memref<10000x128xf32, #tpu.memory_space<hbm>>) target(%arg9 : memref<128x128xf32, #tpu.memory_space<vmem>>) offsets(%dma_start3A : memref<128xi32, #tpu.memory_space<vmem>>) semaphore(%arg12 : memref<!tpu.dma_semaphore, #tpu.memory_space<semaphore_mem>>)
      %multiple_of3A_131 = arith.constant 128 : i32
      %multiple_of3A_132 = tpu.assume_multiple %multiple_of3A_131, 128 : i32
      %dma_start3A_133 = tpu.memref_slice %arg7[%multiple_of3A_132] : memref<10240xi32, #tpu.memory_space<vmem>> -> memref<128xi32, #tpu.memory_space<vmem>>
      %dma_start3A_134 = arith.constant 0 : i32
      %dma_start3A_135 = arith.constant 0 : i32
      %dma_start3A_136 = tpu.memref_slice %arg2[%dma_start3A_134, %dma_start3A_135] : memref<10000x128xf32, #tpu.memory_space<hbm>> -> memref<10000x128xf32, #tpu.memory_space<hbm>>
      tpu.enqueue_indirect_dma source(%dma_start3A_136 : memref<10000x128xf32, #tpu.memory_space<hbm>>) target(%arg10 : memref<128x128xf32, #tpu.memory_space<vmem>>) offsets(%dma_start3A_133 : memref<128xi32, #tpu.memory_space<vmem>>) semaphore(%arg13 : memref<!tpu.dma_semaphore, #tpu.memory_space<semaphore_mem>>)
    } else {
    }
    %eq3A_25 = arith.constant 0 : i32
    %eq3A_26 = arith.cmpi eq, %arg0, %eq3A_25 : i32
    %convert_element_type3A_27 = arith.extui %eq3A_26 : i1 to i32
    %cond3A_28 = arith.constant 0 : i32
    %cond3A_29 = arith.cmpi ne, %convert_element_type3A_27, %cond3A_28 : i32
    scf.if %cond3A_29 {
      %lt3A_126 = arith.constant 15 : i32
      %lt3A_127 = arith.cmpi slt, %arg1, %lt3A_126 : i32
      %convert_element_type3A_128 = arith.extui %lt3A_127 : i1 to i32
      %cond3A_129 = arith.constant 0 : i32
      %cond3A_130 = arith.cmpi ne, %convert_element_type3A_128, %cond3A_129 : i32
      scf.if %cond3A_130 {
        %dma_wait3A = arith.constant 0 : i32
        %dma_wait3A_136 = tpu.memref_slice %arg11[%mul3A_2, %dma_wait3A] : memref<10000x128xf32, #tpu.memory_space<vmem_shared>> -> memref<624x128xf32, #tpu.memory_space<vmem_shared>>
        %dma_wait3A_137 = arith.constant 0 : i32
        %dma_wait3A_138 = tpu.memref_slice %arg2[%mul3A_2, %dma_wait3A_137] : memref<10000x128xf32, #tpu.memory_space<hbm>> -> memref<624x128xf32, #tpu.memory_space<hbm>>
        tpu.wait_dma2 semaphore(%arg14 : memref<!tpu.dma_semaphore, #tpu.memory_space<semaphore_mem>>) src(%dma_wait3A_138 : memref<624x128xf32, #tpu.memory_space<hbm>>) dst(%dma_wait3A_136 : memref<624x128xf32, #tpu.memory_space<vmem_shared>>)
      } else {
      }
      %eq3A_131 = arith.constant 15 : i32
      %eq3A_132 = arith.cmpi eq, %arg1, %eq3A_131 : i32
      %convert_element_type3A_133 = arith.extui %eq3A_132 : i1 to i32
      %cond3A_134 = arith.constant 0 : i32
      %cond3A_135 = arith.cmpi ne, %convert_element_type3A_133, %cond3A_134 : i32
      scf.if %cond3A_135 {
        %dma_wait3A = arith.constant 9360 : i32
        %dma_wait3A_136 = arith.constant 0 : i32
        %dma_wait3A_137 = tpu.memref_slice %arg11[%dma_wait3A, %dma_wait3A_136] : memref<10000x128xf32, #tpu.memory_space<vmem_shared>> -> memref<640x128xf32, #tpu.memory_space<vmem_shared>>
        %dma_wait3A_138 = arith.constant 9360 : i32
        %dma_wait3A_139 = arith.constant 0 : i32
        %dma_wait3A_140 = tpu.memref_slice %arg2[%dma_wait3A_138, %dma_wait3A_139] : memref<10000x128xf32, #tpu.memory_space<hbm>> -> memref<640x128xf32, #tpu.memory_space<hbm>>
        tpu.wait_dma2 semaphore(%arg14 : memref<!tpu.dma_semaphore, #tpu.memory_space<semaphore_mem>>) src(%dma_wait3A_140 : memref<640x128xf32, #tpu.memory_space<hbm>>) dst(%dma_wait3A_137 : memref<640x128xf32, #tpu.memory_space<vmem_shared>>)
      } else {
      }
    } else {
    }
    %ne3A_30 = arith.constant 0 : i32
    %ne3A_31 = arith.cmpi ne, %arg0, %ne3A_30 : i32
    %convert_element_type3A_32 = arith.extui %ne3A_31 : i1 to i32
    %cond3A_33 = arith.constant 0 : i32
    %cond3A_34 = arith.cmpi ne, %convert_element_type3A_32, %cond3A_33 : i32
    scf.if %cond3A_34 {
      %lt3A_126 = arith.constant 15 : i32
      %lt3A_127 = arith.cmpi slt, %arg1, %lt3A_126 : i32
      %convert_element_type3A_128 = arith.extui %lt3A_127 : i1 to i32
      %cond3A_129 = arith.constant 0 : i32
      %cond3A_130 = arith.cmpi ne, %convert_element_type3A_128, %cond3A_129 : i32
      scf.if %cond3A_130 {
        %dma_wait3A = arith.constant 0 : i32
        %dma_wait3A_136 = tpu.memref_slice %arg11[%mul3A_2, %dma_wait3A] : memref<10000x128xf32, #tpu.memory_space<vmem_shared>> -> memref<624x128xf32, #tpu.memory_space<vmem_shared>>
        %dma_wait3A_137 = arith.constant 0 : i32
        %dma_wait3A_138 = tpu.memref_slice %arg5[%mul3A_2, %dma_wait3A_137] : memref<10000x128xf32, #tpu.memory_space<hbm>> -> memref<624x128xf32, #tpu.memory_space<hbm>>
        tpu.wait_dma2 semaphore(%arg14 : memref<!tpu.dma_semaphore, #tpu.memory_space<semaphore_mem>>) src(%dma_wait3A_138 : memref<624x128xf32, #tpu.memory_space<hbm>>) dst(%dma_wait3A_136 : memref<624x128xf32, #tpu.memory_space<vmem_shared>>)
      } else {
      }
      %eq3A_131 = arith.constant 15 : i32
      %eq3A_132 = arith.cmpi eq, %arg1, %eq3A_131 : i32
      %convert_element_type3A_133 = arith.extui %eq3A_132 : i1 to i32
      %cond3A_134 = arith.constant 0 : i32
      %cond3A_135 = arith.cmpi ne, %convert_element_type3A_133, %cond3A_134 : i32
      scf.if %cond3A_135 {
        %dma_wait3A = arith.constant 9360 : i32
        %dma_wait3A_136 = arith.constant 0 : i32
        %dma_wait3A_137 = tpu.memref_slice %arg11[%dma_wait3A, %dma_wait3A_136] : memref<10000x128xf32, #tpu.memory_space<vmem_shared>> -> memref<640x128xf32, #tpu.memory_space<vmem_shared>>
        %dma_wait3A_138 = arith.constant 9360 : i32
        %dma_wait3A_139 = arith.constant 0 : i32
        %dma_wait3A_140 = tpu.memref_slice %arg5[%dma_wait3A_138, %dma_wait3A_139] : memref<10000x128xf32, #tpu.memory_space<hbm>> -> memref<640x128xf32, #tpu.memory_space<hbm>>
        tpu.wait_dma2 semaphore(%arg14 : memref<!tpu.dma_semaphore, #tpu.memory_space<semaphore_mem>>) src(%dma_wait3A_140 : memref<640x128xf32, #tpu.memory_space<hbm>>) dst(%dma_wait3A_137 : memref<640x128xf32, #tpu.memory_space<vmem_shared>>)
      } else {
      }
    } else {
    }
    %barrier3A = arith.constant 0 : index
    tpu.barrier barrier_id(%barrier3A)
    %sub3A_35 = arith.constant 0 : i32
    %sub3A_36 = arith.subi %min3A_18, %sub3A_35 : i32
    %jit3A = arith.constant 0 : i32
    %jit3A_37 = arith.constant 40 : i32
    %max3A = arith.maxsi %jit3A, %sub3A_36 : i32
    %min3A_38 = arith.minsi %jit3A_37, %max3A : i32
    %jit3A_39 = arith.constant 2 : i32
    %div3A = arith.divsi %min3A_38, %jit3A_39 : i32
    %sign3A = arith.constant 0 : i32
    %sign3A_40 = arith.cmpi sgt, %min3A_38, %sign3A : i32
    %sign3A_41 = arith.extui %sign3A_40 : i1 to i32
    %sign3A_42 = arith.constant 0 : i32
    %sign3A_43 = arith.cmpi slt, %min3A_38, %sign3A_42 : i32
    %sign3A_44 = arith.extui %sign3A_43 : i1 to i32
    %sign3A_45 = arith.subi %sign3A_41, %sign3A_44 : i32
    %sign3A_46 = arith.constant 0 : i32
    %sign3A_47 = arith.cmpi sgt, %jit3A_39, %sign3A_46 : i32
    %sign3A_48 = arith.extui %sign3A_47 : i1 to i32
    %sign3A_49 = arith.constant 0 : i32
    %sign3A_50 = arith.cmpi slt, %jit3A_39, %sign3A_49 : i32
    %sign3A_51 = arith.extui %sign3A_50 : i1 to i32
    %sign3A_52 = arith.subi %sign3A_48, %sign3A_51 : i32
    %ne3A_53 = arith.cmpi ne, %sign3A_45, %sign3A_52 : i32
    %rem3A = arith.remsi %min3A_38, %jit3A_39 : i32
    %ne3A_54 = arith.constant 0 : i32
    %ne3A_55 = arith.cmpi ne, %rem3A, %ne3A_54 : i32
    %and3A = arith.andi %ne3A_53, %ne3A_55 : i1
    %sub3A_56 = arith.constant 1 : i32
    %sub3A_57 = arith.subi %div3A, %sub3A_56 : i32
    %select_n3A = arith.select %and3A, %sub3A_57, %div3A : i32
    %while3A = arith.constant 0 : i32
    %while3A_58 = arith.constant 0 : i32
    %while3A_59 = arith.subi %select_n3A, %while3A_58 : i32
    %while3A_60 = arith.addi %while3A_58, %while3A_59 : i32
    %while3A_61 = arith.constant 1 : i32
    %while3A_62 = arith.divsi %while3A_59, %while3A_61 : i32
    %while3A_63 = arith.muli %while3A_62, %while3A_61 : i32
    %while3A_64 = arith.addi %while3A_58, %while3A_63 : i32
    %while3A_65 = arith.constant 1 : i32
    scf.for %while3A_126 = %while3A_58 to %while3A_64 step %while3A_65  : i32 {
      %mul3A_127 = arith.constant 2 : i32
      %mul3A_128 = arith.muli %mul3A_127, %while3A_126 : i32
      %add3A_129 = arith.constant 1 : i32
      %add3A_130 = arith.addi %mul3A_128, %add3A_129 : i32
      %add3A_131 = arith.constant 0 : i32
      %add3A_132 = arith.addi %add3A_131, %mul3A_128 : i32
      %mul3A_133 = arith.constant 128 : i32
      %mul3A_134 = arith.muli %add3A_132, %mul3A_133 : i32
      %multiple_of3A_135 = tpu.assume_multiple %mul3A_134, 128 : i32
      %dma_wait3A = tpu.memref_slice %arg7[%multiple_of3A_135] : memref<10240xi32, #tpu.memory_space<vmem>> -> memref<128xi32, #tpu.memory_space<vmem>>
      %dma_wait3A_136 = arith.constant 0 : i32
      %dma_wait3A_137 = arith.constant 0 : i32
      %dma_wait3A_138 = tpu.memref_slice %arg2[%dma_wait3A_136, %dma_wait3A_137] : memref<10000x128xf32, #tpu.memory_space<hbm>> -> memref<10000x128xf32, #tpu.memory_space<hbm>>
      tpu.wait_indirect_dma semaphore(%arg12 : memref<!tpu.dma_semaphore, #tpu.memory_space<semaphore_mem>>) src(%dma_wait3A_138 : memref<10000x128xf32, #tpu.memory_space<hbm>>) dst(%arg9 : memref<128x128xf32, #tpu.memory_space<vmem>>)
      "tpu.region"() ({
        %run_scoped3A = tpu.sem_alloc : memref<!tpu.dma_semaphore, #tpu.memory_space<semaphore_mem>>
        %dma_start3A = arith.constant 0 : i32
        %dma_start3A_160 = tpu.memref_slice %arg8[%mul3A_128, %dma_start3A] : memref<40x128xi32, #tpu.memory_space<vmem>> -> memref<1x128xi32, #tpu.memory_space<vmem>>
        %dma_start3A_161 = tpu.memref_squeeze %dma_start3A_160 : memref<1x128xi32, #tpu.memory_space<vmem>> -> memref<128xi32, #tpu.memory_space<vmem>>
        %dma_start3A_162 = arith.constant 0 : i32
        %dma_start3A_163 = arith.constant 0 : i32
        %dma_start3A_164 = tpu.memref_slice %arg11[%dma_start3A_162, %dma_start3A_163] : memref<10000x128xf32, #tpu.memory_space<vmem_shared>> -> memref<10000x128xf32, #tpu.memory_space<vmem_shared>>
        tpu.enqueue_indirect_dma source(%arg9 : memref<128x128xf32, #tpu.memory_space<vmem>>) target(%dma_start3A_164 : memref<10000x128xf32, #tpu.memory_space<vmem_shared>>) offsets(%dma_start3A_161 : memref<128xi32, #tpu.memory_space<vmem>>) semaphore(%run_scoped3A : memref<!tpu.dma_semaphore, #tpu.memory_space<semaphore_mem>>) {add = true}
        %dma_wait3A_165 = arith.constant 0 : i32
        %dma_wait3A_166 = tpu.memref_slice %arg8[%mul3A_128, %dma_wait3A_165] : memref<40x128xi32, #tpu.memory_space<vmem>> -> memref<1x128xi32, #tpu.memory_space<vmem>>
        %dma_wait3A_167 = tpu.memref_squeeze %dma_wait3A_166 : memref<1x128xi32, #tpu.memory_space<vmem>> -> memref<128xi32, #tpu.memory_space<vmem>>
        %dma_wait3A_168 = arith.constant 0 : i32
        %dma_wait3A_169 = arith.constant 0 : i32
        %dma_wait3A_170 = tpu.memref_slice %arg11[%dma_wait3A_168, %dma_wait3A_169] : memref<10000x128xf32, #tpu.memory_space<vmem_shared>> -> memref<10000x128xf32, #tpu.memory_space<vmem_shared>>
        tpu.wait_indirect_dma semaphore(%run_scoped3A : memref<!tpu.dma_semaphore, #tpu.memory_space<semaphore_mem>>) src(%arg9 : memref<128x128xf32, #tpu.memory_space<vmem>>) dst(%dma_wait3A_170 : memref<10000x128xf32, #tpu.memory_space<vmem_shared>>)
        tpu.yield
      }) : () -> ()
      %add3A_139 = arith.constant 2 : i32
      %add3A_140 = arith.addi %mul3A_128, %add3A_139 : i32
      %lt3A_141 = arith.cmpi slt, %add3A_140, %min3A_38 : i32
      %convert_element_type3A_142 = arith.extui %lt3A_141 : i1 to i32
      %cond3A_143 = arith.constant 0 : i32
      %cond3A_144 = arith.cmpi ne, %convert_element_type3A_142, %cond3A_143 : i32
      scf.if %cond3A_144 {
        %add3A_160 = arith.constant 0 : i32
        %add3A_161 = arith.addi %add3A_160, %mul3A_128 : i32
        %add3A_162 = arith.constant 2 : i32
        %add3A_163 = arith.addi %add3A_161, %add3A_162 : i32
        %mul3A_164 = arith.constant 128 : i32
        %mul3A_165 = arith.muli %add3A_163, %mul3A_164 : i32
        %multiple_of3A_166 = tpu.assume_multiple %mul3A_165, 128 : i32
        %dma_start3A = tpu.memref_slice %arg7[%multiple_of3A_166] : memref<10240xi32, #tpu.memory_space<vmem>> -> memref<128xi32, #tpu.memory_space<vmem>>
        %dma_start3A_167 = arith.constant 0 : i32
        %dma_start3A_168 = arith.constant 0 : i32
        %dma_start3A_169 = tpu.memref_slice %arg2[%dma_start3A_167, %dma_start3A_168] : memref<10000x128xf32, #tpu.memory_space<hbm>> -> memref<10000x128xf32, #tpu.memory_space<hbm>>
        tpu.enqueue_indirect_dma source(%dma_start3A_169 : memref<10000x128xf32, #tpu.memory_space<hbm>>) target(%arg9 : memref<128x128xf32, #tpu.memory_space<vmem>>) offsets(%dma_start3A : memref<128xi32, #tpu.memory_space<vmem>>) semaphore(%arg12 : memref<!tpu.dma_semaphore, #tpu.memory_space<semaphore_mem>>)
      } else {
      }
      %add3A_145 = arith.constant 0 : i32
      %add3A_146 = arith.addi %add3A_145, %add3A_130 : i32
      %mul3A_147 = arith.constant 128 : i32
      %mul3A_148 = arith.muli %add3A_146, %mul3A_147 : i32
      %multiple_of3A_149 = tpu.assume_multiple %mul3A_148, 128 : i32
      %dma_wait3A_150 = tpu.memref_slice %arg7[%multiple_of3A_149] : memref<10240xi32, #tpu.memory_space<vmem>> -> memref<128xi32, #tpu.memory_space<vmem>>
      %dma_wait3A_151 = arith.constant 0 : i32
      %dma_wait3A_152 = arith.constant 0 : i32
      %dma_wait3A_153 = tpu.memref_slice %arg2[%dma_wait3A_151, %dma_wait3A_152] : memref<10000x128xf32, #tpu.memory_space<hbm>> -> memref<10000x128xf32, #tpu.memory_space<hbm>>
      tpu.wait_indirect_dma semaphore(%arg13 : memref<!tpu.dma_semaphore, #tpu.memory_space<semaphore_mem>>) src(%dma_wait3A_153 : memref<10000x128xf32, #tpu.memory_space<hbm>>) dst(%arg10 : memref<128x128xf32, #tpu.memory_space<vmem>>)
      "tpu.region"() ({
        %run_scoped3A = tpu.sem_alloc : memref<!tpu.dma_semaphore, #tpu.memory_space<semaphore_mem>>
        %dma_start3A = arith.constant 0 : i32
        %dma_start3A_160 = tpu.memref_slice %arg8[%add3A_130, %dma_start3A] : memref<40x128xi32, #tpu.memory_space<vmem>> -> memref<1x128xi32, #tpu.memory_space<vmem>>
        %dma_start3A_161 = tpu.memref_squeeze %dma_start3A_160 : memref<1x128xi32, #tpu.memory_space<vmem>> -> memref<128xi32, #tpu.memory_space<vmem>>
        %dma_start3A_162 = arith.constant 0 : i32
        %dma_start3A_163 = arith.constant 0 : i32
        %dma_start3A_164 = tpu.memref_slice %arg11[%dma_start3A_162, %dma_start3A_163] : memref<10000x128xf32, #tpu.memory_space<vmem_shared>> -> memref<10000x128xf32, #tpu.memory_space<vmem_shared>>
        tpu.enqueue_indirect_dma source(%arg10 : memref<128x128xf32, #tpu.memory_space<vmem>>) target(%dma_start3A_164 : memref<10000x128xf32, #tpu.memory_space<vmem_shared>>) offsets(%dma_start3A_161 : memref<128xi32, #tpu.memory_space<vmem>>) semaphore(%run_scoped3A : memref<!tpu.dma_semaphore, #tpu.memory_space<semaphore_mem>>) {add = true}
        %dma_wait3A_165 = arith.constant 0 : i32
        %dma_wait3A_166 = tpu.memref_slice %arg8[%add3A_130, %dma_wait3A_165] : memref<40x128xi32, #tpu.memory_space<vmem>> -> memref<1x128xi32, #tpu.memory_space<vmem>>
        %dma_wait3A_167 = tpu.memref_squeeze %dma_wait3A_166 : memref<1x128xi32, #tpu.memory_space<vmem>> -> memref<128xi32, #tpu.memory_space<vmem>>
        %dma_wait3A_168 = arith.constant 0 : i32
        %dma_wait3A_169 = arith.constant 0 : i32
        %dma_wait3A_170 = tpu.memref_slice %arg11[%dma_wait3A_168, %dma_wait3A_169] : memref<10000x128xf32, #tpu.memory_space<vmem_shared>> -> memref<10000x128xf32, #tpu.memory_space<vmem_shared>>
        tpu.wait_indirect_dma semaphore(%run_scoped3A : memref<!tpu.dma_semaphore, #tpu.memory_space<semaphore_mem>>) src(%arg10 : memref<128x128xf32, #tpu.memory_space<vmem>>) dst(%dma_wait3A_170 : memref<10000x128xf32, #tpu.memory_space<vmem_shared>>)
        tpu.yield
      }) : () -> ()
      %add3A_154 = arith.constant 2 : i32
      %add3A_155 = arith.addi %add3A_130, %add3A_154 : i32
      %lt3A_156 = arith.cmpi slt, %add3A_155, %min3A_38 : i32
      %convert_element_type3A_157 = arith.extui %lt3A_156 : i1 to i32
      %cond3A_158 = arith.constant 0 : i32
      %cond3A_159 = arith.cmpi ne, %convert_element_type3A_157, %cond3A_158 : i32
      scf.if %cond3A_159 {
        %add3A_160 = arith.constant 0 : i32
        %add3A_161 = arith.addi %add3A_160, %add3A_130 : i32
        %add3A_162 = arith.constant 2 : i32
        %add3A_163 = arith.addi %add3A_161, %add3A_162 : i32
        %mul3A_164 = arith.constant 128 : i32
        %mul3A_165 = arith.muli %add3A_163, %mul3A_164 : i32
        %multiple_of3A_166 = tpu.assume_multiple %mul3A_165, 128 : i32
        %dma_start3A = tpu.memref_slice %arg7[%multiple_of3A_166] : memref<10240xi32, #tpu.memory_space<vmem>> -> memref<128xi32, #tpu.memory_space<vmem>>
        %dma_start3A_167 = arith.constant 0 : i32
        %dma_start3A_168 = arith.constant 0 : i32
        %dma_start3A_169 = tpu.memref_slice %arg2[%dma_start3A_167, %dma_start3A_168] : memref<10000x128xf32, #tpu.memory_space<hbm>> -> memref<10000x128xf32, #tpu.memory_space<hbm>>
        tpu.enqueue_indirect_dma source(%dma_start3A_169 : memref<10000x128xf32, #tpu.memory_space<hbm>>) target(%arg10 : memref<128x128xf32, #tpu.memory_space<vmem>>) offsets(%dma_start3A : memref<128xi32, #tpu.memory_space<vmem>>) semaphore(%arg13 : memref<!tpu.dma_semaphore, #tpu.memory_space<semaphore_mem>>)
      } else {
      }
    }
    %while3A_66 = arith.constant 1 : i32
    scf.for %while3A_126 = %while3A_64 to %while3A_60 step %while3A_66  : i32 {
      %mul3A_127 = arith.constant 2 : i32
      %mul3A_128 = arith.muli %mul3A_127, %while3A_126 : i32
      %add3A_129 = arith.constant 1 : i32
      %add3A_130 = arith.addi %mul3A_128, %add3A_129 : i32
      %add3A_131 = arith.constant 0 : i32
      %add3A_132 = arith.addi %add3A_131, %mul3A_128 : i32
      %mul3A_133 = arith.constant 128 : i32
      %mul3A_134 = arith.muli %add3A_132, %mul3A_133 : i32
      %multiple_of3A_135 = tpu.assume_multiple %mul3A_134, 128 : i32
      %dma_wait3A = tpu.memref_slice %arg7[%multiple_of3A_135] : memref<10240xi32, #tpu.memory_space<vmem>> -> memref<128xi32, #tpu.memory_space<vmem>>
      %dma_wait3A_136 = arith.constant 0 : i32
      %dma_wait3A_137 = arith.constant 0 : i32
      %dma_wait3A_138 = tpu.memref_slice %arg2[%dma_wait3A_136, %dma_wait3A_137] : memref<10000x128xf32, #tpu.memory_space<hbm>> -> memref<10000x128xf32, #tpu.memory_space<hbm>>
      tpu.wait_indirect_dma semaphore(%arg12 : memref<!tpu.dma_semaphore, #tpu.memory_space<semaphore_mem>>) src(%dma_wait3A_138 : memref<10000x128xf32, #tpu.memory_space<hbm>>) dst(%arg9 : memref<128x128xf32, #tpu.memory_space<vmem>>)
      "tpu.region"() ({
        %run_scoped3A = tpu.sem_alloc : memref<!tpu.dma_semaphore, #tpu.memory_space<semaphore_mem>>
        %dma_start3A = arith.constant 0 : i32
        %dma_start3A_160 = tpu.memref_slice %arg8[%mul3A_128, %dma_start3A] : memref<40x128xi32, #tpu.memory_space<vmem>> -> memref<1x128xi32, #tpu.memory_space<vmem>>
        %dma_start3A_161 = tpu.memref_squeeze %dma_start3A_160 : memref<1x128xi32, #tpu.memory_space<vmem>> -> memref<128xi32, #tpu.memory_space<vmem>>
        %dma_start3A_162 = arith.constant 0 : i32
        %dma_start3A_163 = arith.constant 0 : i32
        %dma_start3A_164 = tpu.memref_slice %arg11[%dma_start3A_162, %dma_start3A_163] : memref<10000x128xf32, #tpu.memory_space<vmem_shared>> -> memref<10000x128xf32, #tpu.memory_space<vmem_shared>>
        tpu.enqueue_indirect_dma source(%arg9 : memref<128x128xf32, #tpu.memory_space<vmem>>) target(%dma_start3A_164 : memref<10000x128xf32, #tpu.memory_space<vmem_shared>>) offsets(%dma_start3A_161 : memref<128xi32, #tpu.memory_space<vmem>>) semaphore(%run_scoped3A : memref<!tpu.dma_semaphore, #tpu.memory_space<semaphore_mem>>) {add = true}
        %dma_wait3A_165 = arith.constant 0 : i32
        %dma_wait3A_166 = tpu.memref_slice %arg8[%mul3A_128, %dma_wait3A_165] : memref<40x128xi32, #tpu.memory_space<vmem>> -> memref<1x128xi32, #tpu.memory_space<vmem>>
        %dma_wait3A_167 = tpu.memref_squeeze %dma_wait3A_166 : memref<1x128xi32, #tpu.memory_space<vmem>> -> memref<128xi32, #tpu.memory_space<vmem>>
        %dma_wait3A_168 = arith.constant 0 : i32
        %dma_wait3A_169 = arith.constant 0 : i32
        %dma_wait3A_170 = tpu.memref_slice %arg11[%dma_wait3A_168, %dma_wait3A_169] : memref<10000x128xf32, #tpu.memory_space<vmem_shared>> -> memref<10000x128xf32, #tpu.memory_space<vmem_shared>>
        tpu.wait_indirect_dma semaphore(%run_scoped3A : memref<!tpu.dma_semaphore, #tpu.memory_space<semaphore_mem>>) src(%arg9 : memref<128x128xf32, #tpu.memory_space<vmem>>) dst(%dma_wait3A_170 : memref<10000x128xf32, #tpu.memory_space<vmem_shared>>)
        tpu.yield
      }) : () -> ()
      %add3A_139 = arith.constant 2 : i32
      %add3A_140 = arith.addi %mul3A_128, %add3A_139 : i32
      %lt3A_141 = arith.cmpi slt, %add3A_140, %min3A_38 : i32
      %convert_element_type3A_142 = arith.extui %lt3A_141 : i1 to i32
      %cond3A_143 = arith.constant 0 : i32
      %cond3A_144 = arith.cmpi ne, %convert_element_type3A_142, %cond3A_143 : i32
      scf.if %cond3A_144 {
        %add3A_160 = arith.constant 0 : i32
        %add3A_161 = arith.addi %add3A_160, %mul3A_128 : i32
        %add3A_162 = arith.constant 2 : i32
        %add3A_163 = arith.addi %add3A_161, %add3A_162 : i32
        %mul3A_164 = arith.constant 128 : i32
        %mul3A_165 = arith.muli %add3A_163, %mul3A_164 : i32
        %multiple_of3A_166 = tpu.assume_multiple %mul3A_165, 128 : i32
        %dma_start3A = tpu.memref_slice %arg7[%multiple_of3A_166] : memref<10240xi32, #tpu.memory_space<vmem>> -> memref<128xi32, #tpu.memory_space<vmem>>
        %dma_start3A_167 = arith.constant 0 : i32
        %dma_start3A_168 = arith.constant 0 : i32
        %dma_start3A_169 = tpu.memref_slice %arg2[%dma_start3A_167, %dma_start3A_168] : memref<10000x128xf32, #tpu.memory_space<hbm>> -> memref<10000x128xf32, #tpu.memory_space<hbm>>
        tpu.enqueue_indirect_dma source(%dma_start3A_169 : memref<10000x128xf32, #tpu.memory_space<hbm>>) target(%arg9 : memref<128x128xf32, #tpu.memory_space<vmem>>) offsets(%dma_start3A : memref<128xi32, #tpu.memory_space<vmem>>) semaphore(%arg12 : memref<!tpu.dma_semaphore, #tpu.memory_space<semaphore_mem>>)
      } else {
      }
      %add3A_145 = arith.constant 0 : i32
      %add3A_146 = arith.addi %add3A_145, %add3A_130 : i32
      %mul3A_147 = arith.constant 128 : i32
      %mul3A_148 = arith.muli %add3A_146, %mul3A_147 : i32
      %multiple_of3A_149 = tpu.assume_multiple %mul3A_148, 128 : i32
      %dma_wait3A_150 = tpu.memref_slice %arg7[%multiple_of3A_149] : memref<10240xi32, #tpu.memory_space<vmem>> -> memref<128xi32, #tpu.memory_space<vmem>>
      %dma_wait3A_151 = arith.constant 0 : i32
      %dma_wait3A_152 = arith.constant 0 : i32
      %dma_wait3A_153 = tpu.memref_slice %arg2[%dma_wait3A_151, %dma_wait3A_152] : memref<10000x128xf32, #tpu.memory_space<hbm>> -> memref<10000x128xf32, #tpu.memory_space<hbm>>
      tpu.wait_indirect_dma semaphore(%arg13 : memref<!tpu.dma_semaphore, #tpu.memory_space<semaphore_mem>>) src(%dma_wait3A_153 : memref<10000x128xf32, #tpu.memory_space<hbm>>) dst(%arg10 : memref<128x128xf32, #tpu.memory_space<vmem>>)
      "tpu.region"() ({
        %run_scoped3A = tpu.sem_alloc : memref<!tpu.dma_semaphore, #tpu.memory_space<semaphore_mem>>
        %dma_start3A = arith.constant 0 : i32
        %dma_start3A_160 = tpu.memref_slice %arg8[%add3A_130, %dma_start3A] : memref<40x128xi32, #tpu.memory_space<vmem>> -> memref<1x128xi32, #tpu.memory_space<vmem>>
        %dma_start3A_161 = tpu.memref_squeeze %dma_start3A_160 : memref<1x128xi32, #tpu.memory_space<vmem>> -> memref<128xi32, #tpu.memory_space<vmem>>
        %dma_start3A_162 = arith.constant 0 : i32
        %dma_start3A_163 = arith.constant 0 : i32
        %dma_start3A_164 = tpu.memref_slice %arg11[%dma_start3A_162, %dma_start3A_163] : memref<10000x128xf32, #tpu.memory_space<vmem_shared>> -> memref<10000x128xf32, #tpu.memory_space<vmem_shared>>
        tpu.enqueue_indirect_dma source(%arg10 : memref<128x128xf32, #tpu.memory_space<vmem>>) target(%dma_start3A_164 : memref<10000x128xf32, #tpu.memory_space<vmem_shared>>) offsets(%dma_start3A_161 : memref<128xi32, #tpu.memory_space<vmem>>) semaphore(%run_scoped3A : memref<!tpu.dma_semaphore, #tpu.memory_space<semaphore_mem>>) {add = true}
        %dma_wait3A_165 = arith.constant 0 : i32
        %dma_wait3A_166 = tpu.memref_slice %arg8[%add3A_130, %dma_wait3A_165] : memref<40x128xi32, #tpu.memory_space<vmem>> -> memref<1x128xi32, #tpu.memory_space<vmem>>
        %dma_wait3A_167 = tpu.memref_squeeze %dma_wait3A_166 : memref<1x128xi32, #tpu.memory_space<vmem>> -> memref<128xi32, #tpu.memory_space<vmem>>
        %dma_wait3A_168 = arith.constant 0 : i32
        %dma_wait3A_169 = arith.constant 0 : i32
        %dma_wait3A_170 = tpu.memref_slice %arg11[%dma_wait3A_168, %dma_wait3A_169] : memref<10000x128xf32, #tpu.memory_space<vmem_shared>> -> memref<10000x128xf32, #tpu.memory_space<vmem_shared>>
        tpu.wait_indirect_dma semaphore(%run_scoped3A : memref<!tpu.dma_semaphore, #tpu.memory_space<semaphore_mem>>) src(%arg10 : memref<128x128xf32, #tpu.memory_space<vmem>>) dst(%dma_wait3A_170 : memref<10000x128xf32, #tpu.memory_space<vmem_shared>>)
        tpu.yield
      }) : () -> ()
      %add3A_154 = arith.constant 2 : i32
      %add3A_155 = arith.addi %add3A_130, %add3A_154 : i32
      %lt3A_156 = arith.cmpi slt, %add3A_155, %min3A_38 : i32
      %convert_element_type3A_157 = arith.extui %lt3A_156 : i1 to i32
      %cond3A_158 = arith.constant 0 : i32
      %cond3A_159 = arith.cmpi ne, %convert_element_type3A_157, %cond3A_158 : i32
      scf.if %cond3A_159 {
        %add3A_160 = arith.constant 0 : i32
        %add3A_161 = arith.addi %add3A_160, %add3A_130 : i32
        %add3A_162 = arith.constant 2 : i32
        %add3A_163 = arith.addi %add3A_161, %add3A_162 : i32
        %mul3A_164 = arith.constant 128 : i32
        %mul3A_165 = arith.muli %add3A_163, %mul3A_164 : i32
        %multiple_of3A_166 = tpu.assume_multiple %mul3A_165, 128 : i32
        %dma_start3A = tpu.memref_slice %arg7[%multiple_of3A_166] : memref<10240xi32, #tpu.memory_space<vmem>> -> memref<128xi32, #tpu.memory_space<vmem>>
        %dma_start3A_167 = arith.constant 0 : i32
        %dma_start3A_168 = arith.constant 0 : i32
        %dma_start3A_169 = tpu.memref_slice %arg2[%dma_start3A_167, %dma_start3A_168] : memref<10000x128xf32, #tpu.memory_space<hbm>> -> memref<10000x128xf32, #tpu.memory_space<hbm>>
        tpu.enqueue_indirect_dma source(%dma_start3A_169 : memref<10000x128xf32, #tpu.memory_space<hbm>>) target(%arg10 : memref<128x128xf32, #tpu.memory_space<vmem>>) offsets(%dma_start3A : memref<128xi32, #tpu.memory_space<vmem>>) semaphore(%arg13 : memref<!tpu.dma_semaphore, #tpu.memory_space<semaphore_mem>>)
      } else {
      }
    }
    %sub3A_67 = arith.constant 40 : i32
    %sub3A_68 = arith.subi %min3A_18, %sub3A_67 : i32
    %jit3A_69 = arith.constant 0 : i32
    %jit3A_70 = arith.constant 40 : i32
    %max3A_71 = arith.maxsi %jit3A_69, %sub3A_68 : i32
    %min3A_72 = arith.minsi %jit3A_70, %max3A_71 : i32
    %jit3A_73 = arith.constant 2 : i32
    %div3A_74 = arith.divsi %min3A_72, %jit3A_73 : i32
    %sign3A_75 = arith.constant 0 : i32
    %sign3A_76 = arith.cmpi sgt, %min3A_72, %sign3A_75 : i32
    %sign3A_77 = arith.extui %sign3A_76 : i1 to i32
    %sign3A_78 = arith.constant 0 : i32
    %sign3A_79 = arith.cmpi slt, %min3A_72, %sign3A_78 : i32
    %sign3A_80 = arith.extui %sign3A_79 : i1 to i32
    %sign3A_81 = arith.subi %sign3A_77, %sign3A_80 : i32
    %sign3A_82 = arith.constant 0 : i32
    %sign3A_83 = arith.cmpi sgt, %jit3A_73, %sign3A_82 : i32
    %sign3A_84 = arith.extui %sign3A_83 : i1 to i32
    %sign3A_85 = arith.constant 0 : i32
    %sign3A_86 = arith.cmpi slt, %jit3A_73, %sign3A_85 : i32
    %sign3A_87 = arith.extui %sign3A_86 : i1 to i32
    %sign3A_88 = arith.subi %sign3A_84, %sign3A_87 : i32
    %ne3A_89 = arith.cmpi ne, %sign3A_81, %sign3A_88 : i32
    %rem3A_90 = arith.remsi %min3A_72, %jit3A_73 : i32
    %ne3A_91 = arith.constant 0 : i32
    %ne3A_92 = arith.cmpi ne, %rem3A_90, %ne3A_91 : i32
    %and3A_93 = arith.andi %ne3A_89, %ne3A_92 : i1
    %sub3A_94 = arith.constant 1 : i32
    %sub3A_95 = arith.subi %div3A_74, %sub3A_94 : i32
    %select_n3A_96 = arith.select %and3A_93, %sub3A_95, %div3A_74 : i32
    %gt3A_97 = arith.constant 0 : i32
    %gt3A_98 = arith.cmpi sgt, %min3A_72, %gt3A_97 : i32
    %convert_element_type3A_99 = arith.extui %gt3A_98 : i1 to i32
    %cond3A_100 = arith.constant 0 : i32
    %cond3A_101 = arith.cmpi ne, %convert_element_type3A_99, %cond3A_100 : i32
    scf.if %cond3A_101 {
      %multiple_of3A_126 = arith.constant 5120 : i32
      %multiple_of3A_127 = tpu.assume_multiple %multiple_of3A_126, 128 : i32
      %dma_start3A = tpu.memref_slice %arg7[%multiple_of3A_127] : memref<10240xi32, #tpu.memory_space<vmem>> -> memref<128xi32, #tpu.memory_space<vmem>>
      %dma_start3A_128 = arith.constant 0 : i32
      %dma_start3A_129 = arith.constant 0 : i32
      %dma_start3A_130 = tpu.memref_slice %arg2[%dma_start3A_128, %dma_start3A_129] : memref<10000x128xf32, #tpu.memory_space<hbm>> -> memref<10000x128xf32, #tpu.memory_space<hbm>>
      tpu.enqueue_indirect_dma source(%dma_start3A_130 : memref<10000x128xf32, #tpu.memory_space<hbm>>) target(%arg9 : memref<128x128xf32, #tpu.memory_space<vmem>>) offsets(%dma_start3A : memref<128xi32, #tpu.memory_space<vmem>>) semaphore(%arg12 : memref<!tpu.dma_semaphore, #tpu.memory_space<semaphore_mem>>)
      %multiple_of3A_131 = arith.constant 5248 : i32
      %multiple_of3A_132 = tpu.assume_multiple %multiple_of3A_131, 128 : i32
      %dma_start3A_133 = tpu.memref_slice %arg7[%multiple_of3A_132] : memref<10240xi32, #tpu.memory_space<vmem>> -> memref<128xi32, #tpu.memory_space<vmem>>
      %dma_start3A_134 = arith.constant 0 : i32
      %dma_start3A_135 = arith.constant 0 : i32
      %dma_start3A_136 = tpu.memref_slice %arg2[%dma_start3A_134, %dma_start3A_135] : memref<10000x128xf32, #tpu.memory_space<hbm>> -> memref<10000x128xf32, #tpu.memory_space<hbm>>
      tpu.enqueue_indirect_dma source(%dma_start3A_136 : memref<10000x128xf32, #tpu.memory_space<hbm>>) target(%arg10 : memref<128x128xf32, #tpu.memory_space<vmem>>) offsets(%dma_start3A_133 : memref<128xi32, #tpu.memory_space<vmem>>) semaphore(%arg13 : memref<!tpu.dma_semaphore, #tpu.memory_space<semaphore_mem>>)
    } else {
    }
    %mul3A_102 = arith.constant 2 : i32
    %mul3A_103 = arith.muli %add3A, %mul3A_102 : i32
    %add3A_104 = arith.constant 1 : i32
    %add3A_105 = arith.addi %mul3A_103, %add3A_104 : i32
    "tpu.region"() ({
      %run_scoped3A = tpu.sem_alloc : memref<!tpu.dma_semaphore, #tpu.memory_space<semaphore_mem>>
      %dma_start3A = arith.constant 0 : i32
      %dma_start3A_126 = arith.constant 0 : i32
      %dma_start3A_127 = tpu.memref_slice %arg4[%add3A_105, %dma_start3A, %dma_start3A_126] : memref<64x40x128xi32, #tpu.memory_space<hbm>> -> memref<1x40x128xi32, #tpu.memory_space<hbm>>
      %dma_start3A_128 = tpu.memref_squeeze %dma_start3A_127 : memref<1x40x128xi32, #tpu.memory_space<hbm>> -> memref<40x128xi32, #tpu.memory_space<hbm>>
      %dma_start3A_129 = arith.constant 0 : i32
      %dma_start3A_130 = arith.constant 0 : i32
      %dma_start3A_131 = tpu.memref_slice %arg4[%add3A_105, %dma_start3A_129, %dma_start3A_130] : memref<64x40x128xi32, #tpu.memory_space<hbm>> -> memref<1x40x128xi32, #tpu.memory_space<hbm>>
      %dma_start3A_132 = tpu.memref_squeeze %dma_start3A_131 : memref<1x40x128xi32, #tpu.memory_space<hbm>> -> memref<40x128xi32, #tpu.memory_space<hbm>>
      tpu.enqueue_dma source(%dma_start3A_132 : memref<40x128xi32, #tpu.memory_space<hbm>>) target(%arg8 : memref<40x128xi32, #tpu.memory_space<vmem>>) target_semaphore(%run_scoped3A : memref<!tpu.dma_semaphore, #tpu.memory_space<semaphore_mem>>)
      %dma_wait3A = arith.constant 0 : i32
      %dma_wait3A_133 = arith.constant 0 : i32
      %dma_wait3A_134 = tpu.memref_slice %arg4[%add3A_105, %dma_wait3A, %dma_wait3A_133] : memref<64x40x128xi32, #tpu.memory_space<hbm>> -> memref<1x40x128xi32, #tpu.memory_space<hbm>>
      %dma_wait3A_135 = tpu.memref_squeeze %dma_wait3A_134 : memref<1x40x128xi32, #tpu.memory_space<hbm>> -> memref<40x128xi32, #tpu.memory_space<hbm>>
      %dma_wait3A_136 = arith.constant 0 : i32
      %dma_wait3A_137 = arith.constant 0 : i32
      %dma_wait3A_138 = tpu.memref_slice %arg4[%add3A_105, %dma_wait3A_136, %dma_wait3A_137] : memref<64x40x128xi32, #tpu.memory_space<hbm>> -> memref<1x40x128xi32, #tpu.memory_space<hbm>>
      %dma_wait3A_139 = tpu.memref_squeeze %dma_wait3A_138 : memref<1x40x128xi32, #tpu.memory_space<hbm>> -> memref<40x128xi32, #tpu.memory_space<hbm>>
      tpu.wait_dma2 semaphore(%run_scoped3A : memref<!tpu.dma_semaphore, #tpu.memory_space<semaphore_mem>>) src(%dma_wait3A_139 : memref<40x128xi32, #tpu.memory_space<hbm>>) dst(%arg8 : memref<40x128xi32, #tpu.memory_space<vmem>>)
      tpu.yield
    }) : () -> ()
    %while3A_106 = arith.constant 0 : i32
    %while3A_107 = arith.constant 0 : i32
    %while3A_108 = arith.subi %select_n3A_96, %while3A_107 : i32
    %while3A_109 = arith.addi %while3A_107, %while3A_108 : i32
    %while3A_110 = arith.constant 1 : i32
    %while3A_111 = arith.divsi %while3A_108, %while3A_110 : i32
    %while3A_112 = arith.muli %while3A_111, %while3A_110 : i32
    %while3A_113 = arith.addi %while3A_107, %while3A_112 : i32
    %while3A_114 = arith.constant 1 : i32
    scf.for %while3A_126 = %while3A_107 to %while3A_113 step %while3A_114  : i32 {
      %mul3A_127 = arith.constant 2 : i32
      %mul3A_128 = arith.muli %mul3A_127, %while3A_126 : i32
      %add3A_129 = arith.constant 1 : i32
      %add3A_130 = arith.addi %mul3A_128, %add3A_129 : i32
      %add3A_131 = arith.constant 40 : i32
      %add3A_132 = arith.addi %add3A_131, %mul3A_128 : i32
      %mul3A_133 = arith.constant 128 : i32
      %mul3A_134 = arith.muli %add3A_132, %mul3A_133 : i32
      %multiple_of3A_135 = tpu.assume_multiple %mul3A_134, 128 : i32
      %dma_wait3A = tpu.memref_slice %arg7[%multiple_of3A_135] : memref<10240xi32, #tpu.memory_space<vmem>> -> memref<128xi32, #tpu.memory_space<vmem>>
      %dma_wait3A_136 = arith.constant 0 : i32
      %dma_wait3A_137 = arith.constant 0 : i32
      %dma_wait3A_138 = tpu.memref_slice %arg2[%dma_wait3A_136, %dma_wait3A_137] : memref<10000x128xf32, #tpu.memory_space<hbm>> -> memref<10000x128xf32, #tpu.memory_space<hbm>>
      tpu.wait_indirect_dma semaphore(%arg12 : memref<!tpu.dma_semaphore, #tpu.memory_space<semaphore_mem>>) src(%dma_wait3A_138 : memref<10000x128xf32, #tpu.memory_space<hbm>>) dst(%arg9 : memref<128x128xf32, #tpu.memory_space<vmem>>)
      "tpu.region"() ({
        %run_scoped3A = tpu.sem_alloc : memref<!tpu.dma_semaphore, #tpu.memory_space<semaphore_mem>>
        %dma_start3A = arith.constant 0 : i32
        %dma_start3A_160 = tpu.memref_slice %arg8[%mul3A_128, %dma_start3A] : memref<40x128xi32, #tpu.memory_space<vmem>> -> memref<1x128xi32, #tpu.memory_space<vmem>>
        %dma_start3A_161 = tpu.memref_squeeze %dma_start3A_160 : memref<1x128xi32, #tpu.memory_space<vmem>> -> memref<128xi32, #tpu.memory_space<vmem>>
        %dma_start3A_162 = arith.constant 0 : i32
        %dma_start3A_163 = arith.constant 0 : i32
        %dma_start3A_164 = tpu.memref_slice %arg11[%dma_start3A_162, %dma_start3A_163] : memref<10000x128xf32, #tpu.memory_space<vmem_shared>> -> memref<10000x128xf32, #tpu.memory_space<vmem_shared>>
        tpu.enqueue_indirect_dma source(%arg9 : memref<128x128xf32, #tpu.memory_space<vmem>>) target(%dma_start3A_164 : memref<10000x128xf32, #tpu.memory_space<vmem_shared>>) offsets(%dma_start3A_161 : memref<128xi32, #tpu.memory_space<vmem>>) semaphore(%run_scoped3A : memref<!tpu.dma_semaphore, #tpu.memory_space<semaphore_mem>>) {add = true}
        %dma_wait3A_165 = arith.constant 0 : i32
        %dma_wait3A_166 = tpu.memref_slice %arg8[%mul3A_128, %dma_wait3A_165] : memref<40x128xi32, #tpu.memory_space<vmem>> -> memref<1x128xi32, #tpu.memory_space<vmem>>
        %dma_wait3A_167 = tpu.memref_squeeze %dma_wait3A_166 : memref<1x128xi32, #tpu.memory_space<vmem>> -> memref<128xi32, #tpu.memory_space<vmem>>
        %dma_wait3A_168 = arith.constant 0 : i32
        %dma_wait3A_169 = arith.constant 0 : i32
        %dma_wait3A_170 = tpu.memref_slice %arg11[%dma_wait3A_168, %dma_wait3A_169] : memref<10000x128xf32, #tpu.memory_space<vmem_shared>> -> memref<10000x128xf32, #tpu.memory_space<vmem_shared>>
        tpu.wait_indirect_dma semaphore(%run_scoped3A : memref<!tpu.dma_semaphore, #tpu.memory_space<semaphore_mem>>) src(%arg9 : memref<128x128xf32, #tpu.memory_space<vmem>>) dst(%dma_wait3A_170 : memref<10000x128xf32, #tpu.memory_space<vmem_shared>>)
        tpu.yield
      }) : () -> ()
      %add3A_139 = arith.constant 2 : i32
      %add3A_140 = arith.addi %mul3A_128, %add3A_139 : i32
      %lt3A_141 = arith.cmpi slt, %add3A_140, %min3A_72 : i32
      %convert_element_type3A_142 = arith.extui %lt3A_141 : i1 to i32
      %cond3A_143 = arith.constant 0 : i32
      %cond3A_144 = arith.cmpi ne, %convert_element_type3A_142, %cond3A_143 : i32
      scf.if %cond3A_144 {
        %add3A_160 = arith.constant 40 : i32
        %add3A_161 = arith.addi %add3A_160, %mul3A_128 : i32
        %add3A_162 = arith.constant 2 : i32
        %add3A_163 = arith.addi %add3A_161, %add3A_162 : i32
        %mul3A_164 = arith.constant 128 : i32
        %mul3A_165 = arith.muli %add3A_163, %mul3A_164 : i32
        %multiple_of3A_166 = tpu.assume_multiple %mul3A_165, 128 : i32
        %dma_start3A = tpu.memref_slice %arg7[%multiple_of3A_166] : memref<10240xi32, #tpu.memory_space<vmem>> -> memref<128xi32, #tpu.memory_space<vmem>>
        %dma_start3A_167 = arith.constant 0 : i32
        %dma_start3A_168 = arith.constant 0 : i32
        %dma_start3A_169 = tpu.memref_slice %arg2[%dma_start3A_167, %dma_start3A_168] : memref<10000x128xf32, #tpu.memory_space<hbm>> -> memref<10000x128xf32, #tpu.memory_space<hbm>>
        tpu.enqueue_indirect_dma source(%dma_start3A_169 : memref<10000x128xf32, #tpu.memory_space<hbm>>) target(%arg9 : memref<128x128xf32, #tpu.memory_space<vmem>>) offsets(%dma_start3A : memref<128xi32, #tpu.memory_space<vmem>>) semaphore(%arg12 : memref<!tpu.dma_semaphore, #tpu.memory_space<semaphore_mem>>)
      } else {
      }
      %add3A_145 = arith.constant 40 : i32
      %add3A_146 = arith.addi %add3A_145, %add3A_130 : i32
      %mul3A_147 = arith.constant 128 : i32
      %mul3A_148 = arith.muli %add3A_146, %mul3A_147 : i32
      %multiple_of3A_149 = tpu.assume_multiple %mul3A_148, 128 : i32
      %dma_wait3A_150 = tpu.memref_slice %arg7[%multiple_of3A_149] : memref<10240xi32, #tpu.memory_space<vmem>> -> memref<128xi32, #tpu.memory_space<vmem>>
      %dma_wait3A_151 = arith.constant 0 : i32
      %dma_wait3A_152 = arith.constant 0 : i32
      %dma_wait3A_153 = tpu.memref_slice %arg2[%dma_wait3A_151, %dma_wait3A_152] : memref<10000x128xf32, #tpu.memory_space<hbm>> -> memref<10000x128xf32, #tpu.memory_space<hbm>>
      tpu.wait_indirect_dma semaphore(%arg13 : memref<!tpu.dma_semaphore, #tpu.memory_space<semaphore_mem>>) src(%dma_wait3A_153 : memref<10000x128xf32, #tpu.memory_space<hbm>>) dst(%arg10 : memref<128x128xf32, #tpu.memory_space<vmem>>)
      "tpu.region"() ({
        %run_scoped3A = tpu.sem_alloc : memref<!tpu.dma_semaphore, #tpu.memory_space<semaphore_mem>>
        %dma_start3A = arith.constant 0 : i32
        %dma_start3A_160 = tpu.memref_slice %arg8[%add3A_130, %dma_start3A] : memref<40x128xi32, #tpu.memory_space<vmem>> -> memref<1x128xi32, #tpu.memory_space<vmem>>
        %dma_start3A_161 = tpu.memref_squeeze %dma_start3A_160 : memref<1x128xi32, #tpu.memory_space<vmem>> -> memref<128xi32, #tpu.memory_space<vmem>>
        %dma_start3A_162 = arith.constant 0 : i32
        %dma_start3A_163 = arith.constant 0 : i32
        %dma_start3A_164 = tpu.memref_slice %arg11[%dma_start3A_162, %dma_start3A_163] : memref<10000x128xf32, #tpu.memory_space<vmem_shared>> -> memref<10000x128xf32, #tpu.memory_space<vmem_shared>>
        tpu.enqueue_indirect_dma source(%arg10 : memref<128x128xf32, #tpu.memory_space<vmem>>) target(%dma_start3A_164 : memref<10000x128xf32, #tpu.memory_space<vmem_shared>>) offsets(%dma_start3A_161 : memref<128xi32, #tpu.memory_space<vmem>>) semaphore(%run_scoped3A : memref<!tpu.dma_semaphore, #tpu.memory_space<semaphore_mem>>) {add = true}
        %dma_wait3A_165 = arith.constant 0 : i32
        %dma_wait3A_166 = tpu.memref_slice %arg8[%add3A_130, %dma_wait3A_165] : memref<40x128xi32, #tpu.memory_space<vmem>> -> memref<1x128xi32, #tpu.memory_space<vmem>>
        %dma_wait3A_167 = tpu.memref_squeeze %dma_wait3A_166 : memref<1x128xi32, #tpu.memory_space<vmem>> -> memref<128xi32, #tpu.memory_space<vmem>>
        %dma_wait3A_168 = arith.constant 0 : i32
        %dma_wait3A_169 = arith.constant 0 : i32
        %dma_wait3A_170 = tpu.memref_slice %arg11[%dma_wait3A_168, %dma_wait3A_169] : memref<10000x128xf32, #tpu.memory_space<vmem_shared>> -> memref<10000x128xf32, #tpu.memory_space<vmem_shared>>
        tpu.wait_indirect_dma semaphore(%run_scoped3A : memref<!tpu.dma_semaphore, #tpu.memory_space<semaphore_mem>>) src(%arg10 : memref<128x128xf32, #tpu.memory_space<vmem>>) dst(%dma_wait3A_170 : memref<10000x128xf32, #tpu.memory_space<vmem_shared>>)
        tpu.yield
      }) : () -> ()
      %add3A_154 = arith.constant 2 : i32
      %add3A_155 = arith.addi %add3A_130, %add3A_154 : i32
      %lt3A_156 = arith.cmpi slt, %add3A_155, %min3A_72 : i32
      %convert_element_type3A_157 = arith.extui %lt3A_156 : i1 to i32
      %cond3A_158 = arith.constant 0 : i32
      %cond3A_159 = arith.cmpi ne, %convert_element_type3A_157, %cond3A_158 : i32
      scf.if %cond3A_159 {
        %add3A_160 = arith.constant 40 : i32
        %add3A_161 = arith.addi %add3A_160, %add3A_130 : i32
        %add3A_162 = arith.constant 2 : i32
        %add3A_163 = arith.addi %add3A_161, %add3A_162 : i32
        %mul3A_164 = arith.constant 128 : i32
        %mul3A_165 = arith.muli %add3A_163, %mul3A_164 : i32
        %multiple_of3A_166 = tpu.assume_multiple %mul3A_165, 128 : i32
        %dma_start3A = tpu.memref_slice %arg7[%multiple_of3A_166] : memref<10240xi32, #tpu.memory_space<vmem>> -> memref<128xi32, #tpu.memory_space<vmem>>
        %dma_start3A_167 = arith.constant 0 : i32
        %dma_start3A_168 = arith.constant 0 : i32
        %dma_start3A_169 = tpu.memref_slice %arg2[%dma_start3A_167, %dma_start3A_168] : memref<10000x128xf32, #tpu.memory_space<hbm>> -> memref<10000x128xf32, #tpu.memory_space<hbm>>
        tpu.enqueue_indirect_dma source(%dma_start3A_169 : memref<10000x128xf32, #tpu.memory_space<hbm>>) target(%arg10 : memref<128x128xf32, #tpu.memory_space<vmem>>) offsets(%dma_start3A : memref<128xi32, #tpu.memory_space<vmem>>) semaphore(%arg13 : memref<!tpu.dma_semaphore, #tpu.memory_space<semaphore_mem>>)
      } else {
      }
    }
    %while3A_115 = arith.constant 1 : i32
    scf.for %while3A_126 = %while3A_113 to %while3A_109 step %while3A_115  : i32 {
      %mul3A_127 = arith.constant 2 : i32
      %mul3A_128 = arith.muli %mul3A_127, %while3A_126 : i32
      %add3A_129 = arith.constant 1 : i32
      %add3A_130 = arith.addi %mul3A_128, %add3A_129 : i32
      %add3A_131 = arith.constant 40 : i32
      %add3A_132 = arith.addi %add3A_131, %mul3A_128 : i32
      %mul3A_133 = arith.constant 128 : i32
      %mul3A_134 = arith.muli %add3A_132, %mul3A_133 : i32
      %multiple_of3A_135 = tpu.assume_multiple %mul3A_134, 128 : i32
      %dma_wait3A = tpu.memref_slice %arg7[%multiple_of3A_135] : memref<10240xi32, #tpu.memory_space<vmem>> -> memref<128xi32, #tpu.memory_space<vmem>>
      %dma_wait3A_136 = arith.constant 0 : i32
      %dma_wait3A_137 = arith.constant 0 : i32
      %dma_wait3A_138 = tpu.memref_slice %arg2[%dma_wait3A_136, %dma_wait3A_137] : memref<10000x128xf32, #tpu.memory_space<hbm>> -> memref<10000x128xf32, #tpu.memory_space<hbm>>
      tpu.wait_indirect_dma semaphore(%arg12 : memref<!tpu.dma_semaphore, #tpu.memory_space<semaphore_mem>>) src(%dma_wait3A_138 : memref<10000x128xf32, #tpu.memory_space<hbm>>) dst(%arg9 : memref<128x128xf32, #tpu.memory_space<vmem>>)
      "tpu.region"() ({
        %run_scoped3A = tpu.sem_alloc : memref<!tpu.dma_semaphore, #tpu.memory_space<semaphore_mem>>
        %dma_start3A = arith.constant 0 : i32
        %dma_start3A_160 = tpu.memref_slice %arg8[%mul3A_128, %dma_start3A] : memref<40x128xi32, #tpu.memory_space<vmem>> -> memref<1x128xi32, #tpu.memory_space<vmem>>
        %dma_start3A_161 = tpu.memref_squeeze %dma_start3A_160 : memref<1x128xi32, #tpu.memory_space<vmem>> -> memref<128xi32, #tpu.memory_space<vmem>>
        %dma_start3A_162 = arith.constant 0 : i32
        %dma_start3A_163 = arith.constant 0 : i32
        %dma_start3A_164 = tpu.memref_slice %arg11[%dma_start3A_162, %dma_start3A_163] : memref<10000x128xf32, #tpu.memory_space<vmem_shared>> -> memref<10000x128xf32, #tpu.memory_space<vmem_shared>>
        tpu.enqueue_indirect_dma source(%arg9 : memref<128x128xf32, #tpu.memory_space<vmem>>) target(%dma_start3A_164 : memref<10000x128xf32, #tpu.memory_space<vmem_shared>>) offsets(%dma_start3A_161 : memref<128xi32, #tpu.memory_space<vmem>>) semaphore(%run_scoped3A : memref<!tpu.dma_semaphore, #tpu.memory_space<semaphore_mem>>) {add = true}
        %dma_wait3A_165 = arith.constant 0 : i32
        %dma_wait3A_166 = tpu.memref_slice %arg8[%mul3A_128, %dma_wait3A_165] : memref<40x128xi32, #tpu.memory_space<vmem>> -> memref<1x128xi32, #tpu.memory_space<vmem>>
        %dma_wait3A_167 = tpu.memref_squeeze %dma_wait3A_166 : memref<1x128xi32, #tpu.memory_space<vmem>> -> memref<128xi32, #tpu.memory_space<vmem>>
        %dma_wait3A_168 = arith.constant 0 : i32
        %dma_wait3A_169 = arith.constant 0 : i32
        %dma_wait3A_170 = tpu.memref_slice %arg11[%dma_wait3A_168, %dma_wait3A_169] : memref<10000x128xf32, #tpu.memory_space<vmem_shared>> -> memref<10000x128xf32, #tpu.memory_space<vmem_shared>>
        tpu.wait_indirect_dma semaphore(%run_scoped3A : memref<!tpu.dma_semaphore, #tpu.memory_space<semaphore_mem>>) src(%arg9 : memref<128x128xf32, #tpu.memory_space<vmem>>) dst(%dma_wait3A_170 : memref<10000x128xf32, #tpu.memory_space<vmem_shared>>)
        tpu.yield
      }) : () -> ()
      %add3A_139 = arith.constant 2 : i32
      %add3A_140 = arith.addi %mul3A_128, %add3A_139 : i32
      %lt3A_141 = arith.cmpi slt, %add3A_140, %min3A_72 : i32
      %convert_element_type3A_142 = arith.extui %lt3A_141 : i1 to i32
      %cond3A_143 = arith.constant 0 : i32
      %cond3A_144 = arith.cmpi ne, %convert_element_type3A_142, %cond3A_143 : i32
      scf.if %cond3A_144 {
        %add3A_160 = arith.constant 40 : i32
        %add3A_161 = arith.addi %add3A_160, %mul3A_128 : i32
        %add3A_162 = arith.constant 2 : i32
        %add3A_163 = arith.addi %add3A_161, %add3A_162 : i32
        %mul3A_164 = arith.constant 128 : i32
        %mul3A_165 = arith.muli %add3A_163, %mul3A_164 : i32
        %multiple_of3A_166 = tpu.assume_multiple %mul3A_165, 128 : i32
        %dma_start3A = tpu.memref_slice %arg7[%multiple_of3A_166] : memref<10240xi32, #tpu.memory_space<vmem>> -> memref<128xi32, #tpu.memory_space<vmem>>
        %dma_start3A_167 = arith.constant 0 : i32
        %dma_start3A_168 = arith.constant 0 : i32
        %dma_start3A_169 = tpu.memref_slice %arg2[%dma_start3A_167, %dma_start3A_168] : memref<10000x128xf32, #tpu.memory_space<hbm>> -> memref<10000x128xf32, #tpu.memory_space<hbm>>
        tpu.enqueue_indirect_dma source(%dma_start3A_169 : memref<10000x128xf32, #tpu.memory_space<hbm>>) target(%arg9 : memref<128x128xf32, #tpu.memory_space<vmem>>) offsets(%dma_start3A : memref<128xi32, #tpu.memory_space<vmem>>) semaphore(%arg12 : memref<!tpu.dma_semaphore, #tpu.memory_space<semaphore_mem>>)
      } else {
      }
      %add3A_145 = arith.constant 40 : i32
      %add3A_146 = arith.addi %add3A_145, %add3A_130 : i32
      %mul3A_147 = arith.constant 128 : i32
      %mul3A_148 = arith.muli %add3A_146, %mul3A_147 : i32
      %multiple_of3A_149 = tpu.assume_multiple %mul3A_148, 128 : i32
      %dma_wait3A_150 = tpu.memref_slice %arg7[%multiple_of3A_149] : memref<10240xi32, #tpu.memory_space<vmem>> -> memref<128xi32, #tpu.memory_space<vmem>>
      %dma_wait3A_151 = arith.constant 0 : i32
      %dma_wait3A_152 = arith.constant 0 : i32
      %dma_wait3A_153 = tpu.memref_slice %arg2[%dma_wait3A_151, %dma_wait3A_152] : memref<10000x128xf32, #tpu.memory_space<hbm>> -> memref<10000x128xf32, #tpu.memory_space<hbm>>
      tpu.wait_indirect_dma semaphore(%arg13 : memref<!tpu.dma_semaphore, #tpu.memory_space<semaphore_mem>>) src(%dma_wait3A_153 : memref<10000x128xf32, #tpu.memory_space<hbm>>) dst(%arg10 : memref<128x128xf32, #tpu.memory_space<vmem>>)
      "tpu.region"() ({
        %run_scoped3A = tpu.sem_alloc : memref<!tpu.dma_semaphore, #tpu.memory_space<semaphore_mem>>
        %dma_start3A = arith.constant 0 : i32
        %dma_start3A_160 = tpu.memref_slice %arg8[%add3A_130, %dma_start3A] : memref<40x128xi32, #tpu.memory_space<vmem>> -> memref<1x128xi32, #tpu.memory_space<vmem>>
        %dma_start3A_161 = tpu.memref_squeeze %dma_start3A_160 : memref<1x128xi32, #tpu.memory_space<vmem>> -> memref<128xi32, #tpu.memory_space<vmem>>
        %dma_start3A_162 = arith.constant 0 : i32
        %dma_start3A_163 = arith.constant 0 : i32
        %dma_start3A_164 = tpu.memref_slice %arg11[%dma_start3A_162, %dma_start3A_163] : memref<10000x128xf32, #tpu.memory_space<vmem_shared>> -> memref<10000x128xf32, #tpu.memory_space<vmem_shared>>
        tpu.enqueue_indirect_dma source(%arg10 : memref<128x128xf32, #tpu.memory_space<vmem>>) target(%dma_start3A_164 : memref<10000x128xf32, #tpu.memory_space<vmem_shared>>) offsets(%dma_start3A_161 : memref<128xi32, #tpu.memory_space<vmem>>) semaphore(%run_scoped3A : memref<!tpu.dma_semaphore, #tpu.memory_space<semaphore_mem>>) {add = true}
        %dma_wait3A_165 = arith.constant 0 : i32
        %dma_wait3A_166 = tpu.memref_slice %arg8[%add3A_130, %dma_wait3A_165] : memref<40x128xi32, #tpu.memory_space<vmem>> -> memref<1x128xi32, #tpu.memory_space<vmem>>
        %dma_wait3A_167 = tpu.memref_squeeze %dma_wait3A_166 : memref<1x128xi32, #tpu.memory_space<vmem>> -> memref<128xi32, #tpu.memory_space<vmem>>
        %dma_wait3A_168 = arith.constant 0 : i32
        %dma_wait3A_169 = arith.constant 0 : i32
        %dma_wait3A_170 = tpu.memref_slice %arg11[%dma_wait3A_168, %dma_wait3A_169] : memref<10000x128xf32, #tpu.memory_space<vmem_shared>> -> memref<10000x128xf32, #tpu.memory_space<vmem_shared>>
        tpu.wait_indirect_dma semaphore(%run_scoped3A : memref<!tpu.dma_semaphore, #tpu.memory_space<semaphore_mem>>) src(%arg10 : memref<128x128xf32, #tpu.memory_space<vmem>>) dst(%dma_wait3A_170 : memref<10000x128xf32, #tpu.memory_space<vmem_shared>>)
        tpu.yield
      }) : () -> ()
      %add3A_154 = arith.constant 2 : i32
      %add3A_155 = arith.addi %add3A_130, %add3A_154 : i32
      %lt3A_156 = arith.cmpi slt, %add3A_155, %min3A_72 : i32
      %convert_element_type3A_157 = arith.extui %lt3A_156 : i1 to i32
      %cond3A_158 = arith.constant 0 : i32
      %cond3A_159 = arith.cmpi ne, %convert_element_type3A_157, %cond3A_158 : i32
      scf.if %cond3A_159 {
        %add3A_160 = arith.constant 40 : i32
        %add3A_161 = arith.addi %add3A_160, %add3A_130 : i32
        %add3A_162 = arith.constant 2 : i32
        %add3A_163 = arith.addi %add3A_161, %add3A_162 : i32
        %mul3A_164 = arith.constant 128 : i32
        %mul3A_165 = arith.muli %add3A_163, %mul3A_164 : i32
        %multiple_of3A_166 = tpu.assume_multiple %mul3A_165, 128 : i32
        %dma_start3A = tpu.memref_slice %arg7[%multiple_of3A_166] : memref<10240xi32, #tpu.memory_space<vmem>> -> memref<128xi32, #tpu.memory_space<vmem>>
        %dma_start3A_167 = arith.constant 0 : i32
        %dma_start3A_168 = arith.constant 0 : i32
        %dma_start3A_169 = tpu.memref_slice %arg2[%dma_start3A_167, %dma_start3A_168] : memref<10000x128xf32, #tpu.memory_space<hbm>> -> memref<10000x128xf32, #tpu.memory_space<hbm>>
        tpu.enqueue_indirect_dma source(%dma_start3A_169 : memref<10000x128xf32, #tpu.memory_space<hbm>>) target(%arg10 : memref<128x128xf32, #tpu.memory_space<vmem>>) offsets(%dma_start3A : memref<128xi32, #tpu.memory_space<vmem>>) semaphore(%arg13 : memref<!tpu.dma_semaphore, #tpu.memory_space<semaphore_mem>>)
      } else {
      }
    }
    %barrier3A_116 = arith.constant 0 : index
    tpu.barrier barrier_id(%barrier3A_116)
    %lt3A = arith.constant 15 : i32
    %lt3A_117 = arith.cmpi slt, %arg1, %lt3A : i32
    %convert_element_type3A_118 = arith.extui %lt3A_117 : i1 to i32
    %cond3A_119 = arith.constant 0 : i32
    %cond3A_120 = arith.cmpi ne, %convert_element_type3A_118, %cond3A_119 : i32
    scf.if %cond3A_120 {
      "tpu.region"() ({
        %run_scoped3A = tpu.sem_alloc : memref<!tpu.dma_semaphore, #tpu.memory_space<semaphore_mem>>
        %dma_start3A = arith.constant 0 : i32
        %dma_start3A_126 = tpu.memref_slice %arg6[%arg0, %mul3A_2, %dma_start3A] : memref<2x10000x128xf32, #tpu.memory_space<hbm>> -> memref<1x624x128xf32, #tpu.memory_space<hbm>>
        %dma_start3A_127 = tpu.memref_squeeze %dma_start3A_126 : memref<1x624x128xf32, #tpu.memory_space<hbm>> -> memref<624x128xf32, #tpu.memory_space<hbm>>
        %dma_start3A_128 = arith.constant 0 : i32
        %dma_start3A_129 = tpu.memref_slice %arg11[%mul3A_2, %dma_start3A_128] : memref<10000x128xf32, #tpu.memory_space<vmem_shared>> -> memref<624x128xf32, #tpu.memory_space<vmem_shared>>
        tpu.enqueue_dma source(%dma_start3A_129 : memref<624x128xf32, #tpu.memory_space<vmem_shared>>) target(%dma_start3A_127 : memref<624x128xf32, #tpu.memory_space<hbm>>) target_semaphore(%run_scoped3A : memref<!tpu.dma_semaphore, #tpu.memory_space<semaphore_mem>>)
        %dma_wait3A = arith.constant 0 : i32
        %dma_wait3A_130 = tpu.memref_slice %arg6[%arg0, %mul3A_2, %dma_wait3A] : memref<2x10000x128xf32, #tpu.memory_space<hbm>> -> memref<1x624x128xf32, #tpu.memory_space<hbm>>
        %dma_wait3A_131 = tpu.memref_squeeze %dma_wait3A_130 : memref<1x624x128xf32, #tpu.memory_space<hbm>> -> memref<624x128xf32, #tpu.memory_space<hbm>>
        %dma_wait3A_132 = arith.constant 0 : i32
        %dma_wait3A_133 = tpu.memref_slice %arg11[%mul3A_2, %dma_wait3A_132] : memref<10000x128xf32, #tpu.memory_space<vmem_shared>> -> memref<624x128xf32, #tpu.memory_space<vmem_shared>>
        tpu.wait_dma2 semaphore(%run_scoped3A : memref<!tpu.dma_semaphore, #tpu.memory_space<semaphore_mem>>) src(%dma_wait3A_133 : memref<624x128xf32, #tpu.memory_space<vmem_shared>>) dst(%dma_wait3A_131 : memref<624x128xf32, #tpu.memory_space<hbm>>)
        tpu.yield
      }) : () -> ()
    } else {
    }
    %eq3A_121 = arith.constant 15 : i32
    %eq3A_122 = arith.cmpi eq, %arg1, %eq3A_121 : i32
    %convert_element_type3A_123 = arith.extui %eq3A_122 : i1 to i32
    %cond3A_124 = arith.constant 0 : i32
    %cond3A_125 = arith.cmpi ne, %convert_element_type3A_123, %cond3A_124 : i32
    scf.if %cond3A_125 {
      "tpu.region"() ({
        %run_scoped3A = tpu.sem_alloc : memref<!tpu.dma_semaphore, #tpu.memory_space<semaphore_mem>>
        %dma_start3A = arith.constant 9360 : i32
        %dma_start3A_126 = arith.constant 0 : i32
        %dma_start3A_127 = tpu.memref_slice %arg6[%arg0, %dma_start3A, %dma_start3A_126] : memref<2x10000x128xf32, #tpu.memory_space<hbm>> -> memref<1x640x128xf32, #tpu.memory_space<hbm>>
        %dma_start3A_128 = tpu.memref_squeeze %dma_start3A_127 : memref<1x640x128xf32, #tpu.memory_space<hbm>> -> memref<640x128xf32, #tpu.memory_space<hbm>>
        %dma_start3A_129 = arith.constant 9360 : i32
        %dma_start3A_130 = arith.constant 0 : i32
        %dma_start3A_131 = tpu.memref_slice %arg11[%dma_start3A_129, %dma_start3A_130] : memref<10000x128xf32, #tpu.memory_space<vmem_shared>> -> memref<640x128xf32, #tpu.memory_space<vmem_shared>>
        tpu.enqueue_dma source(%dma_start3A_131 : memref<640x128xf32, #tpu.memory_space<vmem_shared>>) target(%dma_start3A_128 : memref<640x128xf32, #tpu.memory_space<hbm>>) target_semaphore(%run_scoped3A : memref<!tpu.dma_semaphore, #tpu.memory_space<semaphore_mem>>)
        %dma_wait3A = arith.constant 9360 : i32
        %dma_wait3A_132 = arith.constant 0 : i32
        %dma_wait3A_133 = tpu.memref_slice %arg6[%arg0, %dma_wait3A, %dma_wait3A_132] : memref<2x10000x128xf32, #tpu.memory_space<hbm>> -> memref<1x640x128xf32, #tpu.memory_space<hbm>>
        %dma_wait3A_134 = tpu.memref_squeeze %dma_wait3A_133 : memref<1x640x128xf32, #tpu.memory_space<hbm>> -> memref<640x128xf32, #tpu.memory_space<hbm>>
        %dma_wait3A_135 = arith.constant 9360 : i32
        %dma_wait3A_136 = arith.constant 0 : i32
        %dma_wait3A_137 = tpu.memref_slice %arg11[%dma_wait3A_135, %dma_wait3A_136] : memref<10000x128xf32, #tpu.memory_space<vmem_shared>> -> memref<640x128xf32, #tpu.memory_space<vmem_shared>>
        tpu.wait_dma2 semaphore(%run_scoped3A : memref<!tpu.dma_semaphore, #tpu.memory_space<semaphore_mem>>) src(%dma_wait3A_137 : memref<640x128xf32, #tpu.memory_space<vmem_shared>>) dst(%dma_wait3A_134 : memref<640x128xf32, #tpu.memory_space<hbm>>)
        tpu.yield
      }) : () -> ()
    } else {
    }
    return
  }
}

module attributes {stable_mosaic.version = 14 : i64} {
  func.func @_mlp_body(%arg0: i32, %arg1: memref<2x2000x128xf32, #tpu.memory_space<vmem>>, %arg2: memref<128x128xf32, #tpu.memory_space<vmem>>, %arg3: memref<1x128xf32, #tpu.memory_space<vmem>>, %arg4: memref<128x128xf32, #tpu.memory_space<vmem>>, %arg5: memref<1x128xf32, #tpu.memory_space<vmem>>, %arg6: memref<2000x128xf32, #tpu.memory_space<vmem>>) attributes {dimension_semantics = [#tpu.dimension_semantics<arbitrary>], iteration_bounds = array<i64: 5>, scalar_prefetch = 0 : i64, scratch_operands = 0 : i64, tpu.core_type = #tpu.core_type<tc>, window_params = [{transform_indices = @transform_0, window_bounds = array<i64: 2, 2000, 128>}, {pipeline_mode = #tpu.pipeline_mode<synchronous>, transform_indices = @transform_1, window_bounds = array<i64: 128, 128>}, {pipeline_mode = #tpu.pipeline_mode<synchronous>, transform_indices = @transform_2, window_bounds = array<i64: 1, 128>}, {pipeline_mode = #tpu.pipeline_mode<synchronous>, transform_indices = @transform_3, window_bounds = array<i64: 128, 128>}, {pipeline_mode = #tpu.pipeline_mode<synchronous>, transform_indices = @transform_4, window_bounds = array<i64: 1, 128>}, {transform_indices = @transform_5, window_bounds = array<i64: 2000, 128>}]} {
    %get3A = arith.constant 0 : index
    %get3A_0 = arith.constant 0 : index
    %get3A_1 = arith.constant 0 : index
    %get3A_2 = vector.load %arg1[%get3A, %get3A_0, %get3A_1] : memref<2x2000x128xf32, #tpu.memory_space<vmem>>, vector<1x2000x128xf32>
    %get3A_3 = vector.shape_cast %get3A_2 : vector<1x2000x128xf32> to vector<2000x128xf32>
    %get3A_4 = arith.constant 1 : index
    %get3A_5 = arith.constant 0 : index
    %get3A_6 = arith.constant 0 : index
    %get3A_7 = vector.load %arg1[%get3A_4, %get3A_5, %get3A_6] : memref<2x2000x128xf32, #tpu.memory_space<vmem>>, vector<1x2000x128xf32>
    %get3A_8 = vector.shape_cast %get3A_7 : vector<1x2000x128xf32> to vector<2000x128xf32>
    %add3A = arith.addf %get3A_3, %get3A_8 : vector<2000x128xf32>
    %get3A_9 = arith.constant 0 : index
    %get3A_10 = arith.constant 0 : index
    %get3A_11 = vector.load %arg2[%get3A_9, %get3A_10] : memref<128x128xf32, #tpu.memory_space<vmem>>, vector<128x128xf32>
    %dot_general3A = arith.constant dense<0.000000e+00> : vector<2000x128xf32>
    %dot_general3A_12 = tpu.matmul %add3A, %get3A_11, %dot_general3A {dimension_numbers = #tpu.dot_dimension_numbers<[1], [0], [0], [1], [0, 0, 1, 1], [], []>, transpose_lhs_hint = false} : vector<2000x128xf32>, vector<128x128xf32>, vector<2000x128xf32> -> vector<2000x128xf32>
    %get3A_13 = arith.constant 0 : index
    %get3A_14 = arith.constant 0 : index
    %get3A_15 = vector.load %arg3[%get3A_13, %get3A_14] : memref<1x128xf32, #tpu.memory_space<vmem>>, vector<1x128xf32>
    %add3A_16 = vector.broadcast %get3A_15 : vector<1x128xf32> to vector<2000x128xf32>
    %add3A_17 = arith.addf %dot_general3A_12, %add3A_16 : vector<2000x128xf32>
    %max3A = arith.constant 0.000000e+00 : f32
    %max3A_18 = vector.broadcast %max3A : f32 to vector<2000x128xf32>
    %max3A_19 = arith.maximumf %add3A_17, %max3A_18 : vector<2000x128xf32>
    %get3A_20 = arith.constant 0 : index
    %get3A_21 = arith.constant 0 : index
    %get3A_22 = vector.load %arg4[%get3A_20, %get3A_21] : memref<128x128xf32, #tpu.memory_space<vmem>>, vector<128x128xf32>
    %dot_general3A_23 = arith.constant dense<0.000000e+00> : vector<2000x128xf32>
    %dot_general3A_24 = tpu.matmul %max3A_19, %get3A_22, %dot_general3A_23 {dimension_numbers = #tpu.dot_dimension_numbers<[1], [0], [0], [1], [0, 0, 1, 1], [], []>, transpose_lhs_hint = false} : vector<2000x128xf32>, vector<128x128xf32>, vector<2000x128xf32> -> vector<2000x128xf32>
    %get3A_25 = arith.constant 0 : index
    %get3A_26 = arith.constant 0 : index
    %get3A_27 = vector.load %arg5[%get3A_25, %get3A_26] : memref<1x128xf32, #tpu.memory_space<vmem>>, vector<1x128xf32>
    %add3A_28 = vector.broadcast %get3A_27 : vector<1x128xf32> to vector<2000x128xf32>
    %add3A_29 = arith.addf %dot_general3A_24, %add3A_28 : vector<2000x128xf32>
    %max3A_30 = arith.constant 0.000000e+00 : f32
    %max3A_31 = vector.broadcast %max3A_30 : f32 to vector<2000x128xf32>
    %max3A_32 = arith.maximumf %add3A_29, %max3A_31 : vector<2000x128xf32>
    %swap3A = arith.constant 0 : index
    %swap3A_33 = arith.constant 0 : index
    %swap3A_34 = vector.load %arg6[%swap3A, %swap3A_33] : memref<2000x128xf32, #tpu.memory_space<vmem>>, vector<2000x128xf32>
    tpu.vector_store %arg6[%swap3A, %swap3A_33], %max3A_32 {strides = array<i32>} : memref<2000x128xf32, #tpu.memory_space<vmem>>, vector<2000x128xf32>,
    return
  }
  func.func @transform_0(%arg0: i32) -> (i32, i32, i32) {
    %c0_i32 = arith.constant 0 : i32
    %c0_i32_0 = arith.constant 0 : i32
    %c0_i32_1 = arith.constant 0 : i32
    return %c0_i32, %arg0, %c0_i32_0 : i32, i32, i32
  }
  func.func @transform_1(%arg0: i32) -> (i32, i32) {
    %c0_i32 = arith.constant 0 : i32
    %c0_i32_0 = arith.constant 0 : i32
    %c0_i32_1 = arith.constant 0 : i32
    return %c0_i32, %c0_i32_0 : i32, i32
  }
  func.func @transform_2(%arg0: i32) -> (i32, i32) {
    %c0_i32 = arith.constant 0 : i32
    %c0_i32_0 = arith.constant 0 : i32
    %c0_i32_1 = arith.constant 0 : i32
    return %c0_i32, %c0_i32_0 : i32, i32
  }
  func.func @transform_3(%arg0: i32) -> (i32, i32) {
    %c0_i32 = arith.constant 0 : i32
    %c0_i32_0 = arith.constant 0 : i32
    %c0_i32_1 = arith.constant 0 : i32
    return %c0_i32, %c0_i32_0 : i32, i32
  }
  func.func @transform_4(%arg0: i32) -> (i32, i32) {
    %c0_i32 = arith.constant 0 : i32
    %c0_i32_0 = arith.constant 0 : i32
    %c0_i32_1 = arith.constant 0 : i32
    return %c0_i32, %c0_i32_0 : i32, i32
  }
  func.func @transform_5(%arg0: i32) -> (i32, i32) {
    %c0_i32 = arith.constant 0 : i32
    %c0_i32_0 = arith.constant 0 : i32
    return %arg0, %c0_i32 : i32, i32
  }
}

module attributes {stable_mosaic.version = 14 : i64} {
  func.func @_final_body(%arg0: i32, %arg1: memref<2x2000x128xf32, #tpu.memory_space<vmem>>, %arg2: memref<1x1x2000xi32, #tpu.memory_space<vmem>>, %arg3: memref<128x128xf32, #tpu.memory_space<vmem>>, %arg4: memref<1x128xf32, #tpu.memory_space<vmem>>, %arg5: memref<128x128xf32, #tpu.memory_space<vmem>>, %arg6: memref<1x128xf32, #tpu.memory_space<vmem>>, %arg7: memref<128x128xf32, #tpu.memory_space<vmem>>, %arg8: memref<1x128xf32, #tpu.memory_space<vmem>>, %arg9: memref<128x128xf32, #tpu.memory_space<vmem>>, %arg10: memref<1x128xf32, #tpu.memory_space<vmem>>, %arg11: memref<64x128xf32, #tpu.memory_space<vmem>>, %arg12: memref<64x128xf32, #tpu.memory_space<vmem>>) attributes {dimension_semantics = [#tpu.dimension_semantics<arbitrary>], iteration_bounds = array<i64: 5>, scalar_prefetch = 0 : i64, scratch_operands = 1 : i64, tpu.core_type = #tpu.core_type<tc>, window_params = [{transform_indices = @transform_0, window_bounds = array<i64: 2, 2000, 128>}, {transform_indices = @transform_1, window_bounds = array<i64: 1, 1, 2000>}, {pipeline_mode = #tpu.pipeline_mode<synchronous>, transform_indices = @transform_2, window_bounds = array<i64: 128, 128>}, {pipeline_mode = #tpu.pipeline_mode<synchronous>, transform_indices = @transform_3, window_bounds = array<i64: 1, 128>}, {pipeline_mode = #tpu.pipeline_mode<synchronous>, transform_indices = @transform_4, window_bounds = array<i64: 128, 128>}, {pipeline_mode = #tpu.pipeline_mode<synchronous>, transform_indices = @transform_5, window_bounds = array<i64: 1, 128>}, {pipeline_mode = #tpu.pipeline_mode<synchronous>, transform_indices = @transform_6, window_bounds = array<i64: 128, 128>}, {pipeline_mode = #tpu.pipeline_mode<synchronous>, transform_indices = @transform_7, window_bounds = array<i64: 1, 128>}, {pipeline_mode = #tpu.pipeline_mode<synchronous>, transform_indices = @transform_8, window_bounds = array<i64: 128, 128>}, {pipeline_mode = #tpu.pipeline_mode<synchronous>, transform_indices = @transform_9, window_bounds = array<i64: 1, 128>}, {pipeline_mode = #tpu.pipeline_mode<synchronous>, transform_indices = @transform_10, window_bounds = array<i64: 64, 128>}]} {
    %eq3A = arith.constant 0 : i32
    %eq3A_0 = arith.cmpi eq, %arg0, %eq3A : i32
    %convert_element_type3A = arith.extui %eq3A_0 : i1 to i32
    %cond3A = arith.constant 0 : i32
    %cond3A_1 = arith.cmpi ne, %convert_element_type3A, %cond3A : i32
    scf.if %cond3A_1 {
      %broadcast_in_dim3A_57 = arith.constant 0.000000e+00 : f32
      %broadcast_in_dim3A_58 = vector.broadcast %broadcast_in_dim3A_57 : f32 to vector<64x128xf32>
      %swap3A_59 = arith.constant 0 : index
      %swap3A_60 = arith.constant 0 : index
      %swap3A_61 = vector.load %arg12[%swap3A_59, %swap3A_60] : memref<64x128xf32, #tpu.memory_space<vmem>>, vector<64x128xf32>
      tpu.vector_store %arg12[%swap3A_59, %swap3A_60], %broadcast_in_dim3A_58 {strides = array<i32>} : memref<64x128xf32, #tpu.memory_space<vmem>>, vector<64x128xf32>,
    } else {
    }
    %get3A = arith.constant 0 : index
    %get3A_2 = arith.constant 0 : index
    %get3A_3 = arith.constant 0 : index
    %get3A_4 = vector.load %arg1[%get3A, %get3A_2, %get3A_3] : memref<2x2000x128xf32, #tpu.memory_space<vmem>>, vector<1x2000x128xf32>
    %get3A_5 = vector.shape_cast %get3A_4 : vector<1x2000x128xf32> to vector<2000x128xf32>
    %get3A_6 = arith.constant 1 : index
    %get3A_7 = arith.constant 0 : index
    %get3A_8 = arith.constant 0 : index
    %get3A_9 = vector.load %arg1[%get3A_6, %get3A_7, %get3A_8] : memref<2x2000x128xf32, #tpu.memory_space<vmem>>, vector<1x2000x128xf32>
    %get3A_10 = vector.shape_cast %get3A_9 : vector<1x2000x128xf32> to vector<2000x128xf32>
    %add3A = arith.addf %get3A_5, %get3A_10 : vector<2000x128xf32>
    %get3A_11 = arith.constant 0 : index
    %get3A_12 = arith.constant 0 : index
    %get3A_13 = vector.load %arg3[%get3A_11, %get3A_12] : memref<128x128xf32, #tpu.memory_space<vmem>>, vector<128x128xf32>
    %dot_general3A = arith.constant dense<0.000000e+00> : vector<2000x128xf32>
    %dot_general3A_14 = tpu.matmul %add3A, %get3A_13, %dot_general3A {dimension_numbers = #tpu.dot_dimension_numbers<[1], [0], [0], [1], [0, 0, 1, 1], [], []>, transpose_lhs_hint = false} : vector<2000x128xf32>, vector<128x128xf32>, vector<2000x128xf32> -> vector<2000x128xf32>
    %get3A_15 = arith.constant 0 : index
    %get3A_16 = arith.constant 0 : index
    %get3A_17 = vector.load %arg4[%get3A_15, %get3A_16] : memref<1x128xf32, #tpu.memory_space<vmem>>, vector<1x128xf32>
    %add3A_18 = vector.broadcast %get3A_17 : vector<1x128xf32> to vector<2000x128xf32>
    %add3A_19 = arith.addf %dot_general3A_14, %add3A_18 : vector<2000x128xf32>
    %max3A = arith.constant 0.000000e+00 : f32
    %max3A_20 = vector.broadcast %max3A : f32 to vector<2000x128xf32>
    %max3A_21 = arith.maximumf %add3A_19, %max3A_20 : vector<2000x128xf32>
    %get3A_22 = arith.constant 0 : index
    %get3A_23 = arith.constant 0 : index
    %get3A_24 = vector.load %arg5[%get3A_22, %get3A_23] : memref<128x128xf32, #tpu.memory_space<vmem>>, vector<128x128xf32>
    %dot_general3A_25 = arith.constant dense<0.000000e+00> : vector<2000x128xf32>
    %dot_general3A_26 = tpu.matmul %max3A_21, %get3A_24, %dot_general3A_25 {dimension_numbers = #tpu.dot_dimension_numbers<[1], [0], [0], [1], [0, 0, 1, 1], [], []>, transpose_lhs_hint = false} : vector<2000x128xf32>, vector<128x128xf32>, vector<2000x128xf32> -> vector<2000x128xf32>
    %get3A_27 = arith.constant 0 : index
    %get3A_28 = arith.constant 0 : index
    %get3A_29 = vector.load %arg6[%get3A_27, %get3A_28] : memref<1x128xf32, #tpu.memory_space<vmem>>, vector<1x128xf32>
    %add3A_30 = vector.broadcast %get3A_29 : vector<1x128xf32> to vector<2000x128xf32>
    %add3A_31 = arith.addf %dot_general3A_26, %add3A_30 : vector<2000x128xf32>
    %max3A_32 = arith.constant 0.000000e+00 : f32
    %max3A_33 = vector.broadcast %max3A_32 : f32 to vector<2000x128xf32>
    %max3A_34 = arith.maximumf %add3A_31, %max3A_33 : vector<2000x128xf32>
    %get3A_35 = arith.constant 0 : index
    %get3A_36 = arith.constant 0 : index
    %get3A_37 = arith.constant 0 : index
    %get3A_38 = vector.load %arg2[%get3A_35, %get3A_36, %get3A_37] : memref<1x1x2000xi32, #tpu.memory_space<vmem>>, vector<1x1x2000xi32>
    %get3A_39 = vector.shape_cast %get3A_38 : vector<1x1x2000xi32> to vector<2000xi32>
    %iota3A = tpu.iota {dimensions = array<i32: 0>} : vector<64x2000xi32>
    %broadcast_in_dim3A = vector.shape_cast %get3A_39 : vector<2000xi32> to vector<1x2000xi32>
    %eq3A_40 = vector.broadcast %broadcast_in_dim3A : vector<1x2000xi32> to vector<64x2000xi32>
    %eq3A_41 = arith.cmpi eq, %eq3A_40, %iota3A : vector<64x2000xi32>
    %convert_element_type3A_42 = arith.extui %eq3A_41 : vector<64x2000xi1> to vector<64x2000xi32>
    %convert_element_type3A_43 = arith.sitofp %convert_element_type3A_42 : vector<64x2000xi32> to vector<64x2000xf32>
    %get3A_44 = arith.constant 0 : index
    %get3A_45 = arith.constant 0 : index
    %get3A_46 = vector.load %arg12[%get3A_44, %get3A_45] : memref<64x128xf32, #tpu.memory_space<vmem>>, vector<64x128xf32>
    %dot_general3A_47 = arith.constant dense<0.000000e+00> : vector<64x128xf32>
    %dot_general3A_48 = tpu.matmul %convert_element_type3A_43, %max3A_34, %dot_general3A_47 {dimension_numbers = #tpu.dot_dimension_numbers<[1], [0], [0], [1], [0, 0, 1, 1], [], []>, transpose_lhs_hint = false} : vector<64x2000xf32>, vector<2000x128xf32>, vector<64x128xf32> -> vector<64x128xf32>
    %add3A_49 = arith.addf %get3A_46, %dot_general3A_48 : vector<64x128xf32>
    %swap3A = arith.constant 0 : index
    %swap3A_50 = arith.constant 0 : index
    %swap3A_51 = vector.load %arg12[%swap3A, %swap3A_50] : memref<64x128xf32, #tpu.memory_space<vmem>>, vector<64x128xf32>
    tpu.vector_store %arg12[%swap3A, %swap3A_50], %add3A_49 {strides = array<i32>} : memref<64x128xf32, #tpu.memory_space<vmem>>, vector<64x128xf32>,
    %eq3A_52 = arith.constant 4 : i32
    %eq3A_53 = arith.cmpi eq, %arg0, %eq3A_52 : i32
    %convert_element_type3A_54 = arith.extui %eq3A_53 : i1 to i32
    %cond3A_55 = arith.constant 0 : i32
    %cond3A_56 = arith.cmpi ne, %convert_element_type3A_54, %cond3A_55 : i32
    scf.if %cond3A_56 {
      %get3A_57 = arith.constant 0 : index
      %get3A_58 = arith.constant 0 : index
      %get3A_59 = vector.load %arg12[%get3A_57, %get3A_58] : memref<64x128xf32, #tpu.memory_space<vmem>>, vector<64x128xf32>
      %get3A_60 = arith.constant 0 : index
      %get3A_61 = arith.constant 0 : index
      %get3A_62 = vector.load %arg7[%get3A_60, %get3A_61] : memref<128x128xf32, #tpu.memory_space<vmem>>, vector<128x128xf32>
      %dot_general3A_63 = arith.constant dense<0.000000e+00> : vector<64x128xf32>
      %dot_general3A_64 = tpu.matmul %get3A_59, %get3A_62, %dot_general3A_63 {dimension_numbers = #tpu.dot_dimension_numbers<[1], [0], [0], [1], [0, 0, 1, 1], [], []>, transpose_lhs_hint = false} : vector<64x128xf32>, vector<128x128xf32>, vector<64x128xf32> -> vector<64x128xf32>
      %get3A_65 = arith.constant 0 : index
      %get3A_66 = arith.constant 0 : index
      %get3A_67 = vector.load %arg8[%get3A_65, %get3A_66] : memref<1x128xf32, #tpu.memory_space<vmem>>, vector<1x128xf32>
      %add3A_68 = vector.broadcast %get3A_67 : vector<1x128xf32> to vector<64x128xf32>
      %add3A_69 = arith.addf %dot_general3A_64, %add3A_68 : vector<64x128xf32>
      %max3A_70 = arith.constant 0.000000e+00 : f32
      %max3A_71 = vector.broadcast %max3A_70 : f32 to vector<64x128xf32>
      %max3A_72 = arith.maximumf %add3A_69, %max3A_71 : vector<64x128xf32>
      %get3A_73 = arith.constant 0 : index
      %get3A_74 = arith.constant 0 : index
      %get3A_75 = vector.load %arg9[%get3A_73, %get3A_74] : memref<128x128xf32, #tpu.memory_space<vmem>>, vector<128x128xf32>
      %dot_general3A_76 = arith.constant dense<0.000000e+00> : vector<64x128xf32>
      %dot_general3A_77 = tpu.matmul %max3A_72, %get3A_75, %dot_general3A_76 {dimension_numbers = #tpu.dot_dimension_numbers<[1], [0], [0], [1], [0, 0, 1, 1], [], []>, transpose_lhs_hint = false} : vector<64x128xf32>, vector<128x128xf32>, vector<64x128xf32> -> vector<64x128xf32>
      %get3A_78 = arith.constant 0 : index
      %get3A_79 = arith.constant 0 : index
      %get3A_80 = vector.load %arg10[%get3A_78, %get3A_79] : memref<1x128xf32, #tpu.memory_space<vmem>>, vector<1x128xf32>
      %add3A_81 = vector.broadcast %get3A_80 : vector<1x128xf32> to vector<64x128xf32>
      %add3A_82 = arith.addf %dot_general3A_77, %add3A_81 : vector<64x128xf32>
      %swap3A_83 = arith.constant 0 : index
      %swap3A_84 = arith.constant 0 : index
      %swap3A_85 = vector.load %arg11[%swap3A_83, %swap3A_84] : memref<64x128xf32, #tpu.memory_space<vmem>>, vector<64x128xf32>
      tpu.vector_store %arg11[%swap3A_83, %swap3A_84], %add3A_82 {strides = array<i32>} : memref<64x128xf32, #tpu.memory_space<vmem>>, vector<64x128xf32>,
    } else {
    }
    return
  }
  func.func @transform_0(%arg0: i32) -> (i32, i32, i32) {
    %c0_i32 = arith.constant 0 : i32
    %c0_i32_0 = arith.constant 0 : i32
    %c0_i32_1 = arith.constant 0 : i32
    return %c0_i32, %arg0, %c0_i32_0 : i32, i32, i32
  }
  func.func @transform_1(%arg0: i32) -> (i32, i32, i32) {
    %c0_i32 = arith.constant 0 : i32
    %c0_i32_0 = arith.constant 0 : i32
    %c0_i32_1 = arith.constant 0 : i32
    return %arg0, %c0_i32, %c0_i32_0 : i32, i32, i32
  }
  func.func @transform_2(%arg0: i32) -> (i32, i32) {
    %c0_i32 = arith.constant 0 : i32
    %c0_i32_0 = arith.constant 0 : i32
    %c0_i32_1 = arith.constant 0 : i32
    return %c0_i32, %c0_i32_0 : i32, i32
  }
  func.func @transform_3(%arg0: i32) -> (i32, i32) {
    %c0_i32 = arith.constant 0 : i32
    %c0_i32_0 = arith.constant 0 : i32
    %c0_i32_1 = arith.constant 0 : i32
    return %c0_i32, %c0_i32_0 : i32, i32
  }
  func.func @transform_4(%arg0: i32) -> (i32, i32) {
    %c0_i32 = arith.constant 0 : i32
    %c0_i32_0 = arith.constant 0 : i32
    %c0_i32_1 = arith.constant 0 : i32
    return %c0_i32, %c0_i32_0 : i32, i32
  }
  func.func @transform_5(%arg0: i32) -> (i32, i32) {
    %c0_i32 = arith.constant 0 : i32
    %c0_i32_0 = arith.constant 0 : i32
    %c0_i32_1 = arith.constant 0 : i32
    return %c0_i32, %c0_i32_0 : i32, i32
  }
  func.func @transform_6(%arg0: i32) -> (i32, i32) {
    %c0_i32 = arith.constant 0 : i32
    %c0_i32_0 = arith.constant 0 : i32
    %c0_i32_1 = arith.constant 0 : i32
    return %c0_i32, %c0_i32_0 : i32, i32
  }
  func.func @transform_7(%arg0: i32) -> (i32, i32) {
    %c0_i32 = arith.constant 0 : i32
    %c0_i32_0 = arith.constant 0 : i32
    %c0_i32_1 = arith.constant 0 : i32
    return %c0_i32, %c0_i32_0 : i32, i32
  }
  func.func @transform_8(%arg0: i32) -> (i32, i32) {
    %c0_i32 = arith.constant 0 : i32
    %c0_i32_0 = arith.constant 0 : i32
    %c0_i32_1 = arith.constant 0 : i32
    return %c0_i32, %c0_i32_0 : i32, i32
  }
  func.func @transform_9(%arg0: i32) -> (i32, i32) {
    %c0_i32 = arith.constant 0 : i32
    %c0_i32_0 = arith.constant 0 : i32
    %c0_i32_1 = arith.constant 0 : i32
    return %c0_i32, %c0_i32_0 : i32, i32
  }
  func.func @transform_10(%arg0: i32) -> (i32, i32) {
    %c0_i32 = arith.constant 0 : i32
    %c0_i32_0 = arith.constant 0 : i32
    %c0_i32_1 = arith.constant 0 : i32
    return %c0_i32, %c0_i32_0 : i32, i32
  }
}

</mosaic_0001>

<sc_bundles>
// kernel: kernel.11.cloned.1.call-start
scs
__scs_entry_jumppad:
0x0: {  	(pc) =	sbr.rel $0x88, $3  }
0x1: {  	(tag) =	ssettag $0x0;
	lr =	simm.s32 $0x1  }
0x2: {  	[smem:$0x3F8E] =	sst lr;
	_ =	strace $0xD0000000  }
0x3: {  	_ = 	snop  }
0x4: {  	_ = 	snop  }
0x5: {  	_ = 	snop  }
0x6: {  	_ = 	snop  }
0x7: {  	_ = 	snop  }
__scs_overlays_trampoline_lowered:
0x8: {  	[smem:$0x3F9D] =	sst s0  }
0x9: {  	[smem:$0x3F9E] =	sst s1  }
0xa: {  	[smem:$0x3F9F] =	sst s2  }
0xb: {  	[smem:$0x3FA0] =	sst s3  }
0xc: {  	[smem:$0x3FA1] =	sst s4  }
0xd: {  	[smem:$0x3FA2] =	sst s5  }
0xe: {  	[smem:$0x3FA3] =	sst s6  }
0xf: {  	[smem:$0x3FA4] =	sst s7  }
0x10: {  	[smem:$0x3FA5] =	sst s8  }
0x11: {  	[smem:$0x3FA6] =	sst s9;
	s0 =	simm.s32 @!p0 $0x0  }
0x12: {  	s1 =	sld [smem:$0x3F8C];
	s0 =	simm.s32 @p0 $0x1  }
0x13: {  	[smem:$0x3FA7] =	sst s0;
	s0 =	simm.s32 @!p1 $0x0  }
0x14: {  	s2 =	sld [smem:$0x3F8B];
	s0 =	simm.s32 @p1 $0x1  }
0x15: {  	[smem:$0x3FA8] =	sst s0;
	s0 =	simm.s32 @!p2 $0x0  }
0x16: {  	s3 =	sld [smem:$0x3FDB];
	s0 =	simm.s32 @p2 $0x1  }
0x17: {  	s4 =	simm.s32 $0x1BF5;
	[smem:$0x3FAA] =	sst s0  }
0x18: {  	s0 =	sld [smem:$0x3F8D];
	_ =	swait.ge [sflag:s4], $0x0  }
0x19: {  	s7 =	sld [smem:$0x3F8E]  }
0x1a: {  	s8 =	sadd.s32 $0xFFFFE003, lr  }
0x1b: {  	s9 =	sadd.s32 $0xFFFFFEF7, lr;
	s5 =	simm.s32 $0xFFFFFFFF;
	p2 =	slt.u32 s8, $0xFFFFF086  }
0x1c: {  	p1 =	slt.u32 s9, $0xF7A;
	s5 =	simm.s32 @!p2 $0x0  }
0x1d: {  	s5 =	simm.s32 @p1 $0x1;
	p0 =	seq.s32 s7, s2  }
0x1e: {  	s7 =	smul.u32 @!p0 $0xF7A, s2;
	p2 =	seq.s32 @!p0 s5, $0x0  }
0x1f: {  	s9 =	smul.u32 $0xF7A, s1;
	s8 =	simm.s32 @!p0 $0x1BF5;
	p2 =	por !p2, p0  }
0x20: {  	[sflag:s8] =	ssyncset.s32 @!p0 $0xFFFFF086;
	s6 =	sadd.s32 @!p0 s3, s7;
	s7 =	simm.s32 @!p0 $0x108  }
0x21: {  	s3 =	sadd.s32 s3, s9;
	s6 =	sadd.s32 @!p0 $0x88, s6;
	s7 =	simm.s32 @p2 $0x1082  }
0x22: {  	[simem:s7], [sflag:s8] =	dma.local @!p0 [hbm:s6], $0xF7A  }
0x23: {  	s9 =	sor.u32 $0xD0000000, s2;
	s6 =	simm.s32 $0x108;
	_ =	swait.ge @!p0 [sflag:s8], $0x0  }
0x24: {  	s3 =	sadd.s32 $0x88, s3;
	s6 =	simm.s32 @!p1 $0x1082;
	[sflag:s4] =	ssyncset.s32 $0xFFFFF086  }
0x25: {  	[simem:s6], [sflag:s4] =	dma.local [hbm:s3], $0xF7A  }
0x26: {  	[smem:$0x3F8E] =	sst s1;
	(tag) =	ssettag s2;
	_ =	strace s9  }
0x27: {  	s1 =	sld [smem:$0x3F9E]  }
0x28: {  	s2 =	sld [smem:$0x3F9F]  }
0x29: {  	s4 =	sld [smem:$0x3FA1]  }
0x2a: {  	p0 =	seq.s32 s5, $0x0;
	s5 =	sld [smem:$0x3FA2]  }
0x2b: {  	s6 =	sld [smem:$0x3FA3]  }
0x2c: {  	s7 =	sld [smem:$0x3FA4]  }
0x2d: {  	s3 =	simm.s32 $0x108;
	s8 =	sld [smem:$0x3FA5]  }
0x2e: {  	s3 =	simm.s32 @!p0 $0x1082;
	s9 =	sld [smem:$0x3FA6]  }
0x2f: {  	lr =	sadd.s32 s0, s3;
	s0 =	sld [smem:$0x3F9D]  }
0x30: {  	s3 =	sld [smem:$0x3FA0]  }
0x31: {  	[smem:$0x3FA9] =	sst s10  }
0x32: {  	s10 =	sld [smem:$0x3FA7];
	_ =	sdelay $0x3  }
0x33: {  	p0 =	seq.s32 s10, $0x1;
	s10 =	sld [smem:$0x3FA9];
	_ =	sdelay $0x3  }
0x34: {  	[smem:$0x3FA9] =	sst s10  }
0x35: {  	s10 =	sld [smem:$0x3FA8];
	_ =	sdelay $0x3  }
0x36: {  	p1 =	seq.s32 s10, $0x1;
	s10 =	sld [smem:$0x3FA9];
	_ =	sdelay $0x3  }
0x37: {  	[smem:$0x3FA9] =	sst s10  }
0x38: {  	s10 =	sld [smem:$0x3FAA]  }
0x39: {  	_ = 	snop;
	(pc) =	sbr.ind lr, $3  }
0x3a: {  	_ = 	snop  }
0x3b: {  	_ = 	snop  }
0x3c: {  	p2 =	seq.s32 s10, $0x1;
	s10 =	sld [smem:$0x3FA9]  }
0x3d: {  	_ =	shalt  }
0x3e: {  	_ =	shalt  }
0x3f: {  	_ =	shalt  }
0x40: {  	_ =	shalt  }
0x41: {  	_ =	shalt  }
0x42: {  	_ =	shalt  }
0x43: {  	_ =	shalt  }
0x44: {  	_ =	shalt  }
0x45: {  	_ =	shalt  }
0x46: {  	_ =	shalt  }
0x47: {  	_ =	shalt  }
0x48: {  	_ =	shalt  }
0x49: {  	_ =	shalt  }
0x4a: {  	_ =	shalt  }
0x4b: {  	_ =	shalt  }
0x4c: {  	_ =	shalt  }
0x4d: {  	_ =	shalt  }
0x4e: {  	_ =	shalt  }
0x4f: {  	_ =	shalt  }
0x50: {  	_ =	shalt  }
0x51: {  	_ =	shalt  }
0x52: {  	_ =	shalt  }
0x53: {  	_ =	shalt  }
0x54: {  	_ =	shalt  }
0x55: {  	_ =	shalt  }
0x56: {  	_ =	shalt  }
0x57: {  	_ =	shalt  }
0x58: {  	_ =	shalt  }
0x59: {  	_ =	shalt  }
0x5a: {  	_ =	shalt  }
0x5b: {  	_ =	shalt  }
0x5c: {  	_ =	shalt  }
0x5d: {  	_ =	shalt  }
0x5e: {  	_ =	shalt  }
0x5f: {  	_ =	shalt  }
0x60: {  	_ =	shalt  }
0x61: {  	_ =	shalt  }
0x62: {  	_ =	shalt  }
0x63: {  	_ =	shalt  }
0x64: {  	_ =	shalt  }
0x65: {  	_ =	shalt  }
0x66: {  	_ =	shalt  }
0x67: {  	_ =	shalt  }
0x68: {  	_ =	shalt  }
0x69: {  	_ =	shalt  }
0x6a: {  	_ =	shalt  }
0x6b: {  	_ =	shalt  }
0x6c: {  	_ =	shalt  }
0x6d: {  	_ =	shalt  }
0x6e: {  	_ =	shalt  }
0x6f: {  	_ =	shalt  }
0x70: {  	_ =	shalt  }
0x71: {  	_ =	shalt  }
0x72: {  	_ =	shalt  }
0x73: {  	_ =	shalt  }
0x74: {  	_ =	shalt  }
0x75: {  	_ =	shalt  }
0x76: {  	_ =	shalt  }
0x77: {  	_ =	shalt  }
0x78: {  	_ =	shalt  }
0x79: {  	_ =	shalt  }
0x7a: {  	_ =	shalt  }
0x7b: {  	_ =	shalt  }
0x7c: {  	_ =	shalt  }
0x7d: {  	_ =	shalt  }
0x7e: {  	_ =	shalt  }
0x7f: {  	_ =	shalt  }
0x80: {  	_ =	shalt  }
0x81: {  	_ =	shalt  }
0x82: {  	_ =	shalt  }
0x83: {  	_ =	shalt  }
0x84: {  	_ =	shalt  }
0x85: {  	_ =	shalt  }
0x86: {  	_ =	shalt  }
0x87: {  	_ =	shalt  }
.Lfunc_end0:
.L_simem_size_0:
called_computation.1_lowered:
.L_overlay_start_0:
0x88: {  	s2 =	sld [smem:$0x3FD9]  }
0x89: {  	s3 =	sld [smem:$0x3FFE];
	_ =	sdelay $0x1  }
0x8a: {  	s1 =	srdreg.scid  }
0x8b: {  	s0 =	sand.u32 $0x1, s1  }
0x8c: {  	s16 =	sshll.u32 s0, $0xA;
	s2 =	sadd.s32 s3, s2  }
0x8d: {  	s2 =	sadd.s32 s2, s16  }
0x8e: {  	[smem:$0x3FB5] =	sst s2  }
0x8f: {  	_ = 	snop  }
0x90: {  	(tm) =	ssettm $0x1  }
0x91: {  	s17 =	sld [smem:$0x3FFB];
	_ =	sdelay $0x3  }
0x92: {  	_ =	strace s17  }
0x93: {  	s2 =	sld [smem:$0x3FFC];
	_ =	sdelay $0x3  }
0x94: {  	_ =	strace s2  }
0x95: {  	s2 =	sld [smem:$0x3FFD];
	_ =	sdelay $0x3  }
0x96: {  	_ =	strace s2  }
0x97: {  	_ =	strace $0x8FFFFFFF  }
0x98: {  	s18 =	sld [smem:$0x3FDB];
	_ =	sdelay $0x1  }
0x99: {  	s19 =	simm.s32 $_scs_section_size  }
0x9a: {  	s4 =	simm.s32 $_size__tile_overlayer_lowered;
	s5 =	simm.s32 $_tile_overlayer_lowered  }
0x9b: {  	s22 =	simm.s32 $0x1BFF;
	s21 =	sshll.u32 s5, $0x1;
	s2 =	sadd.s32 s19, s18  }
0x9c: {  	s6 =	simm.s32 $0x0;
	s20 =	sshll.u32 s4, $0x1;
	s4 =	sadd.s32 s21, s2  }
0x9d: {  	[timem:s6], [sflag:s22] =	dma.local [hbm:s4], s20  }
0x9e: {  	_ =	swait.ge [sflag:s22], s20  }
0x9f: {  	s3 =	ssub.s32 $0x0, s20;
	[sflag:s22] =	ssyncset.done $0x0  }
0xa0: {  	[sflag:s22] =	ssyncadd.s32 s3;
	_ =	sdelay $0x1  }
0xa1: {  	s23 =	simm.s32 $0x1B8B  }
0xa2: {  	_ =	swait.ge [sflag:s23], $0x1  }
0xa3: {  	[sflag:s23] =	ssyncset.done $0x0  }
0xa4: {  	s25 =	simm.s32 $0x1B8E;
	s24 =	sld [smem:$0x3FFE];
	[sflag:s23] =	ssyncadd.s32 $0xFFFFFFFF  }
0xa5: {  	s26 =	simm.s32 $execute0_lowered;
	[smem:$0x3FD2] =	sst s25  }
0xa6: {  	s4 =	sshll.u32 s26, $0x1;
	_ =	strace $0x80000049;
	[dreg:$0x1] =	wrdreg $0xFFFFFFFF  }
0xa7: {  	s28 =	simm.s32 $_size_execute0_lowered;
	s2 =	sadd.s32 s2, s4;
	[dreg:$0x0] =	wrdreg $0x0  }
0xa8: {  	s4 =	sshll.u32 s28, $0x1;
	[dreg:$0x2] =	wrdreg s2  }
0xa9: {  	[dreg:$0x3] =	wrdreg s4  }
0xaa: {  	[dreg:$0x4] =	wrdreg $0xC0  }
0xab: {  	_ =	task [dreg:s6], $0x5FFFF  }
0xac: {  	[dreg:$0x1] =	wrdreg $0xFFFFFFFF  }
0xad: {  	[dreg:$0x0] =	wrdreg $0x60  }
0xae: {  	[dreg:$0x2] =	wrdreg s24  }
0xaf: {  	[dreg:$0x3] =	wrdreg $0xBC000  }
0xb0: {  	[dreg:$0x4] =	wrdreg $0x9  }
0xb1: {  	_ =	task.clear_ibuf [dreg:s6], $0x5FFFF;
	_ =	strace $0x90000049  }
0xb2: {  	s29 =	simm.s32 $0x9;
	_ =	strace $0x8000004B  }
0xb3: {  	_ =	swait.ge [sflag:s29], $0x1  }
0xb4: {  	[sflag:s29] =	ssyncadd.s32 $0xFFFFFFFF  }
0xb5: {  	_ =	strace $0x9000004B  }
0xb6: {  	_ =	sfence  }
0xb7: {  	s30 =	sld [smem:$0x0];
	_ =	sdelay $0x2  }
0xb8: {  	s31 =	sshll.u32 s1, $0xD;
	s1 =	sshrl.u32 s1, $0x2  }
0xb9: {  	s3 =	sand.u32 $0x4000, s31;
	s1 =	sadd.s32 s1, s30  }
0xba: {  	s0 =	sor.u32 s3, s0;
	s1 =	sshll.u32 s1, $0x11  }
0xbb: {  	s0 =	sor.u32 s1, s0  }
0xbc: {  	s0 =	sadd.s32 $0x8F2B, s0  }
0xbd: {  	[sflag:s0] =	ssyncadd.remote.s32 $0x1  }
0xbe: {  	_ =	sfence.sel $0xFFFF  }
0xbf: {  	[dreg:$0x0] =	wrdreg $0xFFFFFFFF;
	(pc) =	sbr.abs _section_cstart, $3  }
0xc0: {  	[dreg:$0x1] =	wrdreg $0xFFFFFFFF  }
0xc1: {  	_ =	task.clear_ibuf [dreg:s6], $0x2FFFF;
	_ =	strace $0x9FFFFFFF  }
0xc2: {  	(tm) =	ssettm $0x7FFFFFFF  }
0xc3: {  	_ =	shalt  }
tec
execute0_lowered:
.L_overlay_start_1:
0x0: {  	(tag) =	ssettag $0x1  }
0x1: {  	s0 =	srdreg.scid  }
0x2: {  	s6 =	rddreg [dreg:$0x0];
	s1 =	sand.u32 $0x1, s0;
	s0 =	stileid.u32  }
0x3: {  	s2 =	rddreg [dreg:$0x1];
	s10 =	smul.u32 $0x2700, s0  }
0x4: {  	s28 =	simm.s32 $0x2;
	s31 =	simm.s32 $0x0;
	s5 =	smul.u32 $0x4E000, s0  }
0x5: {  	s4 =	sadd.s32 $0x3E200, s6;
	s15 =	sadd.s32 $0x3000, s6;
	s16 =	smul.u32 $0xFFFFFFB0, s0  }
0x6: {  	s17 =	sadd.s32 $0x65400, s6;
	s30 =	sadd.s32 $0x3B900, s6;
	s19 =	smul.u32 $0xFFFFFB00, s1  }
0x7: {  	s3 =	sshll.u32 s1, $0x4;
	s7 =	ssub.s32 $0x2, s1;
	s21 =	smul.u32 $0x13800, s0  }
0x8: {  	p3 =	sne.s32 s1, $0x0;
	p5 =	seq.s32 s0, $0xF;
	s8 =	sor.u32 s0, s3  }
0x9: {  	s3 =	simm.s32 $0x0;
	s13 =	sshrl.u32 s7, $0x1;
	p1 =	seq.s32 @p3 s0, $0xF  }
0xa: {  	p4 =	seq.s32 @!p3 s0, $0xF;
	s9 =	smul.u32 $0x500, s8;
	[smem:$0x7FF] =	sst s3  }
0xb: {  	s12 =	sadd.s32 s10, s6;
	s5 =	sshrl.u32 s5, $0x2;
	s18 =	ssub.s32 s7, s13  }
0xc: {  	s7 =	sadd.s32 $0x124800, s2;
	s20 =	smul.u32 $0xFFFFFFB0, s8;
	s10 =	sadd.s32 s4, s10  }
0xd: {  	s8 =	smul.u32 $0x2800, s8;
	p2 =	por !p4, p3;
	_ =	strace $0x8000004A  }
0xe: {  	s5 =	sadd.s32 s5, s2;
	s29 =	sadd.s32 $0x17000, s12;
	[dreg:$0x4] =	wrdreg s30  }
0xf: {  	[dreg:$0x5] =	wrdreg s10;
	s10 =	smul.u32 $0x138800, s1;
	s18 =	smax.u32 s18, $0x1  }
0x10: {  	s11 =	sadd.s32 s9, s6;
	[dreg:$0x3] =	wrdreg s29;
	s6 =	sadd.s32 $0x62B00, s6  }
0x11: {  	p0 =	slt.s32 s20, $0xFFFFF68C;
	s12 =	sadd.s32 s15, s9;
	s8 =	sshrl.u32 s8, $0x3  }
0x12: {  	s9 =	sadd.s32 s16, s19;
	[dreg:$0x6] =	wrdreg s6;
	s11 =	sadd.s32 $0xD000, s11  }
0x13: {  	s20 =	simm.s32 @!p0 $0xFFFFF68C;
	s8 =	sadd.s32 s15, s8;
	s24 =	sadd.s32 s21, s10  }
0x14: {  	p0 =	slt.s32 s9, $0xFFFFF68C;
	s6 =	sshrl.u32 s10, $0x3;
	s21 =	simm.s32 $0x4  }
0x15: {  	s22 =	smin.u32 s20, $0xFFFFF664;
	s23 =	smax.u32 s20, $0xFFFFF664;
	s15 =	sadd.s32 $0x280, s8  }
0x16: {  	s25 =	sshrl.u32 s24, $0x3;
	s9 =	simm.s32 @!p0 $0xFFFFF68C;
	s6 =	sadd.s32 s17, s6  }
0x17: {  	p0 =	por !p1, !p3;
	p1 =	por p1, !p3;
	p3 =	por p4, p3  }
0x18: {  	s24 =	simm.s32 $0x3C00;
	p4 =	slt.u32 s20, $0xFFFFF665;
	s26 =	smax.u32 s9, $0xFFFFF664  }
0x19: {  	s13 =	sadd.s32 $0x9C4, s22;
	s14 =	sadd.s32 $0x99C, s23;
	s8 =	sadd.s32 $0x99C, s26  }
0x1a: {  	s16 =	sadd.s32 s17, s25;
	s9 =	smin.u32 s9, $0xFFFFF664;
	s8 =	sshrl.u32 s8, $0x1  }
.Ltmp0:
0x1b: {  	s17 =	sadd.s32 $0x24900, s6;
	s30 =	smax.u32 s8, $0x1;
	(pc) =	sbr.rel .LBB2_1-.Ltmp0, $4  }
0x1c: {  	s22 =	simm.s32 $0x2800;
	s23 =	simm.s32 $0x80;
	s1 =	ssub.s32 $0x0, s30  }
0x1d: {  	s29 =	sadd.s32 $0x9C4, s9;
	[dreg:$0x7] =	wrdreg s1;
	s1 =	simm.s32 @!p4 $0x0  }
0x1e: {  	s25 =	simm.s32 $0x7C00;
	s6 =	sshrl.u32 s29, $0x1;
	s1 =	simm.s32 @p4 $0x1  }
0x1f: {  	s26 =	simm.s32 $0x1;
	s19 =	ssub.s32 $0x0, s6;
	[smem:$0x7FD] =	sst s1  }
.LBB2_7:
0x20: {  	[tilespmem:s22], [sflag:$0x4] =	stream.linear.gather [hbm4b:s15+s3], $0x1400, $0x38;
	[tilespmem:$0x1F480] =	vst v63  }
0x21: {  	_ =	swait.ge [sflag:s21], $0x1400  }
0x22: {  	[sflag:s21] =	ssyncset.done $0x0  }
0x23: {  	[sflag:s21] =	ssyncadd.s32 $0xFFFFEC00  }
.LBB2_8:
0x24: {  	[bflag:$0x0] =	sbarrier.arrive $0xFFFF;
	s1 =	sshrl.u32 @p5 s7, $0x3;
	s6 =	simm.s32 @p5 $0x1FC4  }
0x25: {  	[hbm:s17], [sflag:s6] =	dma.local @p5 [spmem:s1], $0x2800  }
0x26: {  	s1 =	simm.s32 @p5 $0x4  }
0x27: {  	s31 =	sadd.s32 $0x1, s31;
	_ =	swait.ge @p5 [sflag:s1], $0x2800  }
0x28: {  	s6 =	sshll.u32 @!p5 s0, $0x6;
	p4 =	sne.s32 s31, s18;
	[sflag:s1] =	ssyncset.done @p5 $0x0  }
0x29: {  	[sflag:s1] =	ssyncadd.s32 @p5 $0xFFFFD800;
	s1 =	sor.u32 @!p5 $0x1C04, s6;
	s6 =	sshrl.u32 @!p5 s5, $0x3  }
0x2a: {  	[hbm:s16], [sflag:s1] =	dma.local @!p5 [spmem:s6], $0x2700  }
.Ltmp1:
0x2b: {  	_ = 	snop;
	(pc) =	sbr.rel @!p4 .LBB2_9-.Ltmp1, $4  }
0x2c: {  	s1 =	simm.s32 @!p5 $0x4  }
0x2d: {  	_ =	swait.ge @!p5 [sflag:s1], $0x2700  }
0x2e: {  	[sflag:s1] =	ssyncset.done @!p5 $0x0  }
0x2f: {  	[sflag:s1] =	ssyncadd.s32 @!p5 $0xFFFFD900  }
.LBB2_1:
0x30: {  	s1 =	sshrl.u32 @!p0 s7, $0x3;
	s6 =	simm.s32 @!p0 $0x1FC3;
	s8 =	rddreg [dreg:$0x4]  }
0x31: {  	[spmem:s1], [sflag:s6] =	dma.local @!p0 [hbm:s8], $0x2800  }
0x32: {  	s1 =	sshll.u32 @!p1 s0, $0x6  }
0x33: {  	s6 =	sshrl.u32 @!p1 s5, $0x3;
	s1 =	sor.u32 @!p1 $0x1C03, s1;
	s8 =	rddreg [dreg:$0x3]  }
0x34: {  	[spmem:s6], [sflag:s1] =	dma.local @!p1 [hbm:s8], $0x2700  }
0x35: {  	s1 =	sshrl.u32 @!p2 s7, $0x3;
	s6 =	simm.s32 @!p2 $0x1FC3;
	s8 =	rddreg [dreg:$0x6]  }
0x36: {  	[spmem:s1], [sflag:s6] =	dma.local @!p2 [hbm:s8], $0x2800  }
0x37: {  	s1 =	sshll.u32 @!p3 s0, $0x6  }
0x38: {  	s6 =	sshrl.u32 @!p3 s5, $0x3;
	s1 =	sor.u32 @!p3 $0x1C03, s1;
	s8 =	rddreg [dreg:$0x5]  }
0x39: {  	[spmem:s6], [sflag:s1] =	dma.local @!p3 [hbm:s8], $0x2700  }
0x3a: {  	[tilespmem:s3], [sflag:$0x4] =	stream.linear.gather [hbm4b:s11+s3], $0x2800, $0x38;
	[tilespmem:$0x1F480] =	vst v63  }
0x3b: {  	_ =	swait.ge [sflag:s21], $0x2800  }
0x3c: {  	[sflag:s21] =	ssyncset.done $0x0  }
0x3d: {  	[sflag:s21] =	ssyncadd.s32 $0xFFFFD800  }
0x3e: {  	[tilespmem:s22], [sflag:$0x4] =	stream.linear.gather [hbm4b:s12+s3], $0x1400, $0x38;
	[tilespmem:$0x1F480] =	vst v63  }
0x3f: {  	_ =	swait.ge [sflag:s21], $0x1400  }
0x40: {  	[sflag:s21] =	ssyncset.done $0x0  }
0x41: {  	[sflag:s21] =	ssyncadd.s32 $0xFFFFEC00  }
0x42: {  	[tilespmem:s24], [sflag:$0x1] =	stream.indirect.gather [hbm4b:s4+s23], $0x80, s3, s23, $0xb8;
	[tilespmem:$0x1F480] =	vst v63  }
0x43: {  	s1 =	simm.s32 @!p0 $0x3  }
0x44: {  	[tilespmem:s25], [sflag:$0x2] =	stream.indirect.gather [hbm4b:s4+s23], $0x80, s23, s23, $0xb8;
	[tilespmem:$0x1F480] =	vst v63  }
0x45: {  	_ =	swait.ge @!p0 [sflag:s1], $0x2800  }
0x46: {  	[sflag:s1] =	ssyncset.done @!p0 $0x0  }
0x47: {  	[sflag:s1] =	ssyncadd.s32 @!p0 $0xFFFFD800;
	s1 =	simm.s32 @!p1 $0x3  }
0x48: {  	_ =	swait.ge @!p1 [sflag:s1], $0x2700  }
0x49: {  	[sflag:s1] =	ssyncset.done @!p1 $0x0  }
0x4a: {  	[sflag:s1] =	ssyncadd.s32 @!p1 $0xFFFFD900;
	s1 =	simm.s32 @!p2 $0x3  }
0x4b: {  	_ =	swait.ge @!p2 [sflag:s1], $0x2800  }
0x4c: {  	[sflag:s1] =	ssyncset.done @!p2 $0x0  }
0x4d: {  	[sflag:s1] =	ssyncadd.s32 @!p2 $0xFFFFD800;
	s1 =	simm.s32 @!p3 $0x3  }
0x4e: {  	_ =	swait.ge @!p3 [sflag:s1], $0x2700  }
0x4f: {  	[sflag:s1] =	ssyncset.done @!p3 $0x0  }
0x50: {  	[sflag:s1] =	ssyncadd.s32 @!p3 $0xFFFFD900  }
0x51: {  	[bflag:$0x0] =	sbarrier.arrive $0xFFFF  }
0x52: {  	_ =	swait.ge [sflag:s26], $0x4000  }
0x53: {  	[sflag:s26] =	ssyncset.done $0x0  }
0x54: {  	s10 =	simm.s32 $0x2800;
	[sflag:s26] =	ssyncadd.s32 $0xFFFFC000  }
0x55: {  	[spmem:s2] =	stream.indirect.scatter.add.f32 [tilespmem:s24], [sflag:$0x4], $0x80, s10, s23, $0xb8;
	[tilespmem:$0x1F480] =	vst v63  }
0x56: {  	p4 =	sle.u32 s13, $0x2;
	_ =	swait.ge [sflag:s21], $0x4000  }
0x57: {  	s6 =	simm.s32 @!p4 $0x80;
	[sflag:s21] =	ssyncset.done $0x0  }
0x58: {  	s8 =	simm.s32 @!p4 $0x3C00;
	s1 =	simm.s32 $0x100;
	[sflag:s21] =	ssyncadd.s32 $0xFFFFC000  }
0x59: {  	[tilespmem:s8], [sflag:$0x1] =	stream.indirect.gather @!p4 [hbm4b:s4+s6], $0x80, s1, s6, $0xb8;
	[tilespmem:$0x1F480] =	vst v63  }
0x5a: {  	s1 =	sadd.s32 $0x1, s19  }
0x5b: {  	_ =	swait.ge [sflag:s28], $0x4000;
	p6 =	seq.s32 s1, $0x0  }
.Ltmp2:
0x5c: {  	s20 =	simm.s32 $0x2880;
	[sflag:s28] =	ssyncset.done $0x0;
	(pc) =	sbr.rel @p6 .LBB2_3-.Ltmp2, $4  }
0x5d: {  	s29 =	simm.s32 $0x4;
	p4 =	sle.u32 s13, $0x3;
	[sflag:s28] =	ssyncadd.s32 $0xFFFFC000  }
0x5e: {  	[spmem:s2] =	stream.indirect.scatter.add.f32 [tilespmem:s25], [sflag:$0x4], $0x80, s20, s23, $0xb8;
	[tilespmem:$0x1F480] =	vst v63  }
0x5f: {  	s30 =	simm.s32 $0x200;
	s6 =	simm.s32 @!p4 $0x180;
	_ =	swait.ge [sflag:s21], $0x4000  }
0x60: {  	s8 =	simm.s32 @!p4 $0x80;
	s20 =	simm.s32 $0x2980;
	[sflag:s21] =	ssyncset.done $0x0  }
.LBB2_2:
0x61: {  	s1 =	sadd.s32 $0x1, s1;
	[sflag:s21] =	ssyncadd.s32 $0xFFFFC000;
	s9 =	simm.s32 @!p4 $0x7C00  }
0x62: {  	[tilespmem:s9], [sflag:$0x2] =	stream.indirect.gather @!p4 [hbm4b:s4+s8], $0x80, s6, s8, $0xb8;
	[tilespmem:$0x1F480] =	vst v63  }
0x63: {  	p6 =	seq.s32 s1, $0x0;
	s6 =	smov.u32 s29;
	_ =	swait.ge [sflag:s26], $0x4000  }
0x64: {  	s8 =	sadd.s32 $0xFFFFFF80, s20;
	s9 =	smov.u32 s30;
	[sflag:s26] =	ssyncset.done $0x0  }
0x65: {  	[sflag:s26] =	ssyncadd.s32 $0xFFFFC000  }
0x66: {  	[spmem:s2] =	stream.indirect.scatter.add.f32 [tilespmem:s24], [sflag:$0x4], $0x80, s8, s23, $0xb8;
	[tilespmem:$0x1F480] =	vst v63  }
0x67: {  	p4 =	sge.u32 s29, s13;
	_ =	swait.ge [sflag:s21], $0x4000  }
0x68: {  	s10 =	simm.s32 @!p4 $0x3C00;
	s8 =	simm.s32 @!p4 $0x80;
	[sflag:s21] =	ssyncset.done $0x0  }
0x69: {  	[sflag:s21] =	ssyncadd.s32 $0xFFFFC000  }
0x6a: {  	[tilespmem:s10], [sflag:$0x1] =	stream.indirect.gather @!p4 [hbm4b:s4+s8], $0x80, s30, s8, $0xb8;
	[tilespmem:$0x1F480] =	vst v63  }
0x6b: {  	_ =	swait.ge [sflag:s28], $0x4000  }
.Ltmp3:
0x6c: {  	s29 =	sadd.s32 $0x2, s29;
	[sflag:s28] =	ssyncset.done $0x0;
	(pc) =	sbr.rel @!p6 .LBB2_2-.Ltmp3, $4  }
0x6d: {  	s6 =	sadd.s32 $0x1, s6;
	s30 =	sadd.s32 $0x100, s30;
	[sflag:s28] =	ssyncadd.s32 $0xFFFFC000  }
0x6e: {  	[spmem:s2] =	stream.indirect.scatter.add.f32 [tilespmem:s25], [sflag:$0x4], $0x80, s20, s23, $0xb8;
	[tilespmem:$0x1F480] =	vst v63  }
0x6f: {  	p4 =	sge.u32 s6, s13;
	s20 =	sadd.s32 $0x100, s20;
	_ =	swait.ge [sflag:s21], $0x4000  }
0x70: {  	s6 =	sadd.s32 @!p4 $0x80, s9;
	s8 =	simm.s32 @!p4 $0x80;
	[sflag:s21] =	ssyncset.done $0x0  }
.LBB2_3:
0x71: {  	s30 =	sld [smem:$0x7FD]  }
0x72: {  	[sflag:s21] =	ssyncadd.s32 $0xFFFFC000;
	s1 =	simm.s32 @!p4 $0x7C00  }
0x73: {  	[tilespmem:s1], [sflag:$0x2] =	stream.indirect.gather @!p4 [hbm4b:s4+s8], $0x80, s6, s8, $0xb8;
	[tilespmem:$0x1F480] =	vst v63  }
0x74: {  	p4 =	seq.s32 s30, $0x1  }
.Ltmp4:
0x75: {  	_ = 	snop;
	(pc) =	sbr.rel @p4 .LBB2_7-.Ltmp4, $1  }
0x76: {  	_ =	sdelay $0x3  }
0x77: {  	s1 =	simm.s32 $0x1400  }
0x78: {  	[tilespmem:s24], [sflag:$0x1] =	stream.indirect.gather [hbm4b:s4+s23], $0x80, s1, s23, $0xb8;
	[tilespmem:$0x1F480] =	vst v63  }
0x79: {  	s8 =	simm.s32 $0x1480  }
0x7a: {  	[tilespmem:s25], [sflag:$0x2] =	stream.indirect.gather [hbm4b:s4+s23], $0x80, s8, s23, $0xb8;
	[tilespmem:$0x1F480] =	vst v63  }
0x7b: {  	_ = 	snop  }
0x7c: {  	[tilespmem:s22], [sflag:$0x4] =	stream.linear.gather [hbm4b:s15+s3], $0x1400, $0x38;
	[tilespmem:$0x1F480] =	vst v63  }
0x7d: {  	_ =	swait.ge [sflag:s21], $0x1400  }
0x7e: {  	[sflag:s21] =	ssyncset.done $0x0  }
0x7f: {  	[sflag:s21] =	ssyncadd.s32 $0xFFFFEC00  }
0x80: {  	_ =	swait.ge [sflag:s26], $0x4000  }
0x81: {  	[sflag:s26] =	ssyncset.done $0x0  }
0x82: {  	s9 =	simm.s32 $0x2800;
	[sflag:s26] =	ssyncadd.s32 $0xFFFFC000  }
0x83: {  	[spmem:s2] =	stream.indirect.scatter.add.f32 [tilespmem:s24], [sflag:$0x4], $0x80, s9, s23, $0xb8;
	[tilespmem:$0x1F480] =	vst v63  }
0x84: {  	p4 =	sle.u32 s14, $0x2;
	_ =	swait.ge [sflag:s21], $0x4000  }
0x85: {  	s1 =	simm.s32 @!p4 $0x1500;
	[sflag:s21] =	ssyncset.done $0x0  }
0x86: {  	s6 =	simm.s32 @!p4 $0x80;
	s8 =	simm.s32 @!p4 $0x3C00;
	[sflag:s21] =	ssyncadd.s32 $0xFFFFC000  }
0x87: {  	[tilespmem:s8], [sflag:$0x1] =	stream.indirect.gather @!p4 [hbm4b:s4+s6], $0x80, s1, s6, $0xb8;
	[tilespmem:$0x1F480] =	vst v63  }
0x88: {  	_ =	swait.ge [sflag:s28], $0x4000  }
0x89: {  	s20 =	rddreg [dreg:$0x7]  }
0x8a: {  	s29 =	sadd.s32 $0x1, s20  }
0x8b: {  	s10 =	simm.s32 $0x2880;
	p6 =	seq.s32 s29, $0x0  }
.Ltmp5:
0x8c: {  	s30 =	simm.s32 $0x4;
	[sflag:s28] =	ssyncset.done $0x0;
	(pc) =	sbr.rel @p6 .LBB2_6-.Ltmp5, $4  }
0x8d: {  	s1 =	simm.s32 $0x1580;
	p4 =	sle.u32 s14, $0x3;
	[sflag:s28] =	ssyncadd.s32 $0xFFFFC000  }
0x8e: {  	[spmem:s2] =	stream.indirect.scatter.add.f32 [tilespmem:s25], [sflag:$0x4], $0x80, s10, s23, $0xb8;
	[tilespmem:$0x1F480] =	vst v63  }
0x8f: {  	s6 =	simm.s32 $0x1580;
	s8 =	simm.s32 @!p4 $0x80;
	_ =	swait.ge [sflag:s21], $0x4000  }
0x90: {  	s9 =	simm.s32 @!p4 $0x7C00;
	s20 =	simm.s32 $0x2980;
	[sflag:s21] =	ssyncset.done $0x0  }
.LBB2_5:
0x91: {  	s29 =	sadd.s32 $0x1, s29;
	[sflag:s21] =	ssyncadd.s32 $0xFFFFC000;
	s6 =	sadd.s32 $0x100, s6  }
0x92: {  	[tilespmem:s9], [sflag:$0x2] =	stream.indirect.gather @!p4 [hbm4b:s4+s8], $0x80, s1, s8, $0xb8;
	[tilespmem:$0x1F480] =	vst v63  }
0x93: {  	p6 =	seq.s32 s29, $0x0;
	s1 =	smov.u32 s6;
	_ =	swait.ge [sflag:s26], $0x4000  }
0x94: {  	s8 =	sadd.s32 $0xFFFFFF80, s20;
	[sflag:s26] =	ssyncset.done $0x0  }
0x95: {  	[sflag:s26] =	ssyncadd.s32 $0xFFFFC000  }
0x96: {  	[spmem:s2] =	stream.indirect.scatter.add.f32 [tilespmem:s24], [sflag:$0x4], $0x80, s8, s23, $0xb8;
	[tilespmem:$0x1F480] =	vst v63  }
0x97: {  	p4 =	sge.u32 s30, s14;
	_ =	swait.ge [sflag:s21], $0x4000  }
0x98: {  	s9 =	simm.s32 @!p4 $0x80;
	s8 =	sadd.s32 @!p4 $0xFFFFFF80, s6;
	[sflag:s21] =	ssyncset.done $0x0  }
0x99: {  	s10 =	simm.s32 @!p4 $0x3C00;
	[sflag:s21] =	ssyncadd.s32 $0xFFFFC000  }
0x9a: {  	[tilespmem:s10], [sflag:$0x1] =	stream.indirect.gather @!p4 [hbm4b:s4+s9], $0x80, s8, s9, $0xb8;
	[tilespmem:$0x1F480] =	vst v63  }
0x9b: {  	_ =	swait.ge [sflag:s28], $0x4000  }
.Ltmp6:
0x9c: {  	[sflag:s28] =	ssyncset.done $0x0;
	(pc) =	sbr.rel @!p6 .LBB2_5-.Ltmp6, $4  }
0x9d: {  	s8 =	sadd.s32 $0x1, s30;
	s30 =	sadd.s32 $0x2, s30;
	[sflag:s28] =	ssyncadd.s32 $0xFFFFC000  }
0x9e: {  	[spmem:s2] =	stream.indirect.scatter.add.f32 [tilespmem:s25], [sflag:$0x4], $0x80, s20, s23, $0xb8;
	[tilespmem:$0x1F480] =	vst v63  }
0x9f: {  	p4 =	sge.u32 s8, s14;
	s20 =	sadd.s32 $0x100, s20;
	_ =	swait.ge [sflag:s21], $0x4000  }
0xa0: {  	s8 =	simm.s32 @!p4 $0x80;
	s9 =	simm.s32 @!p4 $0x7C00;
	[sflag:s21] =	ssyncset.done $0x0  }
.LBB2_6:
.Ltmp7:
0xa1: {  	(pc) =	sbr.rel .LBB2_8-.Ltmp7, $3  }
0xa2: {  	_ =	sdelay $0x1  }
0xa3: {  	[sflag:s21] =	ssyncadd.s32 $0xFFFFC000  }
0xa4: {  	[tilespmem:s9], [sflag:$0x2] =	stream.indirect.gather @!p4 [hbm4b:s4+s8], $0x80, s1, s8, $0xb8;
	[tilespmem:$0x1F480] =	vst v63  }
.LBB2_9:
0xa5: {  	_ =	sfence.sel $0x180000  }
0xa6: {  	[bflag:$0x0] =	sbarrier.arrive $0xFFFF  }
0xa7: {  	_ =	strace $0x9000004A  }
0xa8: {  	[bflag:$0x2] =	sbarrier.arrive $0xFFFF  }
0xa9: {  	p0 =	sne.s32 s0, $0x0;
	s0 =	rddreg [dreg:$0x2]  }
0xaa: {  	s0 =	sadd.s32 @!p0 $0x100000, s0  }
0xab: {  	[sflag:s0] =	ssyncadd.tile.s32 @!p0 $0x1;
	_ =	shalt  }
.Lfunc_end2:
_tile_overlayer_lowered:
.L_overlay_start_2:
0xac: {  	(tag) =	ssettag $0x2  }
0xad: {  	s0 =	rddreg [dreg:$0x0];
	s2 =	stileid.u32  }
0xae: {  	s1 =	rddreg [dreg:$0x1];
	p0 =	sne.s32 s2, $0x0  }
0xaf: {  	s3 =	rddreg [dreg:$0x2];
	[bflag:$0x3] =	sbarrier.arrive $0xFFFF;
	s2 =	simm.s32 @!p0 $0x1C04  }
0xb0: {  	[timem:s3], [sflag:s2] =	dma.local @!p0 [hbm:s0], s1  }
0xb1: {  	s0 =	simm.s32 @!p0 $0x4  }
0xb2: {  	_ =	swait.ge @!p0 [sflag:s0], s1  }
0xb3: {  	s1 =	ssub.s32 @!p0 $0x0, s1;
	[sflag:s0] =	ssyncset.done @!p0 $0x0  }
0xb4: {  	[sflag:s0] =	ssyncadd.s32 @!p0 s1  }
0xb5: {  	[bflag:$0x3] =	sbarrier.arrive $0xFFFF  }
0xb6: {  	_ =	shalt  }

// kernel: kernel.14.cloned.1.call-start
scs
__scs_entry_jumppad:
0x0: {  	(pc) =	sbr.rel $0x88, $3  }
0x1: {  	(tag) =	ssettag $0x0;
	lr =	simm.s32 $0x1  }
0x2: {  	[smem:$0x3F8E] =	sst lr;
	_ =	strace $0xD0000000  }
0x3: {  	_ = 	snop  }
0x4: {  	_ = 	snop  }
0x5: {  	_ = 	snop  }
0x6: {  	_ = 	snop  }
0x7: {  	_ = 	snop  }
__scs_overlays_trampoline_lowered:
0x8: {  	[smem:$0x3F9D] =	sst s0  }
0x9: {  	[smem:$0x3F9E] =	sst s1  }
0xa: {  	[smem:$0x3F9F] =	sst s2  }
0xb: {  	[smem:$0x3FA0] =	sst s3  }
0xc: {  	[smem:$0x3FA1] =	sst s4  }
0xd: {  	[smem:$0x3FA2] =	sst s5  }
0xe: {  	[smem:$0x3FA3] =	sst s6  }
0xf: {  	[smem:$0x3FA4] =	sst s7  }
0x10: {  	[smem:$0x3FA5] =	sst s8  }
0x11: {  	[smem:$0x3FA6] =	sst s9;
	s0 =	simm.s32 @!p0 $0x0  }
0x12: {  	s1 =	sld [smem:$0x3F8C];
	s0 =	simm.s32 @p0 $0x1  }
0x13: {  	[smem:$0x3FA7] =	sst s0;
	s0 =	simm.s32 @!p1 $0x0  }
0x14: {  	s2 =	sld [smem:$0x3F8B];
	s0 =	simm.s32 @p1 $0x1  }
0x15: {  	[smem:$0x3FA8] =	sst s0;
	s0 =	simm.s32 @!p2 $0x0  }
0x16: {  	s3 =	sld [smem:$0x3FDB];
	s0 =	simm.s32 @p2 $0x1  }
0x17: {  	s4 =	simm.s32 $0x1BF5;
	[smem:$0x3FAA] =	sst s0  }
0x18: {  	s0 =	sld [smem:$0x3F8D];
	_ =	swait.ge [sflag:s4], $0x0  }
0x19: {  	s7 =	sld [smem:$0x3F8E]  }
0x1a: {  	s8 =	sadd.s32 $0xFFFFE003, lr  }
0x1b: {  	s9 =	sadd.s32 $0xFFFFFEF7, lr;
	s5 =	simm.s32 $0xFFFFFFFF;
	p2 =	slt.u32 s8, $0xFFFFF086  }
0x1c: {  	p1 =	slt.u32 s9, $0xF7A;
	s5 =	simm.s32 @!p2 $0x0  }
0x1d: {  	s5 =	simm.s32 @p1 $0x1;
	p0 =	seq.s32 s7, s2  }
0x1e: {  	s7 =	smul.u32 @!p0 $0xF7A, s2;
	p2 =	seq.s32 @!p0 s5, $0x0  }
0x1f: {  	s9 =	smul.u32 $0xF7A, s1;
	s8 =	simm.s32 @!p0 $0x1BF5;
	p2 =	por !p2, p0  }
0x20: {  	[sflag:s8] =	ssyncset.s32 @!p0 $0xFFFFF086;
	s6 =	sadd.s32 @!p0 s3, s7;
	s7 =	simm.s32 @!p0 $0x108  }
0x21: {  	s3 =	sadd.s32 s3, s9;
	s6 =	sadd.s32 @!p0 $0x88, s6;
	s7 =	simm.s32 @p2 $0x1082  }
0x22: {  	[simem:s7], [sflag:s8] =	dma.local @!p0 [hbm:s6], $0xF7A  }
0x23: {  	s9 =	sor.u32 $0xD0000000, s2;
	s6 =	simm.s32 $0x108;
	_ =	swait.ge @!p0 [sflag:s8], $0x0  }
0x24: {  	s3 =	sadd.s32 $0x88, s3;
	s6 =	simm.s32 @!p1 $0x1082;
	[sflag:s4] =	ssyncset.s32 $0xFFFFF086  }
0x25: {  	[simem:s6], [sflag:s4] =	dma.local [hbm:s3], $0xF7A  }
0x26: {  	[smem:$0x3F8E] =	sst s1;
	(tag) =	ssettag s2;
	_ =	strace s9  }
0x27: {  	s1 =	sld [smem:$0x3F9E]  }
0x28: {  	s2 =	sld [smem:$0x3F9F]  }
0x29: {  	s4 =	sld [smem:$0x3FA1]  }
0x2a: {  	p0 =	seq.s32 s5, $0x0;
	s5 =	sld [smem:$0x3FA2]  }
0x2b: {  	s6 =	sld [smem:$0x3FA3]  }
0x2c: {  	s7 =	sld [smem:$0x3FA4]  }
0x2d: {  	s3 =	simm.s32 $0x108;
	s8 =	sld [smem:$0x3FA5]  }
0x2e: {  	s3 =	simm.s32 @!p0 $0x1082;
	s9 =	sld [smem:$0x3FA6]  }
0x2f: {  	lr =	sadd.s32 s0, s3;
	s0 =	sld [smem:$0x3F9D]  }
0x30: {  	s3 =	sld [smem:$0x3FA0]  }
0x31: {  	[smem:$0x3FA9] =	sst s10  }
0x32: {  	s10 =	sld [smem:$0x3FA7];
	_ =	sdelay $0x3  }
0x33: {  	p0 =	seq.s32 s10, $0x1;
	s10 =	sld [smem:$0x3FA9];
	_ =	sdelay $0x3  }
0x34: {  	[smem:$0x3FA9] =	sst s10  }
0x35: {  	s10 =	sld [smem:$0x3FA8];
	_ =	sdelay $0x3  }
0x36: {  	p1 =	seq.s32 s10, $0x1;
	s10 =	sld [smem:$0x3FA9];
	_ =	sdelay $0x3  }
0x37: {  	[smem:$0x3FA9] =	sst s10  }
0x38: {  	s10 =	sld [smem:$0x3FAA]  }
0x39: {  	_ = 	snop;
	(pc) =	sbr.ind lr, $3  }
0x3a: {  	_ = 	snop  }
0x3b: {  	_ = 	snop  }
0x3c: {  	p2 =	seq.s32 s10, $0x1;
	s10 =	sld [smem:$0x3FA9]  }
0x3d: {  	_ =	shalt  }
0x3e: {  	_ =	shalt  }
0x3f: {  	_ =	shalt  }
0x40: {  	_ =	shalt  }
0x41: {  	_ =	shalt  }
0x42: {  	_ =	shalt  }
0x43: {  	_ =	shalt  }
0x44: {  	_ =	shalt  }
0x45: {  	_ =	shalt  }
0x46: {  	_ =	shalt  }
0x47: {  	_ =	shalt  }
0x48: {  	_ =	shalt  }
0x49: {  	_ =	shalt  }
0x4a: {  	_ =	shalt  }
0x4b: {  	_ =	shalt  }
0x4c: {  	_ =	shalt  }
0x4d: {  	_ =	shalt  }
0x4e: {  	_ =	shalt  }
0x4f: {  	_ =	shalt  }
0x50: {  	_ =	shalt  }
0x51: {  	_ =	shalt  }
0x52: {  	_ =	shalt  }
0x53: {  	_ =	shalt  }
0x54: {  	_ =	shalt  }
0x55: {  	_ =	shalt  }
0x56: {  	_ =	shalt  }
0x57: {  	_ =	shalt  }
0x58: {  	_ =	shalt  }
0x59: {  	_ =	shalt  }
0x5a: {  	_ =	shalt  }
0x5b: {  	_ =	shalt  }
0x5c: {  	_ =	shalt  }
0x5d: {  	_ =	shalt  }
0x5e: {  	_ =	shalt  }
0x5f: {  	_ =	shalt  }
0x60: {  	_ =	shalt  }
0x61: {  	_ =	shalt  }
0x62: {  	_ =	shalt  }
0x63: {  	_ =	shalt  }
0x64: {  	_ =	shalt  }
0x65: {  	_ =	shalt  }
0x66: {  	_ =	shalt  }
0x67: {  	_ =	shalt  }
0x68: {  	_ =	shalt  }
0x69: {  	_ =	shalt  }
0x6a: {  	_ =	shalt  }
0x6b: {  	_ =	shalt  }
0x6c: {  	_ =	shalt  }
0x6d: {  	_ =	shalt  }
0x6e: {  	_ =	shalt  }
0x6f: {  	_ =	shalt  }
0x70: {  	_ =	shalt  }
0x71: {  	_ =	shalt  }
0x72: {  	_ =	shalt  }
0x73: {  	_ =	shalt  }
0x74: {  	_ =	shalt  }
0x75: {  	_ =	shalt  }
0x76: {  	_ =	shalt  }
0x77: {  	_ =	shalt  }
0x78: {  	_ =	shalt  }
0x79: {  	_ =	shalt  }
0x7a: {  	_ =	shalt  }
0x7b: {  	_ =	shalt  }
0x7c: {  	_ =	shalt  }
0x7d: {  	_ =	shalt  }
0x7e: {  	_ =	shalt  }
0x7f: {  	_ =	shalt  }
0x80: {  	_ =	shalt  }
0x81: {  	_ =	shalt  }
0x82: {  	_ =	shalt  }
0x83: {  	_ =	shalt  }
0x84: {  	_ =	shalt  }
0x85: {  	_ =	shalt  }
0x86: {  	_ =	shalt  }
0x87: {  	_ =	shalt  }
.Lfunc_end0:
.L_simem_size_0:
called_computation.2_lowered:
.L_overlay_start_0:
0x88: {  	s2 =	sld [smem:$0x3FD9]  }
0x89: {  	s3 =	sld [smem:$0x3FFE];
	_ =	sdelay $0x1  }
0x8a: {  	s1 =	srdreg.scid  }
0x8b: {  	s0 =	sand.u32 $0x1, s1  }
0x8c: {  	s16 =	sshll.u32 s0, $0xA;
	s2 =	sadd.s32 s3, s2  }
0x8d: {  	s2 =	sadd.s32 s2, s16  }
0x8e: {  	[smem:$0x3FB5] =	sst s2  }
0x8f: {  	_ = 	snop  }
0x90: {  	(tm) =	ssettm $0x1  }
0x91: {  	s17 =	sld [smem:$0x3FFB];
	_ =	sdelay $0x3  }
0x92: {  	_ =	strace s17  }
0x93: {  	s2 =	sld [smem:$0x3FFC];
	_ =	sdelay $0x3  }
0x94: {  	_ =	strace s2  }
0x95: {  	s2 =	sld [smem:$0x3FFD];
	_ =	sdelay $0x3  }
0x96: {  	_ =	strace s2  }
0x97: {  	_ =	strace $0x8FFFFFFF  }
0x98: {  	s18 =	sld [smem:$0x3FDB];
	_ =	sdelay $0x1  }
0x99: {  	s19 =	simm.s32 $_scs_section_size  }
0x9a: {  	s4 =	simm.s32 $_size__tile_overlayer_lowered;
	s5 =	simm.s32 $_tile_overlayer_lowered  }
0x9b: {  	s22 =	simm.s32 $0x1BFF;
	s21 =	sshll.u32 s5, $0x1;
	s2 =	sadd.s32 s19, s18  }
0x9c: {  	s6 =	simm.s32 $0x0;
	s20 =	sshll.u32 s4, $0x1;
	s4 =	sadd.s32 s21, s2  }
0x9d: {  	[timem:s6], [sflag:s22] =	dma.local [hbm:s4], s20  }
0x9e: {  	_ =	swait.ge [sflag:s22], s20  }
0x9f: {  	s3 =	ssub.s32 $0x0, s20;
	[sflag:s22] =	ssyncset.done $0x0  }
0xa0: {  	[sflag:s22] =	ssyncadd.s32 s3;
	_ =	sdelay $0x1  }
0xa1: {  	s23 =	simm.s32 $0x1B8B  }
0xa2: {  	_ =	swait.ge [sflag:s23], $0x1  }
0xa3: {  	[sflag:s23] =	ssyncset.done $0x0  }
0xa4: {  	s25 =	simm.s32 $0x1B8E;
	s24 =	sld [smem:$0x3FFE];
	[sflag:s23] =	ssyncadd.s32 $0xFFFFFFFF  }
0xa5: {  	s26 =	simm.s32 $execute0_lowered;
	[smem:$0x3FD2] =	sst s25  }
0xa6: {  	s4 =	sshll.u32 s26, $0x1;
	_ =	strace $0x8000004C;
	[dreg:$0x1] =	wrdreg $0xFFFFFFFF  }
0xa7: {  	s28 =	simm.s32 $_size_execute0_lowered;
	s2 =	sadd.s32 s2, s4;
	[dreg:$0x0] =	wrdreg $0x0  }
0xa8: {  	s4 =	sshll.u32 s28, $0x1;
	[dreg:$0x2] =	wrdreg s2  }
0xa9: {  	[dreg:$0x3] =	wrdreg s4  }
0xaa: {  	[dreg:$0x4] =	wrdreg $0xC0  }
0xab: {  	_ =	task [dreg:s6], $0x5FFFF  }
0xac: {  	[dreg:$0x1] =	wrdreg $0xFFFFFFFF  }
0xad: {  	[dreg:$0x0] =	wrdreg $0x60  }
0xae: {  	[dreg:$0x2] =	wrdreg s24  }
0xaf: {  	[dreg:$0x3] =	wrdreg $0xBC000  }
0xb0: {  	[dreg:$0x4] =	wrdreg $0x9  }
0xb1: {  	_ =	task.clear_ibuf [dreg:s6], $0x5FFFF;
	_ =	strace $0x9000004C  }
0xb2: {  	s29 =	simm.s32 $0x9;
	_ =	strace $0x8000004E  }
0xb3: {  	_ =	swait.ge [sflag:s29], $0x1  }
0xb4: {  	[sflag:s29] =	ssyncadd.s32 $0xFFFFFFFF  }
0xb5: {  	_ =	strace $0x9000004E  }
0xb6: {  	_ =	sfence  }
0xb7: {  	s30 =	sld [smem:$0x0];
	_ =	sdelay $0x2  }
0xb8: {  	s31 =	sshll.u32 s1, $0xD;
	s1 =	sshrl.u32 s1, $0x2  }
0xb9: {  	s3 =	sand.u32 $0x4000, s31;
	s1 =	sadd.s32 s1, s30  }
0xba: {  	s0 =	sor.u32 s3, s0;
	s1 =	sshll.u32 s1, $0x11  }
0xbb: {  	s0 =	sor.u32 s1, s0  }
0xbc: {  	s0 =	sadd.s32 $0x8F2B, s0  }
0xbd: {  	[sflag:s0] =	ssyncadd.remote.s32 $0x1  }
0xbe: {  	_ =	sfence.sel $0xFFFF  }
0xbf: {  	[dreg:$0x0] =	wrdreg $0xFFFFFFFF;
	(pc) =	sbr.abs _section_cstart, $3  }
0xc0: {  	[dreg:$0x1] =	wrdreg $0xFFFFFFFF  }
0xc1: {  	_ =	task.clear_ibuf [dreg:s6], $0x2FFFF;
	_ =	strace $0x9FFFFFFF  }
0xc2: {  	(tm) =	ssettm $0x7FFFFFFF  }
0xc3: {  	_ =	shalt  }
tec
execute0_lowered:
.L_overlay_start_1:
0x0: {  	(tag) =	ssettag $0x1  }
0x1: {  	s0 =	srdreg.scid  }
0x2: {  	s6 =	rddreg [dreg:$0x0];
	s1 =	sand.u32 $0x1, s0;
	s0 =	stileid.u32  }
0x3: {  	s2 =	rddreg [dreg:$0x1];
	s10 =	smul.u32 $0x2700, s0  }
0x4: {  	s28 =	simm.s32 $0x2;
	s31 =	simm.s32 $0x0;
	s5 =	smul.u32 $0x4E000, s0  }
0x5: {  	s4 =	sadd.s32 $0x3E200, s6;
	s15 =	sadd.s32 $0x3000, s6;
	s16 =	smul.u32 $0xFFFFFFB0, s0  }
0x6: {  	s17 =	sadd.s32 $0x65400, s6;
	s30 =	sadd.s32 $0x3B900, s6;
	s19 =	smul.u32 $0xFFFFFB00, s1  }
0x7: {  	s3 =	sshll.u32 s1, $0x4;
	s7 =	ssub.s32 $0x2, s1;
	s21 =	smul.u32 $0x13800, s0  }
0x8: {  	p3 =	sne.s32 s1, $0x0;
	p5 =	seq.s32 s0, $0xF;
	s8 =	sor.u32 s0, s3  }
0x9: {  	s3 =	simm.s32 $0x0;
	s13 =	sshrl.u32 s7, $0x1;
	p1 =	seq.s32 @p3 s0, $0xF  }
0xa: {  	p4 =	seq.s32 @!p3 s0, $0xF;
	s9 =	smul.u32 $0x500, s8;
	[smem:$0x7FF] =	sst s3  }
0xb: {  	s12 =	sadd.s32 s10, s6;
	s5 =	sshrl.u32 s5, $0x2;
	s18 =	ssub.s32 s7, s13  }
0xc: {  	s7 =	sadd.s32 $0x124800, s2;
	s20 =	smul.u32 $0xFFFFFFB0, s8;
	s10 =	sadd.s32 s4, s10  }
0xd: {  	s8 =	smul.u32 $0x2800, s8;
	p2 =	por !p4, p3;
	_ =	strace $0x8000004D  }
0xe: {  	s5 =	sadd.s32 s5, s2;
	s29 =	sadd.s32 $0x17000, s12;
	[dreg:$0x4] =	wrdreg s30  }
0xf: {  	[dreg:$0x5] =	wrdreg s10;
	s10 =	smul.u32 $0x138800, s1;
	s18 =	smax.u32 s18, $0x1  }
0x10: {  	s11 =	sadd.s32 s9, s6;
	[dreg:$0x3] =	wrdreg s29;
	s6 =	sadd.s32 $0x62B00, s6  }
0x11: {  	p0 =	slt.s32 s20, $0xFFFFF68C;
	s12 =	sadd.s32 s15, s9;
	s8 =	sshrl.u32 s8, $0x3  }
0x12: {  	s9 =	sadd.s32 s16, s19;
	[dreg:$0x6] =	wrdreg s6;
	s11 =	sadd.s32 $0xD000, s11  }
0x13: {  	s20 =	simm.s32 @!p0 $0xFFFFF68C;
	s8 =	sadd.s32 s15, s8;
	s24 =	sadd.s32 s21, s10  }
0x14: {  	p0 =	slt.s32 s9, $0xFFFFF68C;
	s6 =	sshrl.u32 s10, $0x3;
	s21 =	simm.s32 $0x4  }
0x15: {  	s22 =	smin.u32 s20, $0xFFFFF664;
	s23 =	smax.u32 s20, $0xFFFFF664;
	s15 =	sadd.s32 $0x280, s8  }
0x16: {  	s25 =	sshrl.u32 s24, $0x3;
	s9 =	simm.s32 @!p0 $0xFFFFF68C;
	s6 =	sadd.s32 s17, s6  }
0x17: {  	p0 =	por !p1, !p3;
	p1 =	por p1, !p3;
	p3 =	por p4, p3  }
0x18: {  	s24 =	simm.s32 $0x3C00;
	p4 =	slt.u32 s20, $0xFFFFF665;
	s26 =	smax.u32 s9, $0xFFFFF664  }
0x19: {  	s13 =	sadd.s32 $0x9C4, s22;
	s14 =	sadd.s32 $0x99C, s23;
	s8 =	sadd.s32 $0x99C, s26  }
0x1a: {  	s16 =	sadd.s32 s17, s25;
	s9 =	smin.u32 s9, $0xFFFFF664;
	s8 =	sshrl.u32 s8, $0x1  }
.Ltmp0:
0x1b: {  	s17 =	sadd.s32 $0x24900, s6;
	s30 =	smax.u32 s8, $0x1;
	(pc) =	sbr.rel .LBB2_1-.Ltmp0, $4  }
0x1c: {  	s22 =	simm.s32 $0x2800;
	s23 =	simm.s32 $0x80;
	s1 =	ssub.s32 $0x0, s30  }
0x1d: {  	s29 =	sadd.s32 $0x9C4, s9;
	[dreg:$0x7] =	wrdreg s1;
	s1 =	simm.s32 @!p4 $0x0  }
0x1e: {  	s25 =	simm.s32 $0x7C00;
	s6 =	sshrl.u32 s29, $0x1;
	s1 =	simm.s32 @p4 $0x1  }
0x1f: {  	s26 =	simm.s32 $0x1;
	s19 =	ssub.s32 $0x0, s6;
	[smem:$0x7FD] =	sst s1  }
.LBB2_7:
0x20: {  	[tilespmem:s22], [sflag:$0x4] =	stream.linear.gather [hbm4b:s15+s3], $0x1400, $0x38;
	[tilespmem:$0x1F480] =	vst v63  }
0x21: {  	_ =	swait.ge [sflag:s21], $0x1400  }
0x22: {  	[sflag:s21] =	ssyncset.done $0x0  }
0x23: {  	[sflag:s21] =	ssyncadd.s32 $0xFFFFEC00  }
.LBB2_8:
0x24: {  	[bflag:$0x0] =	sbarrier.arrive $0xFFFF;
	s1 =	sshrl.u32 @p5 s7, $0x3;
	s6 =	simm.s32 @p5 $0x1FC4  }
0x25: {  	[hbm:s17], [sflag:s6] =	dma.local @p5 [spmem:s1], $0x2800  }
0x26: {  	s1 =	simm.s32 @p5 $0x4  }
0x27: {  	s31 =	sadd.s32 $0x1, s31;
	_ =	swait.ge @p5 [sflag:s1], $0x2800  }
0x28: {  	s6 =	sshll.u32 @!p5 s0, $0x6;
	p4 =	sne.s32 s31, s18;
	[sflag:s1] =	ssyncset.done @p5 $0x0  }
0x29: {  	[sflag:s1] =	ssyncadd.s32 @p5 $0xFFFFD800;
	s1 =	sor.u32 @!p5 $0x1C04, s6;
	s6 =	sshrl.u32 @!p5 s5, $0x3  }
0x2a: {  	[hbm:s16], [sflag:s1] =	dma.local @!p5 [spmem:s6], $0x2700  }
.Ltmp1:
0x2b: {  	_ = 	snop;
	(pc) =	sbr.rel @!p4 .LBB2_9-.Ltmp1, $4  }
0x2c: {  	s1 =	simm.s32 @!p5 $0x4  }
0x2d: {  	_ =	swait.ge @!p5 [sflag:s1], $0x2700  }
0x2e: {  	[sflag:s1] =	ssyncset.done @!p5 $0x0  }
0x2f: {  	[sflag:s1] =	ssyncadd.s32 @!p5 $0xFFFFD900  }
.LBB2_1:
0x30: {  	s1 =	sshrl.u32 @!p0 s7, $0x3;
	s6 =	simm.s32 @!p0 $0x1FC3;
	s8 =	rddreg [dreg:$0x4]  }
0x31: {  	[spmem:s1], [sflag:s6] =	dma.local @!p0 [hbm:s8], $0x2800  }
0x32: {  	s1 =	sshll.u32 @!p1 s0, $0x6  }
0x33: {  	s6 =	sshrl.u32 @!p1 s5, $0x3;
	s1 =	sor.u32 @!p1 $0x1C03, s1;
	s8 =	rddreg [dreg:$0x3]  }
0x34: {  	[spmem:s6], [sflag:s1] =	dma.local @!p1 [hbm:s8], $0x2700  }
0x35: {  	s1 =	sshrl.u32 @!p2 s7, $0x3;
	s6 =	simm.s32 @!p2 $0x1FC3;
	s8 =	rddreg [dreg:$0x6]  }
0x36: {  	[spmem:s1], [sflag:s6] =	dma.local @!p2 [hbm:s8], $0x2800  }
0x37: {  	s1 =	sshll.u32 @!p3 s0, $0x6  }
0x38: {  	s6 =	sshrl.u32 @!p3 s5, $0x3;
	s1 =	sor.u32 @!p3 $0x1C03, s1;
	s8 =	rddreg [dreg:$0x5]  }
0x39: {  	[spmem:s6], [sflag:s1] =	dma.local @!p3 [hbm:s8], $0x2700  }
0x3a: {  	[tilespmem:s3], [sflag:$0x4] =	stream.linear.gather [hbm4b:s11+s3], $0x2800, $0x38;
	[tilespmem:$0x1F480] =	vst v63  }
0x3b: {  	_ =	swait.ge [sflag:s21], $0x2800  }
0x3c: {  	[sflag:s21] =	ssyncset.done $0x0  }
0x3d: {  	[sflag:s21] =	ssyncadd.s32 $0xFFFFD800  }
0x3e: {  	[tilespmem:s22], [sflag:$0x4] =	stream.linear.gather [hbm4b:s12+s3], $0x1400, $0x38;
	[tilespmem:$0x1F480] =	vst v63  }
0x3f: {  	_ =	swait.ge [sflag:s21], $0x1400  }
0x40: {  	[sflag:s21] =	ssyncset.done $0x0  }
0x41: {  	[sflag:s21] =	ssyncadd.s32 $0xFFFFEC00  }
0x42: {  	[tilespmem:s24], [sflag:$0x1] =	stream.indirect.gather [hbm4b:s4+s23], $0x80, s3, s23, $0xb8;
	[tilespmem:$0x1F480] =	vst v63  }
0x43: {  	s1 =	simm.s32 @!p0 $0x3  }
0x44: {  	[tilespmem:s25], [sflag:$0x2] =	stream.indirect.gather [hbm4b:s4+s23], $0x80, s23, s23, $0xb8;
	[tilespmem:$0x1F480] =	vst v63  }
0x45: {  	_ =	swait.ge @!p0 [sflag:s1], $0x2800  }
0x46: {  	[sflag:s1] =	ssyncset.done @!p0 $0x0  }
0x47: {  	[sflag:s1] =	ssyncadd.s32 @!p0 $0xFFFFD800;
	s1 =	simm.s32 @!p1 $0x3  }
0x48: {  	_ =	swait.ge @!p1 [sflag:s1], $0x2700  }
0x49: {  	[sflag:s1] =	ssyncset.done @!p1 $0x0  }
0x4a: {  	[sflag:s1] =	ssyncadd.s32 @!p1 $0xFFFFD900;
	s1 =	simm.s32 @!p2 $0x3  }
0x4b: {  	_ =	swait.ge @!p2 [sflag:s1], $0x2800  }
0x4c: {  	[sflag:s1] =	ssyncset.done @!p2 $0x0  }
0x4d: {  	[sflag:s1] =	ssyncadd.s32 @!p2 $0xFFFFD800;
	s1 =	simm.s32 @!p3 $0x3  }
0x4e: {  	_ =	swait.ge @!p3 [sflag:s1], $0x2700  }
0x4f: {  	[sflag:s1] =	ssyncset.done @!p3 $0x0  }
0x50: {  	[sflag:s1] =	ssyncadd.s32 @!p3 $0xFFFFD900  }
0x51: {  	[bflag:$0x0] =	sbarrier.arrive $0xFFFF  }
0x52: {  	_ =	swait.ge [sflag:s26], $0x4000  }
0x53: {  	[sflag:s26] =	ssyncset.done $0x0  }
0x54: {  	s10 =	simm.s32 $0x2800;
	[sflag:s26] =	ssyncadd.s32 $0xFFFFC000  }
0x55: {  	[spmem:s2] =	stream.indirect.scatter.add.f32 [tilespmem:s24], [sflag:$0x4], $0x80, s10, s23, $0xb8;
	[tilespmem:$0x1F480] =	vst v63  }
0x56: {  	p4 =	sle.u32 s13, $0x2;
	_ =	swait.ge [sflag:s21], $0x4000  }
0x57: {  	s6 =	simm.s32 @!p4 $0x80;
	[sflag:s21] =	ssyncset.done $0x0  }
0x58: {  	s8 =	simm.s32 @!p4 $0x3C00;
	s1 =	simm.s32 $0x100;
	[sflag:s21] =	ssyncadd.s32 $0xFFFFC000  }
0x59: {  	[tilespmem:s8], [sflag:$0x1] =	stream.indirect.gather @!p4 [hbm4b:s4+s6], $0x80, s1, s6, $0xb8;
	[tilespmem:$0x1F480] =	vst v63  }
0x5a: {  	s1 =	sadd.s32 $0x1, s19  }
0x5b: {  	_ =	swait.ge [sflag:s28], $0x4000;
	p6 =	seq.s32 s1, $0x0  }
.Ltmp2:
0x5c: {  	s20 =	simm.s32 $0x2880;
	[sflag:s28] =	ssyncset.done $0x0;
	(pc) =	sbr.rel @p6 .LBB2_3-.Ltmp2, $4  }
0x5d: {  	s29 =	simm.s32 $0x4;
	p4 =	sle.u32 s13, $0x3;
	[sflag:s28] =	ssyncadd.s32 $0xFFFFC000  }
0x5e: {  	[spmem:s2] =	stream.indirect.scatter.add.f32 [tilespmem:s25], [sflag:$0x4], $0x80, s20, s23, $0xb8;
	[tilespmem:$0x1F480] =	vst v63  }
0x5f: {  	s30 =	simm.s32 $0x200;
	s6 =	simm.s32 @!p4 $0x180;
	_ =	swait.ge [sflag:s21], $0x4000  }
0x60: {  	s8 =	simm.s32 @!p4 $0x80;
	s20 =	simm.s32 $0x2980;
	[sflag:s21] =	ssyncset.done $0x0  }
.LBB2_2:
0x61: {  	s1 =	sadd.s32 $0x1, s1;
	[sflag:s21] =	ssyncadd.s32 $0xFFFFC000;
	s9 =	simm.s32 @!p4 $0x7C00  }
0x62: {  	[tilespmem:s9], [sflag:$0x2] =	stream.indirect.gather @!p4 [hbm4b:s4+s8], $0x80, s6, s8, $0xb8;
	[tilespmem:$0x1F480] =	vst v63  }
0x63: {  	p6 =	seq.s32 s1, $0x0;
	s6 =	smov.u32 s29;
	_ =	swait.ge [sflag:s26], $0x4000  }
0x64: {  	s8 =	sadd.s32 $0xFFFFFF80, s20;
	s9 =	smov.u32 s30;
	[sflag:s26] =	ssyncset.done $0x0  }
0x65: {  	[sflag:s26] =	ssyncadd.s32 $0xFFFFC000  }
0x66: {  	[spmem:s2] =	stream.indirect.scatter.add.f32 [tilespmem:s24], [sflag:$0x4], $0x80, s8, s23, $0xb8;
	[tilespmem:$0x1F480] =	vst v63  }
0x67: {  	p4 =	sge.u32 s29, s13;
	_ =	swait.ge [sflag:s21], $0x4000  }
0x68: {  	s10 =	simm.s32 @!p4 $0x3C00;
	s8 =	simm.s32 @!p4 $0x80;
	[sflag:s21] =	ssyncset.done $0x0  }
0x69: {  	[sflag:s21] =	ssyncadd.s32 $0xFFFFC000  }
0x6a: {  	[tilespmem:s10], [sflag:$0x1] =	stream.indirect.gather @!p4 [hbm4b:s4+s8], $0x80, s30, s8, $0xb8;
	[tilespmem:$0x1F480] =	vst v63  }
0x6b: {  	_ =	swait.ge [sflag:s28], $0x4000  }
.Ltmp3:
0x6c: {  	s29 =	sadd.s32 $0x2, s29;
	[sflag:s28] =	ssyncset.done $0x0;
	(pc) =	sbr.rel @!p6 .LBB2_2-.Ltmp3, $4  }
0x6d: {  	s6 =	sadd.s32 $0x1, s6;
	s30 =	sadd.s32 $0x100, s30;
	[sflag:s28] =	ssyncadd.s32 $0xFFFFC000  }
0x6e: {  	[spmem:s2] =	stream.indirect.scatter.add.f32 [tilespmem:s25], [sflag:$0x4], $0x80, s20, s23, $0xb8;
	[tilespmem:$0x1F480] =	vst v63  }
0x6f: {  	p4 =	sge.u32 s6, s13;
	s20 =	sadd.s32 $0x100, s20;
	_ =	swait.ge [sflag:s21], $0x4000  }
0x70: {  	s6 =	sadd.s32 @!p4 $0x80, s9;
	s8 =	simm.s32 @!p4 $0x80;
	[sflag:s21] =	ssyncset.done $0x0  }
.LBB2_3:
0x71: {  	s30 =	sld [smem:$0x7FD]  }
0x72: {  	[sflag:s21] =	ssyncadd.s32 $0xFFFFC000;
	s1 =	simm.s32 @!p4 $0x7C00  }
0x73: {  	[tilespmem:s1], [sflag:$0x2] =	stream.indirect.gather @!p4 [hbm4b:s4+s8], $0x80, s6, s8, $0xb8;
	[tilespmem:$0x1F480] =	vst v63  }
0x74: {  	p4 =	seq.s32 s30, $0x1  }
.Ltmp4:
0x75: {  	_ = 	snop;
	(pc) =	sbr.rel @p4 .LBB2_7-.Ltmp4, $1  }
0x76: {  	_ =	sdelay $0x3  }
0x77: {  	s1 =	simm.s32 $0x1400  }
0x78: {  	[tilespmem:s24], [sflag:$0x1] =	stream.indirect.gather [hbm4b:s4+s23], $0x80, s1, s23, $0xb8;
	[tilespmem:$0x1F480] =	vst v63  }
0x79: {  	s8 =	simm.s32 $0x1480  }
0x7a: {  	[tilespmem:s25], [sflag:$0x2] =	stream.indirect.gather [hbm4b:s4+s23], $0x80, s8, s23, $0xb8;
	[tilespmem:$0x1F480] =	vst v63  }
0x7b: {  	_ = 	snop  }
0x7c: {  	[tilespmem:s22], [sflag:$0x4] =	stream.linear.gather [hbm4b:s15+s3], $0x1400, $0x38;
	[tilespmem:$0x1F480] =	vst v63  }
0x7d: {  	_ =	swait.ge [sflag:s21], $0x1400  }
0x7e: {  	[sflag:s21] =	ssyncset.done $0x0  }
0x7f: {  	[sflag:s21] =	ssyncadd.s32 $0xFFFFEC00  }
0x80: {  	_ =	swait.ge [sflag:s26], $0x4000  }
0x81: {  	[sflag:s26] =	ssyncset.done $0x0  }
0x82: {  	s9 =	simm.s32 $0x2800;
	[sflag:s26] =	ssyncadd.s32 $0xFFFFC000  }
0x83: {  	[spmem:s2] =	stream.indirect.scatter.add.f32 [tilespmem:s24], [sflag:$0x4], $0x80, s9, s23, $0xb8;
	[tilespmem:$0x1F480] =	vst v63  }
0x84: {  	p4 =	sle.u32 s14, $0x2;
	_ =	swait.ge [sflag:s21], $0x4000  }
0x85: {  	s1 =	simm.s32 @!p4 $0x1500;
	[sflag:s21] =	ssyncset.done $0x0  }
0x86: {  	s6 =	simm.s32 @!p4 $0x80;
	s8 =	simm.s32 @!p4 $0x3C00;
	[sflag:s21] =	ssyncadd.s32 $0xFFFFC000  }
0x87: {  	[tilespmem:s8], [sflag:$0x1] =	stream.indirect.gather @!p4 [hbm4b:s4+s6], $0x80, s1, s6, $0xb8;
	[tilespmem:$0x1F480] =	vst v63  }
0x88: {  	_ =	swait.ge [sflag:s28], $0x4000  }
0x89: {  	s20 =	rddreg [dreg:$0x7]  }
0x8a: {  	s29 =	sadd.s32 $0x1, s20  }
0x8b: {  	s10 =	simm.s32 $0x2880;
	p6 =	seq.s32 s29, $0x0  }
.Ltmp5:
0x8c: {  	s30 =	simm.s32 $0x4;
	[sflag:s28] =	ssyncset.done $0x0;
	(pc) =	sbr.rel @p6 .LBB2_6-.Ltmp5, $4  }
0x8d: {  	s1 =	simm.s32 $0x1580;
	p4 =	sle.u32 s14, $0x3;
	[sflag:s28] =	ssyncadd.s32 $0xFFFFC000  }
0x8e: {  	[spmem:s2] =	stream.indirect.scatter.add.f32 [tilespmem:s25], [sflag:$0x4], $0x80, s10, s23, $0xb8;
	[tilespmem:$0x1F480] =	vst v63  }
0x8f: {  	s6 =	simm.s32 $0x1580;
	s8 =	simm.s32 @!p4 $0x80;
	_ =	swait.ge [sflag:s21], $0x4000  }
0x90: {  	s9 =	simm.s32 @!p4 $0x7C00;
	s20 =	simm.s32 $0x2980;
	[sflag:s21] =	ssyncset.done $0x0  }
.LBB2_5:
0x91: {  	s29 =	sadd.s32 $0x1, s29;
	[sflag:s21] =	ssyncadd.s32 $0xFFFFC000;
	s6 =	sadd.s32 $0x100, s6  }
0x92: {  	[tilespmem:s9], [sflag:$0x2] =	stream.indirect.gather @!p4 [hbm4b:s4+s8], $0x80, s1, s8, $0xb8;
	[tilespmem:$0x1F480] =	vst v63  }
0x93: {  	p6 =	seq.s32 s29, $0x0;
	s1 =	smov.u32 s6;
	_ =	swait.ge [sflag:s26], $0x4000  }
0x94: {  	s8 =	sadd.s32 $0xFFFFFF80, s20;
	[sflag:s26] =	ssyncset.done $0x0  }
0x95: {  	[sflag:s26] =	ssyncadd.s32 $0xFFFFC000  }
0x96: {  	[spmem:s2] =	stream.indirect.scatter.add.f32 [tilespmem:s24], [sflag:$0x4], $0x80, s8, s23, $0xb8;
	[tilespmem:$0x1F480] =	vst v63  }
0x97: {  	p4 =	sge.u32 s30, s14;
	_ =	swait.ge [sflag:s21], $0x4000  }
0x98: {  	s9 =	simm.s32 @!p4 $0x80;
	s8 =	sadd.s32 @!p4 $0xFFFFFF80, s6;
	[sflag:s21] =	ssyncset.done $0x0  }
0x99: {  	s10 =	simm.s32 @!p4 $0x3C00;
	[sflag:s21] =	ssyncadd.s32 $0xFFFFC000  }
0x9a: {  	[tilespmem:s10], [sflag:$0x1] =	stream.indirect.gather @!p4 [hbm4b:s4+s9], $0x80, s8, s9, $0xb8;
	[tilespmem:$0x1F480] =	vst v63  }
0x9b: {  	_ =	swait.ge [sflag:s28], $0x4000  }
.Ltmp6:
0x9c: {  	[sflag:s28] =	ssyncset.done $0x0;
	(pc) =	sbr.rel @!p6 .LBB2_5-.Ltmp6, $4  }
0x9d: {  	s8 =	sadd.s32 $0x1, s30;
	s30 =	sadd.s32 $0x2, s30;
	[sflag:s28] =	ssyncadd.s32 $0xFFFFC000  }
0x9e: {  	[spmem:s2] =	stream.indirect.scatter.add.f32 [tilespmem:s25], [sflag:$0x4], $0x80, s20, s23, $0xb8;
	[tilespmem:$0x1F480] =	vst v63  }
0x9f: {  	p4 =	sge.u32 s8, s14;
	s20 =	sadd.s32 $0x100, s20;
	_ =	swait.ge [sflag:s21], $0x4000  }
0xa0: {  	s8 =	simm.s32 @!p4 $0x80;
	s9 =	simm.s32 @!p4 $0x7C00;
	[sflag:s21] =	ssyncset.done $0x0  }
.LBB2_6:
.Ltmp7:
0xa1: {  	(pc) =	sbr.rel .LBB2_8-.Ltmp7, $3  }
0xa2: {  	_ =	sdelay $0x1  }
0xa3: {  	[sflag:s21] =	ssyncadd.s32 $0xFFFFC000  }
0xa4: {  	[tilespmem:s9], [sflag:$0x2] =	stream.indirect.gather @!p4 [hbm4b:s4+s8], $0x80, s1, s8, $0xb8;
	[tilespmem:$0x1F480] =	vst v63  }
.LBB2_9:
0xa5: {  	_ =	sfence.sel $0x180000  }
0xa6: {  	[bflag:$0x0] =	sbarrier.arrive $0xFFFF  }
0xa7: {  	_ =	strace $0x9000004D  }
0xa8: {  	[bflag:$0x2] =	sbarrier.arrive $0xFFFF  }
0xa9: {  	p0 =	sne.s32 s0, $0x0;
	s0 =	rddreg [dreg:$0x2]  }
0xaa: {  	s0 =	sadd.s32 @!p0 $0x100000, s0  }
0xab: {  	[sflag:s0] =	ssyncadd.tile.s32 @!p0 $0x1;
	_ =	shalt  }
.Lfunc_end2:
_tile_overlayer_lowered:
.L_overlay_start_2:
0xac: {  	(tag) =	ssettag $0x2  }
0xad: {  	s0 =	rddreg [dreg:$0x0];
	s2 =	stileid.u32  }
0xae: {  	s1 =	rddreg [dreg:$0x1];
	p0 =	sne.s32 s2, $0x0  }
0xaf: {  	s3 =	rddreg [dreg:$0x2];
	[bflag:$0x3] =	sbarrier.arrive $0xFFFF;
	s2 =	simm.s32 @!p0 $0x1C04  }
0xb0: {  	[timem:s3], [sflag:s2] =	dma.local @!p0 [hbm:s0], s1  }
0xb1: {  	s0 =	simm.s32 @!p0 $0x4  }
0xb2: {  	_ =	swait.ge @!p0 [sflag:s0], s1  }
0xb3: {  	s1 =	ssub.s32 @!p0 $0x0, s1;
	[sflag:s0] =	ssyncset.done @!p0 $0x0  }
0xb4: {  	[sflag:s0] =	ssyncadd.s32 @!p0 s1  }
0xb5: {  	[bflag:$0x3] =	sbarrier.arrive $0xFFFF  }
0xb6: {  	_ =	shalt  }

// kernel: kernel.8.cloned.1.call-start
scs
__scs_entry_jumppad:
0x0: {  	(pc) =	sbr.rel $0x88, $3  }
0x1: {  	(tag) =	ssettag $0x0;
	lr =	simm.s32 $0x1  }
0x2: {  	[smem:$0x3F8E] =	sst lr;
	_ =	strace $0xD0000000  }
0x3: {  	_ = 	snop  }
0x4: {  	_ = 	snop  }
0x5: {  	_ = 	snop  }
0x6: {  	_ = 	snop  }
0x7: {  	_ = 	snop  }
__scs_overlays_trampoline_lowered:
0x8: {  	[smem:$0x3F9D] =	sst s0  }
0x9: {  	[smem:$0x3F9E] =	sst s1  }
0xa: {  	[smem:$0x3F9F] =	sst s2  }
0xb: {  	[smem:$0x3FA0] =	sst s3  }
0xc: {  	[smem:$0x3FA1] =	sst s4  }
0xd: {  	[smem:$0x3FA2] =	sst s5  }
0xe: {  	[smem:$0x3FA3] =	sst s6  }
0xf: {  	[smem:$0x3FA4] =	sst s7  }
0x10: {  	[smem:$0x3FA5] =	sst s8  }
0x11: {  	[smem:$0x3FA6] =	sst s9;
	s0 =	simm.s32 @!p0 $0x0  }
0x12: {  	s1 =	sld [smem:$0x3F8C];
	s0 =	simm.s32 @p0 $0x1  }
0x13: {  	[smem:$0x3FA7] =	sst s0;
	s0 =	simm.s32 @!p1 $0x0  }
0x14: {  	s2 =	sld [smem:$0x3F8B];
	s0 =	simm.s32 @p1 $0x1  }
0x15: {  	[smem:$0x3FA8] =	sst s0;
	s0 =	simm.s32 @!p2 $0x0  }
0x16: {  	s3 =	sld [smem:$0x3FDB];
	s0 =	simm.s32 @p2 $0x1  }
0x17: {  	s4 =	simm.s32 $0x1BF5;
	[smem:$0x3FAA] =	sst s0  }
0x18: {  	s0 =	sld [smem:$0x3F8D];
	_ =	swait.ge [sflag:s4], $0x0  }
0x19: {  	s7 =	sld [smem:$0x3F8E]  }
0x1a: {  	s8 =	sadd.s32 $0xFFFFE003, lr  }
0x1b: {  	s9 =	sadd.s32 $0xFFFFFEF7, lr;
	s5 =	simm.s32 $0xFFFFFFFF;
	p2 =	slt.u32 s8, $0xFFFFF086  }
0x1c: {  	p1 =	slt.u32 s9, $0xF7A;
	s5 =	simm.s32 @!p2 $0x0  }
0x1d: {  	s5 =	simm.s32 @p1 $0x1;
	p0 =	seq.s32 s7, s2  }
0x1e: {  	s7 =	smul.u32 @!p0 $0xF7A, s2;
	p2 =	seq.s32 @!p0 s5, $0x0  }
0x1f: {  	s9 =	smul.u32 $0xF7A, s1;
	s8 =	simm.s32 @!p0 $0x1BF5;
	p2 =	por !p2, p0  }
0x20: {  	[sflag:s8] =	ssyncset.s32 @!p0 $0xFFFFF086;
	s6 =	sadd.s32 @!p0 s3, s7;
	s7 =	simm.s32 @!p0 $0x108  }
0x21: {  	s3 =	sadd.s32 s3, s9;
	s6 =	sadd.s32 @!p0 $0x88, s6;
	s7 =	simm.s32 @p2 $0x1082  }
0x22: {  	[simem:s7], [sflag:s8] =	dma.local @!p0 [hbm:s6], $0xF7A  }
0x23: {  	s9 =	sor.u32 $0xD0000000, s2;
	s6 =	simm.s32 $0x108;
	_ =	swait.ge @!p0 [sflag:s8], $0x0  }
0x24: {  	s3 =	sadd.s32 $0x88, s3;
	s6 =	simm.s32 @!p1 $0x1082;
	[sflag:s4] =	ssyncset.s32 $0xFFFFF086  }
0x25: {  	[simem:s6], [sflag:s4] =	dma.local [hbm:s3], $0xF7A  }
0x26: {  	[smem:$0x3F8E] =	sst s1;
	(tag) =	ssettag s2;
	_ =	strace s9  }
0x27: {  	s1 =	sld [smem:$0x3F9E]  }
0x28: {  	s2 =	sld [smem:$0x3F9F]  }
0x29: {  	s4 =	sld [smem:$0x3FA1]  }
0x2a: {  	p0 =	seq.s32 s5, $0x0;
	s5 =	sld [smem:$0x3FA2]  }
0x2b: {  	s6 =	sld [smem:$0x3FA3]  }
0x2c: {  	s7 =	sld [smem:$0x3FA4]  }
0x2d: {  	s3 =	simm.s32 $0x108;
	s8 =	sld [smem:$0x3FA5]  }
0x2e: {  	s3 =	simm.s32 @!p0 $0x1082;
	s9 =	sld [smem:$0x3FA6]  }
0x2f: {  	lr =	sadd.s32 s0, s3;
	s0 =	sld [smem:$0x3F9D]  }
0x30: {  	s3 =	sld [smem:$0x3FA0]  }
0x31: {  	[smem:$0x3FA9] =	sst s10  }
0x32: {  	s10 =	sld [smem:$0x3FA7];
	_ =	sdelay $0x3  }
0x33: {  	p0 =	seq.s32 s10, $0x1;
	s10 =	sld [smem:$0x3FA9];
	_ =	sdelay $0x3  }
0x34: {  	[smem:$0x3FA9] =	sst s10  }
0x35: {  	s10 =	sld [smem:$0x3FA8];
	_ =	sdelay $0x3  }
0x36: {  	p1 =	seq.s32 s10, $0x1;
	s10 =	sld [smem:$0x3FA9];
	_ =	sdelay $0x3  }
0x37: {  	[smem:$0x3FA9] =	sst s10  }
0x38: {  	s10 =	sld [smem:$0x3FAA]  }
0x39: {  	_ = 	snop;
	(pc) =	sbr.ind lr, $3  }
0x3a: {  	_ = 	snop  }
0x3b: {  	_ = 	snop  }
0x3c: {  	p2 =	seq.s32 s10, $0x1;
	s10 =	sld [smem:$0x3FA9]  }
0x3d: {  	_ =	shalt  }
0x3e: {  	_ =	shalt  }
0x3f: {  	_ =	shalt  }
0x40: {  	_ =	shalt  }
0x41: {  	_ =	shalt  }
0x42: {  	_ =	shalt  }
0x43: {  	_ =	shalt  }
0x44: {  	_ =	shalt  }
0x45: {  	_ =	shalt  }
0x46: {  	_ =	shalt  }
0x47: {  	_ =	shalt  }
0x48: {  	_ =	shalt  }
0x49: {  	_ =	shalt  }
0x4a: {  	_ =	shalt  }
0x4b: {  	_ =	shalt  }
0x4c: {  	_ =	shalt  }
0x4d: {  	_ =	shalt  }
0x4e: {  	_ =	shalt  }
0x4f: {  	_ =	shalt  }
0x50: {  	_ =	shalt  }
0x51: {  	_ =	shalt  }
0x52: {  	_ =	shalt  }
0x53: {  	_ =	shalt  }
0x54: {  	_ =	shalt  }
0x55: {  	_ =	shalt  }
0x56: {  	_ =	shalt  }
0x57: {  	_ =	shalt  }
0x58: {  	_ =	shalt  }
0x59: {  	_ =	shalt  }
0x5a: {  	_ =	shalt  }
0x5b: {  	_ =	shalt  }
0x5c: {  	_ =	shalt  }
0x5d: {  	_ =	shalt  }
0x5e: {  	_ =	shalt  }
0x5f: {  	_ =	shalt  }
0x60: {  	_ =	shalt  }
0x61: {  	_ =	shalt  }
0x62: {  	_ =	shalt  }
0x63: {  	_ =	shalt  }
0x64: {  	_ =	shalt  }
0x65: {  	_ =	shalt  }
0x66: {  	_ =	shalt  }
0x67: {  	_ =	shalt  }
0x68: {  	_ =	shalt  }
0x69: {  	_ =	shalt  }
0x6a: {  	_ =	shalt  }
0x6b: {  	_ =	shalt  }
0x6c: {  	_ =	shalt  }
0x6d: {  	_ =	shalt  }
0x6e: {  	_ =	shalt  }
0x6f: {  	_ =	shalt  }
0x70: {  	_ =	shalt  }
0x71: {  	_ =	shalt  }
0x72: {  	_ =	shalt  }
0x73: {  	_ =	shalt  }
0x74: {  	_ =	shalt  }
0x75: {  	_ =	shalt  }
0x76: {  	_ =	shalt  }
0x77: {  	_ =	shalt  }
0x78: {  	_ =	shalt  }
0x79: {  	_ =	shalt  }
0x7a: {  	_ =	shalt  }
0x7b: {  	_ =	shalt  }
0x7c: {  	_ =	shalt  }
0x7d: {  	_ =	shalt  }
0x7e: {  	_ =	shalt  }
0x7f: {  	_ =	shalt  }
0x80: {  	_ =	shalt  }
0x81: {  	_ =	shalt  }
0x82: {  	_ =	shalt  }
0x83: {  	_ =	shalt  }
0x84: {  	_ =	shalt  }
0x85: {  	_ =	shalt  }
0x86: {  	_ =	shalt  }
0x87: {  	_ =	shalt  }
.Lfunc_end0:
.L_simem_size_0:
called_computation_lowered:
.L_overlay_start_0:
0x88: {  	s2 =	sld [smem:$0x3FD9]  }
0x89: {  	s3 =	sld [smem:$0x3FFE];
	_ =	sdelay $0x1  }
0x8a: {  	s1 =	srdreg.scid  }
0x8b: {  	s0 =	sand.u32 $0x1, s1  }
0x8c: {  	s17 =	sshll.u32 s0, $0xA;
	s2 =	sadd.s32 s3, s2  }
0x8d: {  	s2 =	sadd.s32 s2, s17  }
0x8e: {  	[smem:$0x3FB5] =	sst s2  }
0x8f: {  	_ = 	snop  }
0x90: {  	s2 =	sld [smem:$0x3FC9];
	(tm) =	ssettm $0x1  }
0x91: {  	s18 =	sld [smem:$0x3FFB];
	_ =	sdelay $0x3  }
0x92: {  	_ =	strace s18  }
0x93: {  	s3 =	sld [smem:$0x3FFC];
	_ =	sdelay $0x3  }
0x94: {  	_ =	strace s3  }
0x95: {  	s3 =	sld [smem:$0x3FFD];
	_ =	sdelay $0x3  }
0x96: {  	_ =	strace s3  }
0x97: {  	_ =	strace $0x8FFFFFFF  }
0x98: {  	s19 =	sld [smem:$0x3FDB];
	_ =	sdelay $0x1  }
0x99: {  	s4 =	simm.s32 $_scs_section_size  }
0x9a: {  	s5 =	simm.s32 $_size__tile_overlayer_lowered;
	s6 =	simm.s32 $_tile_overlayer_lowered  }
0x9b: {  	s22 =	simm.s32 $0x1BFF;
	s21 =	sshll.u32 s6, $0x1;
	s3 =	sadd.s32 s4, s19  }
0x9c: {  	s7 =	simm.s32 $0x0;
	s20 =	sshll.u32 s5, $0x1;
	s5 =	sadd.s32 s21, s3  }
0x9d: {  	[timem:s7], [sflag:s22] =	dma.local [hbm:s5], s20  }
0x9e: {  	_ =	swait.ge [sflag:s22], s20  }
0x9f: {  	s4 =	ssub.s32 $0x0, s20;
	[sflag:s22] =	ssyncset.done $0x0  }
0xa0: {  	[sflag:s22] =	ssyncadd.s32 s4;
	_ =	sdelay $0x1  }
0xa1: {  	s23 =	simm.s32 $0x1B8B  }
0xa2: {  	_ =	swait.ge [sflag:s23], $0x1  }
0xa3: {  	[sflag:s23] =	ssyncset.done $0x0  }
0xa4: {  	s25 =	simm.s32 $0x1B8E;
	s24 =	sld [smem:$0x3FFE];
	[sflag:s23] =	ssyncadd.s32 $0xFFFFFFFF  }
0xa5: {  	s26 =	simm.s32 $execute0_lowered;
	[smem:$0x3FD2] =	sst s25  }
0xa6: {  	s5 =	sshll.u32 s26, $0x1;
	_ =	strace $0x80000046;
	[dreg:$0x1] =	wrdreg $0xFFFFFFFF  }
0xa7: {  	s28 =	simm.s32 $_size_execute0_lowered;
	s3 =	sadd.s32 s3, s5;
	[dreg:$0x0] =	wrdreg $0x0  }
0xa8: {  	s5 =	sshll.u32 s28, $0x1;
	[dreg:$0x2] =	wrdreg s3  }
0xa9: {  	[dreg:$0x3] =	wrdreg s5  }
0xaa: {  	[dreg:$0x4] =	wrdreg $0xC0  }
0xab: {  	_ =	task [dreg:s7], $0x5FFFF  }
0xac: {  	[dreg:$0x1] =	wrdreg $0xFFFFFFFF  }
0xad: {  	[dreg:$0x0] =	wrdreg $0x60  }
0xae: {  	[dreg:$0x2] =	wrdreg s2  }
0xaf: {  	[dreg:$0x3] =	wrdreg s24  }
0xb0: {  	[dreg:$0x4] =	wrdreg $0xBC000  }
0xb1: {  	[dreg:$0x5] =	wrdreg $0x9  }
0xb2: {  	_ =	task.clear_ibuf [dreg:s7], $0x6FFFF;
	_ =	strace $0x90000046  }
0xb3: {  	s29 =	simm.s32 $0x9;
	_ =	strace $0x80000048  }
0xb4: {  	_ =	swait.ge [sflag:s29], $0x1  }
0xb5: {  	[sflag:s29] =	ssyncadd.s32 $0xFFFFFFFF  }
0xb6: {  	_ =	strace $0x90000048  }
0xb7: {  	_ =	sfence  }
0xb8: {  	s30 =	sld [smem:$0x0];
	_ =	sdelay $0x2  }
0xb9: {  	s31 =	sshll.u32 s1, $0xD;
	s1 =	sshrl.u32 s1, $0x2  }
0xba: {  	s3 =	sand.u32 $0x4000, s31;
	s1 =	sadd.s32 s1, s30  }
0xbb: {  	s0 =	sor.u32 s3, s0;
	s1 =	sshll.u32 s1, $0x11  }
0xbc: {  	s0 =	sor.u32 s1, s0  }
0xbd: {  	s0 =	sadd.s32 $0x8F2B, s0  }
0xbe: {  	[sflag:s0] =	ssyncadd.remote.s32 $0x1  }
0xbf: {  	_ =	sfence.sel $0xFFFF  }
0xc0: {  	[dreg:$0x0] =	wrdreg $0xFFFFFFFF;
	(pc) =	sbr.abs _section_cstart, $3  }
0xc1: {  	[dreg:$0x1] =	wrdreg $0xFFFFFFFF  }
0xc2: {  	_ =	task.clear_ibuf [dreg:s7], $0x2FFFF;
	_ =	strace $0x9FFFFFFF  }
0xc3: {  	(tm) =	ssettm $0x7FFFFFFF  }
tec
execute0_lowered:
.L_overlay_start_1:
0x0: {  	(tag) =	ssettag $0x1  }
0x1: {  	s1 =	rddreg [dreg:$0x0]  }
0x2: {  	s0 =	srdreg.scid;
	s6 =	rddreg [dreg:$0x1]  }
0x3: {  	s3 =	rddreg [dreg:$0x2];
	s2 =	sand.u32 $0x1, s0;
	s0 =	stileid.u32  }
0x4: {  	s28 =	simm.s32 $0x2;
	s31 =	simm.s32 $0x0;
	s10 =	smul.u32 $0x2700, s0  }
0x5: {  	s15 =	sadd.s32 $0x3000, s6;
	s17 =	sadd.s32 $0x3E200, s6;
	s5 =	smul.u32 $0x4E000, s0  }
0x6: {  	s30 =	sadd.s32 $0x24900, s1;
	s4 =	sshll.u32 s2, $0x4;
	s16 =	smul.u32 $0xFFFFFFB0, s0  }
0x7: {  	s7 =	ssub.s32 $0x2, s2;
	s19 =	smul.u32 $0xFFFFFB00, s2;
	p3 =	sne.s32 s2, $0x0  }
0x8: {  	p5 =	seq.s32 s0, $0xF;
	s8 =	sor.u32 s0, s4;
	s4 =	simm.s32 $0x0  }
0x9: {  	s13 =	sshrl.u32 s7, $0x1;
	p1 =	seq.s32 @p3 s0, $0xF;
	p4 =	seq.s32 @!p3 s0, $0xF  }
0xa: {  	s9 =	smul.u32 $0x500, s8;
	[smem:$0x7FF] =	sst s4;
	s12 =	sadd.s32 s10, s6  }
0xb: {  	s5 =	sshrl.u32 s5, $0x2;
	s18 =	ssub.s32 s7, s13;
	s20 =	smul.u32 $0xFFFFFFB0, s8  }
0xc: {  	s7 =	sadd.s32 $0x124800, s3;
	s26 =	sadd.s32 s1, s10;
	s29 =	smul.u32 $0x2800, s8  }
0xd: {  	s10 =	smul.u32 $0x138800, s2;
	p2 =	por !p4, p3;
	_ =	strace $0x80000047  }
0xe: {  	s5 =	sadd.s32 s5, s3;
	s25 =	sadd.s32 $0x17000, s12;
	[dreg:$0x6] =	wrdreg s26  }
0xf: {  	[dreg:$0x7] =	wrdreg s30;
	s18 =	smax.u32 s18, $0x1;
	s11 =	sadd.s32 s9, s6  }
0x10: {  	[dreg:$0x4] =	wrdreg s25;
	s6 =	sadd.s32 $0x3B900, s6;
	p0 =	slt.s32 s20, $0xFFFFF68C  }
0x11: {  	s12 =	sadd.s32 s15, s9;
	s9 =	sadd.s32 s16, s19;
	s25 =	sshrl.u32 s10, $0x3  }
0x12: {  	[dreg:$0x5] =	wrdreg s6;
	s11 =	sadd.s32 $0xD000, s11;
	s20 =	simm.s32 @!p0 $0xFFFFF68C  }
0x13: {  	s6 =	sshrl.u32 s29, $0x3;
	p0 =	slt.s32 s9, $0xFFFFF68C;
	s21 =	smin.u32 s20, $0xFFFFF664  }
0x14: {  	s22 =	smax.u32 s20, $0xFFFFF664;
	s6 =	sadd.s32 s15, s6;
	s9 =	simm.s32 @!p0 $0xFFFFF68C  }
0x15: {  	p0 =	por !p1, !p3;
	p1 =	por p1, !p3;
	p3 =	por p4, p3  }
0x16: {  	p4 =	slt.u32 s20, $0xFFFFF665;
	s13 =	sadd.s32 $0x9C4, s21;
	s21 =	smul.u32 $0x13800, s0  }
0x17: {  	s14 =	sadd.s32 $0x99C, s22;
	s15 =	sadd.s32 $0x280, s6;
	s26 =	smax.u32 s9, $0xFFFFF664  }
0x18: {  	s6 =	sadd.s32 s17, s25;
	s9 =	smin.u32 s9, $0xFFFFF664;
	s22 =	simm.s32 $0x2800  }
0x19: {  	s25 =	simm.s32 $0x7C00;
	s8 =	sadd.s32 $0x99C, s26;
	s29 =	sadd.s32 $0x9C4, s9  }
0x1a: {  	s26 =	simm.s32 $0x1;
	s23 =	sadd.s32 s21, s10;
	s8 =	sshrl.u32 s8, $0x1  }
.Ltmp0:
0x1b: {  	s21 =	simm.s32 $0x4;
	s30 =	smax.u32 s8, $0x1;
	(pc) =	sbr.rel .LBB2_1-.Ltmp0, $4  }
0x1c: {  	s24 =	sshrl.u32 s23, $0x3;
	s23 =	simm.s32 $0x80;
	s2 =	ssub.s32 $0x0, s30  }
0x1d: {  	s16 =	sadd.s32 s17, s24;
	[dreg:$0x8] =	wrdreg s2;
	s2 =	simm.s32 @!p4 $0x0  }
0x1e: {  	s17 =	sadd.s32 $0x24900, s6;
	s6 =	sshrl.u32 s29, $0x1;
	s2 =	simm.s32 @p4 $0x1  }
0x1f: {  	s24 =	simm.s32 $0x3C00;
	s19 =	ssub.s32 $0x0, s6;
	[smem:$0x7FD] =	sst s2  }
.LBB2_7:
0x20: {  	[tilespmem:s22], [sflag:$0x4] =	stream.linear.gather [hbm4b:s15+s4], $0x1400, $0x38;
	[tilespmem:$0x1F480] =	vst v63  }
0x21: {  	_ =	swait.ge [sflag:s21], $0x1400  }
0x22: {  	[sflag:s21] =	ssyncset.done $0x0  }
0x23: {  	[sflag:s21] =	ssyncadd.s32 $0xFFFFEC00  }
.LBB2_8:
0x24: {  	[bflag:$0x0] =	sbarrier.arrive $0xFFFF;
	s2 =	sshrl.u32 @p5 s7, $0x3;
	s6 =	simm.s32 @p5 $0x1FC4  }
0x25: {  	[hbm:s17], [sflag:s6] =	dma.local @p5 [spmem:s2], $0x2800  }
0x26: {  	s2 =	simm.s32 @p5 $0x4  }
0x27: {  	s31 =	sadd.s32 $0x1, s31;
	_ =	swait.ge @p5 [sflag:s2], $0x2800  }
0x28: {  	s6 =	sshll.u32 @!p5 s0, $0x6;
	p4 =	sne.s32 s31, s18;
	[sflag:s2] =	ssyncset.done @p5 $0x0  }
0x29: {  	[sflag:s2] =	ssyncadd.s32 @p5 $0xFFFFD800;
	s2 =	sor.u32 @!p5 $0x1C04, s6;
	s6 =	sshrl.u32 @!p5 s5, $0x3  }
0x2a: {  	[hbm:s16], [sflag:s2] =	dma.local @!p5 [spmem:s6], $0x2700  }
.Ltmp1:
0x2b: {  	_ = 	snop;
	(pc) =	sbr.rel @!p4 .LBB2_9-.Ltmp1, $4  }
0x2c: {  	s2 =	simm.s32 @!p5 $0x4  }
0x2d: {  	_ =	swait.ge @!p5 [sflag:s2], $0x2700  }
0x2e: {  	[sflag:s2] =	ssyncset.done @!p5 $0x0  }
0x2f: {  	[sflag:s2] =	ssyncadd.s32 @!p5 $0xFFFFD900  }
.LBB2_1:
0x30: {  	s2 =	sshrl.u32 @!p0 s7, $0x3;
	s6 =	simm.s32 @!p0 $0x1FC3;
	s8 =	rddreg [dreg:$0x5]  }
0x31: {  	[spmem:s2], [sflag:s6] =	dma.local @!p0 [hbm:s8], $0x2800  }
0x32: {  	s2 =	sshll.u32 @!p1 s0, $0x6  }
0x33: {  	s6 =	sshrl.u32 @!p1 s5, $0x3;
	s2 =	sor.u32 @!p1 $0x1C03, s2;
	s8 =	rddreg [dreg:$0x4]  }
0x34: {  	[spmem:s6], [sflag:s2] =	dma.local @!p1 [hbm:s8], $0x2700  }
0x35: {  	s2 =	sshrl.u32 @!p2 s7, $0x3;
	s6 =	simm.s32 @!p2 $0x1FC3;
	s8 =	rddreg [dreg:$0x7]  }
0x36: {  	[spmem:s2], [sflag:s6] =	dma.local @!p2 [hbm:s8], $0x2800  }
0x37: {  	s2 =	sshll.u32 @!p3 s0, $0x6  }
0x38: {  	s6 =	sshrl.u32 @!p3 s5, $0x3;
	s2 =	sor.u32 @!p3 $0x1C03, s2;
	s8 =	rddreg [dreg:$0x6]  }
0x39: {  	[spmem:s6], [sflag:s2] =	dma.local @!p3 [hbm:s8], $0x2700  }
0x3a: {  	[tilespmem:s4], [sflag:$0x4] =	stream.linear.gather [hbm4b:s11+s4], $0x2800, $0x38;
	[tilespmem:$0x1F480] =	vst v63  }
0x3b: {  	_ =	swait.ge [sflag:s21], $0x2800  }
0x3c: {  	[sflag:s21] =	ssyncset.done $0x0  }
0x3d: {  	[sflag:s21] =	ssyncadd.s32 $0xFFFFD800  }
0x3e: {  	[tilespmem:s22], [sflag:$0x4] =	stream.linear.gather [hbm4b:s12+s4], $0x1400, $0x38;
	[tilespmem:$0x1F480] =	vst v63  }
0x3f: {  	_ =	swait.ge [sflag:s21], $0x1400  }
0x40: {  	[sflag:s21] =	ssyncset.done $0x0  }
0x41: {  	[sflag:s21] =	ssyncadd.s32 $0xFFFFEC00  }
0x42: {  	[tilespmem:s24], [sflag:$0x1] =	stream.indirect.gather [hbm4b:s1+s23], $0x80, s4, s23, $0xb8;
	[tilespmem:$0x1F480] =	vst v63  }
0x43: {  	s2 =	simm.s32 @!p0 $0x3  }
0x44: {  	[tilespmem:s25], [sflag:$0x2] =	stream.indirect.gather [hbm4b:s1+s23], $0x80, s23, s23, $0xb8;
	[tilespmem:$0x1F480] =	vst v63  }
0x45: {  	_ =	swait.ge @!p0 [sflag:s2], $0x2800  }
0x46: {  	[sflag:s2] =	ssyncset.done @!p0 $0x0  }
0x47: {  	[sflag:s2] =	ssyncadd.s32 @!p0 $0xFFFFD800;
	s2 =	simm.s32 @!p1 $0x3  }
0x48: {  	_ =	swait.ge @!p1 [sflag:s2], $0x2700  }
0x49: {  	[sflag:s2] =	ssyncset.done @!p1 $0x0  }
0x4a: {  	[sflag:s2] =	ssyncadd.s32 @!p1 $0xFFFFD900;
	s2 =	simm.s32 @!p2 $0x3  }
0x4b: {  	_ =	swait.ge @!p2 [sflag:s2], $0x2800  }
0x4c: {  	[sflag:s2] =	ssyncset.done @!p2 $0x0  }
0x4d: {  	[sflag:s2] =	ssyncadd.s32 @!p2 $0xFFFFD800;
	s2 =	simm.s32 @!p3 $0x3  }
0x4e: {  	_ =	swait.ge @!p3 [sflag:s2], $0x2700  }
0x4f: {  	[sflag:s2] =	ssyncset.done @!p3 $0x0  }
0x50: {  	[sflag:s2] =	ssyncadd.s32 @!p3 $0xFFFFD900  }
0x51: {  	[bflag:$0x0] =	sbarrier.arrive $0xFFFF  }
0x52: {  	_ =	swait.ge [sflag:s26], $0x4000  }
0x53: {  	[sflag:s26] =	ssyncset.done $0x0  }
0x54: {  	s10 =	simm.s32 $0x2800;
	[sflag:s26] =	ssyncadd.s32 $0xFFFFC000  }
0x55: {  	[spmem:s3] =	stream.indirect.scatter.add.f32 [tilespmem:s24], [sflag:$0x4], $0x80, s10, s23, $0xb8;
	[tilespmem:$0x1F480] =	vst v63  }
0x56: {  	p4 =	sle.u32 s13, $0x2;
	_ =	swait.ge [sflag:s21], $0x4000  }
0x57: {  	s6 =	simm.s32 @!p4 $0x80;
	[sflag:s21] =	ssyncset.done $0x0  }
0x58: {  	s8 =	simm.s32 @!p4 $0x3C00;
	s2 =	simm.s32 $0x100;
	[sflag:s21] =	ssyncadd.s32 $0xFFFFC000  }
0x59: {  	[tilespmem:s8], [sflag:$0x1] =	stream.indirect.gather @!p4 [hbm4b:s1+s6], $0x80, s2, s6, $0xb8;
	[tilespmem:$0x1F480] =	vst v63  }
0x5a: {  	s2 =	sadd.s32 $0x1, s19  }
0x5b: {  	_ =	swait.ge [sflag:s28], $0x4000;
	p6 =	seq.s32 s2, $0x0  }
.Ltmp2:
0x5c: {  	s20 =	simm.s32 $0x2880;
	[sflag:s28] =	ssyncset.done $0x0;
	(pc) =	sbr.rel @p6 .LBB2_3-.Ltmp2, $4  }
0x5d: {  	s29 =	simm.s32 $0x4;
	p4 =	sle.u32 s13, $0x3;
	[sflag:s28] =	ssyncadd.s32 $0xFFFFC000  }
0x5e: {  	[spmem:s3] =	stream.indirect.scatter.add.f32 [tilespmem:s25], [sflag:$0x4], $0x80, s20, s23, $0xb8;
	[tilespmem:$0x1F480] =	vst v63  }
0x5f: {  	s30 =	simm.s32 $0x200;
	s6 =	simm.s32 @!p4 $0x180;
	_ =	swait.ge [sflag:s21], $0x4000  }
0x60: {  	s8 =	simm.s32 @!p4 $0x80;
	s20 =	simm.s32 $0x2980;
	[sflag:s21] =	ssyncset.done $0x0  }
.LBB2_2:
0x61: {  	s2 =	sadd.s32 $0x1, s2;
	[sflag:s21] =	ssyncadd.s32 $0xFFFFC000;
	s9 =	simm.s32 @!p4 $0x7C00  }
0x62: {  	[tilespmem:s9], [sflag:$0x2] =	stream.indirect.gather @!p4 [hbm4b:s1+s8], $0x80, s6, s8, $0xb8;
	[tilespmem:$0x1F480] =	vst v63  }
0x63: {  	p6 =	seq.s32 s2, $0x0;
	s6 =	smov.u32 s29;
	_ =	swait.ge [sflag:s26], $0x4000  }
0x64: {  	s8 =	sadd.s32 $0xFFFFFF80, s20;
	s9 =	smov.u32 s30;
	[sflag:s26] =	ssyncset.done $0x0  }
0x65: {  	[sflag:s26] =	ssyncadd.s32 $0xFFFFC000  }
0x66: {  	[spmem:s3] =	stream.indirect.scatter.add.f32 [tilespmem:s24], [sflag:$0x4], $0x80, s8, s23, $0xb8;
	[tilespmem:$0x1F480] =	vst v63  }
0x67: {  	p4 =	sge.u32 s29, s13;
	_ =	swait.ge [sflag:s21], $0x4000  }
0x68: {  	s10 =	simm.s32 @!p4 $0x3C00;
	s8 =	simm.s32 @!p4 $0x80;
	[sflag:s21] =	ssyncset.done $0x0  }
0x69: {  	[sflag:s21] =	ssyncadd.s32 $0xFFFFC000  }
0x6a: {  	[tilespmem:s10], [sflag:$0x1] =	stream.indirect.gather @!p4 [hbm4b:s1+s8], $0x80, s30, s8, $0xb8;
	[tilespmem:$0x1F480] =	vst v63  }
0x6b: {  	_ =	swait.ge [sflag:s28], $0x4000  }
.Ltmp3:
0x6c: {  	s29 =	sadd.s32 $0x2, s29;
	[sflag:s28] =	ssyncset.done $0x0;
	(pc) =	sbr.rel @!p6 .LBB2_2-.Ltmp3, $4  }
0x6d: {  	s6 =	sadd.s32 $0x1, s6;
	s30 =	sadd.s32 $0x100, s30;
	[sflag:s28] =	ssyncadd.s32 $0xFFFFC000  }
0x6e: {  	[spmem:s3] =	stream.indirect.scatter.add.f32 [tilespmem:s25], [sflag:$0x4], $0x80, s20, s23, $0xb8;
	[tilespmem:$0x1F480] =	vst v63  }
0x6f: {  	p4 =	sge.u32 s6, s13;
	s20 =	sadd.s32 $0x100, s20;
	_ =	swait.ge [sflag:s21], $0x4000  }
0x70: {  	s6 =	sadd.s32 @!p4 $0x80, s9;
	s8 =	simm.s32 @!p4 $0x80;
	[sflag:s21] =	ssyncset.done $0x0  }
.LBB2_3:
0x71: {  	s30 =	sld [smem:$0x7FD]  }
0x72: {  	[sflag:s21] =	ssyncadd.s32 $0xFFFFC000;
	s2 =	simm.s32 @!p4 $0x7C00  }
0x73: {  	[tilespmem:s2], [sflag:$0x2] =	stream.indirect.gather @!p4 [hbm4b:s1+s8], $0x80, s6, s8, $0xb8;
	[tilespmem:$0x1F480] =	vst v63  }
0x74: {  	p4 =	seq.s32 s30, $0x1  }
.Ltmp4:
0x75: {  	_ = 	snop;
	(pc) =	sbr.rel @p4 .LBB2_7-.Ltmp4, $1  }
0x76: {  	_ =	sdelay $0x3  }
0x77: {  	s2 =	simm.s32 $0x1400  }
0x78: {  	[tilespmem:s24], [sflag:$0x1] =	stream.indirect.gather [hbm4b:s1+s23], $0x80, s2, s23, $0xb8;
	[tilespmem:$0x1F480] =	vst v63  }
0x79: {  	s8 =	simm.s32 $0x1480  }
0x7a: {  	[tilespmem:s25], [sflag:$0x2] =	stream.indirect.gather [hbm4b:s1+s23], $0x80, s8, s23, $0xb8;
	[tilespmem:$0x1F480] =	vst v63  }
0x7b: {  	_ = 	snop  }
0x7c: {  	[tilespmem:s22], [sflag:$0x4] =	stream.linear.gather [hbm4b:s15+s4], $0x1400, $0x38;
	[tilespmem:$0x1F480] =	vst v63  }
0x7d: {  	_ =	swait.ge [sflag:s21], $0x1400  }
0x7e: {  	[sflag:s21] =	ssyncset.done $0x0  }
0x7f: {  	[sflag:s21] =	ssyncadd.s32 $0xFFFFEC00  }
0x80: {  	_ =	swait.ge [sflag:s26], $0x4000  }
0x81: {  	[sflag:s26] =	ssyncset.done $0x0  }
0x82: {  	s9 =	simm.s32 $0x2800;
	[sflag:s26] =	ssyncadd.s32 $0xFFFFC000  }
0x83: {  	[spmem:s3] =	stream.indirect.scatter.add.f32 [tilespmem:s24], [sflag:$0x4], $0x80, s9, s23, $0xb8;
	[tilespmem:$0x1F480] =	vst v63  }
0x84: {  	p4 =	sle.u32 s14, $0x2;
	_ =	swait.ge [sflag:s21], $0x4000  }
0x85: {  	s2 =	simm.s32 @!p4 $0x1500;
	[sflag:s21] =	ssyncset.done $0x0  }
0x86: {  	s6 =	simm.s32 @!p4 $0x80;
	s8 =	simm.s32 @!p4 $0x3C00;
	[sflag:s21] =	ssyncadd.s32 $0xFFFFC000  }
0x87: {  	[tilespmem:s8], [sflag:$0x1] =	stream.indirect.gather @!p4 [hbm4b:s1+s6], $0x80, s2, s6, $0xb8;
	[tilespmem:$0x1F480] =	vst v63  }
0x88: {  	_ =	swait.ge [sflag:s28], $0x4000  }
0x89: {  	s20 =	rddreg [dreg:$0x8]  }
0x8a: {  	s29 =	sadd.s32 $0x1, s20  }
0x8b: {  	s10 =	simm.s32 $0x2880;
	p6 =	seq.s32 s29, $0x0  }
.Ltmp5:
0x8c: {  	s30 =	simm.s32 $0x4;
	[sflag:s28] =	ssyncset.done $0x0;
	(pc) =	sbr.rel @p6 .LBB2_6-.Ltmp5, $4  }
0x8d: {  	s2 =	simm.s32 $0x1580;
	p4 =	sle.u32 s14, $0x3;
	[sflag:s28] =	ssyncadd.s32 $0xFFFFC000  }
0x8e: {  	[spmem:s3] =	stream.indirect.scatter.add.f32 [tilespmem:s25], [sflag:$0x4], $0x80, s10, s23, $0xb8;
	[tilespmem:$0x1F480] =	vst v63  }
0x8f: {  	s6 =	simm.s32 $0x1580;
	s8 =	simm.s32 @!p4 $0x80;
	_ =	swait.ge [sflag:s21], $0x4000  }
0x90: {  	s9 =	simm.s32 @!p4 $0x7C00;
	s20 =	simm.s32 $0x2980;
	[sflag:s21] =	ssyncset.done $0x0  }
.LBB2_5:
0x91: {  	s29 =	sadd.s32 $0x1, s29;
	[sflag:s21] =	ssyncadd.s32 $0xFFFFC000;
	s6 =	sadd.s32 $0x100, s6  }
0x92: {  	[tilespmem:s9], [sflag:$0x2] =	stream.indirect.gather @!p4 [hbm4b:s1+s8], $0x80, s2, s8, $0xb8;
	[tilespmem:$0x1F480] =	vst v63  }
0x93: {  	p6 =	seq.s32 s29, $0x0;
	s2 =	smov.u32 s6;
	_ =	swait.ge [sflag:s26], $0x4000  }
0x94: {  	s8 =	sadd.s32 $0xFFFFFF80, s20;
	[sflag:s26] =	ssyncset.done $0x0  }
0x95: {  	[sflag:s26] =	ssyncadd.s32 $0xFFFFC000  }
0x96: {  	[spmem:s3] =	stream.indirect.scatter.add.f32 [tilespmem:s24], [sflag:$0x4], $0x80, s8, s23, $0xb8;
	[tilespmem:$0x1F480] =	vst v63  }
0x97: {  	p4 =	sge.u32 s30, s14;
	_ =	swait.ge [sflag:s21], $0x4000  }
0x98: {  	s9 =	simm.s32 @!p4 $0x80;
	s8 =	sadd.s32 @!p4 $0xFFFFFF80, s6;
	[sflag:s21] =	ssyncset.done $0x0  }
0x99: {  	s10 =	simm.s32 @!p4 $0x3C00;
	[sflag:s21] =	ssyncadd.s32 $0xFFFFC000  }
0x9a: {  	[tilespmem:s10], [sflag:$0x1] =	stream.indirect.gather @!p4 [hbm4b:s1+s9], $0x80, s8, s9, $0xb8;
	[tilespmem:$0x1F480] =	vst v63  }
0x9b: {  	_ =	swait.ge [sflag:s28], $0x4000  }
.Ltmp6:
0x9c: {  	[sflag:s28] =	ssyncset.done $0x0;
	(pc) =	sbr.rel @!p6 .LBB2_5-.Ltmp6, $4  }
0x9d: {  	s8 =	sadd.s32 $0x1, s30;
	s30 =	sadd.s32 $0x2, s30;
	[sflag:s28] =	ssyncadd.s32 $0xFFFFC000  }
0x9e: {  	[spmem:s3] =	stream.indirect.scatter.add.f32 [tilespmem:s25], [sflag:$0x4], $0x80, s20, s23, $0xb8;
	[tilespmem:$0x1F480] =	vst v63  }
0x9f: {  	p4 =	sge.u32 s8, s14;
	s20 =	sadd.s32 $0x100, s20;
	_ =	swait.ge [sflag:s21], $0x4000  }
0xa0: {  	s8 =	simm.s32 @!p4 $0x80;
	s9 =	simm.s32 @!p4 $0x7C00;
	[sflag:s21] =	ssyncset.done $0x0  }
.LBB2_6:
.Ltmp7:
0xa1: {  	(pc) =	sbr.rel .LBB2_8-.Ltmp7, $3  }
0xa2: {  	_ =	sdelay $0x1  }
0xa3: {  	[sflag:s21] =	ssyncadd.s32 $0xFFFFC000  }
0xa4: {  	[tilespmem:s9], [sflag:$0x2] =	stream.indirect.gather @!p4 [hbm4b:s1+s8], $0x80, s2, s8, $0xb8;
	[tilespmem:$0x1F480] =	vst v63  }
.LBB2_9:
0xa5: {  	_ =	sfence.sel $0x180000  }
0xa6: {  	[bflag:$0x0] =	sbarrier.arrive $0xFFFF  }
0xa7: {  	_ =	strace $0x90000047  }
0xa8: {  	[bflag:$0x2] =	sbarrier.arrive $0xFFFF  }
0xa9: {  	p0 =	sne.s32 s0, $0x0;
	s0 =	rddreg [dreg:$0x3]  }
0xaa: {  	s0 =	sadd.s32 @!p0 $0x100000, s0  }
0xab: {  	[sflag:s0] =	ssyncadd.tile.s32 @!p0 $0x1;
	_ =	shalt  }
.Lfunc_end2:
_tile_overlayer_lowered:
.L_overlay_start_2:
0xac: {  	(tag) =	ssettag $0x2  }
0xad: {  	s0 =	rddreg [dreg:$0x0];
	s2 =	stileid.u32  }
0xae: {  	s1 =	rddreg [dreg:$0x1];
	p0 =	sne.s32 s2, $0x0  }
0xaf: {  	s3 =	rddreg [dreg:$0x2];
	[bflag:$0x3] =	sbarrier.arrive $0xFFFF;
	s2 =	simm.s32 @!p0 $0x1C04  }
0xb0: {  	[timem:s3], [sflag:s2] =	dma.local @!p0 [hbm:s0], s1  }
0xb1: {  	s0 =	simm.s32 @!p0 $0x4  }
0xb2: {  	_ =	swait.ge @!p0 [sflag:s0], s1  }
0xb3: {  	s1 =	ssub.s32 @!p0 $0x0, s1;
	[sflag:s0] =	ssyncset.done @!p0 $0x0  }
0xb4: {  	[sflag:s0] =	ssyncadd.s32 @!p0 s1  }
0xb5: {  	[bflag:$0x3] =	sbarrier.arrive $0xFFFF  }
0xb6: {  	_ =	shalt  }

</sc_bundles>
